<compile_context>
chip_gen: v7x
topology: tpu7x:2x2x1
jax: 0.10.2.dev20260603
libtpu: 0.0.44.dev20260713+nightly
codegen_flags: <defaults>
</compile_context>

<pallas_src>
import functools

import jax
import jax.numpy as jnp
from jax import lax
from jax.experimental import pallas as pl
from jax.experimental.pallas import tpu as pltpu
from jax.experimental.pallas import tpu_sc as plsc

N = 10000
D = 128
NC = 2
NS = 16
NW = NC * NS
CHUNK = 80
CPT = 125
NBUF = 4
DRING = NBUF + 1
PAD_SPREAD = 240
NPAD = 10240
RPT = NPAD // NS
ZR = 80
MMR = 1000


def _sc_mesh():
    return plsc.VectorSubcoreMesh(core_axis_name="c", subcore_axis_name="s")


@functools.partial(
    pl.kernel,
    out_type=jax.ShapeDtypeStruct((NC * NPAD,), jnp.float32),
    mesh=_sc_mesh(),
    scratch_types=[
        pltpu.VMEM((CPT, CHUNK), jnp.int32),
        pltpu.VMEM((CHUNK,), jnp.float32),
        pltpu.VMEM((RPT,), jnp.float32),
        pltpu.VMEM_SHARED((NPAD,), jnp.float32),
        pltpu.SemaphoreType.DMA,
    ],
)
def _sc_degree(dst_hbm, zeros_hbm, deg_hbm, idx_v, ones_v, stg_v, acc_sh, sem):
    c = lax.axis_index("c")
    s = lax.axis_index("s")
    w = s * NC + c
    base = w * CPT * CHUNK
    for k in range(CHUNK // 16):
        ones_v[pl.ds(16 * k, 16)] = jnp.full((16,), 1.0, dtype=jnp.float32)
    pltpu.sync_copy(zeros_hbm.at[pl.ds(0, RPT)], stg_v)
    pltpu.sync_copy(stg_v, acc_sh.at[pl.ds(s * RPT, RPT)])

    def load(j, carry):
        pltpu.async_copy(dst_hbm.at[pl.ds(base + j * CHUNK, CHUNK)],
                         idx_v.at[j], sem)
        return carry

    lax.fori_loop(0, CPT, load, 0)

    def ldrain(j, carry):
        pltpu.make_async_copy(dst_hbm.at[pl.ds(base, CHUNK)], idx_v.at[0],
                              sem).wait()
        return carry

    lax.fori_loop(0, CPT, ldrain, 0)
    plsc.subcore_barrier()

    def fire(j, carry):
        pltpu.async_copy(ones_v, acc_sh.at[idx_v.at[j]], sem, add=True)
        return carry

    lax.fori_loop(0, CPT, fire, 0)

    def drain(j, carry):
        pltpu.make_async_copy(ones_v, acc_sh.at[idx_v.at[0]], sem).wait()
        return carry

    lax.fori_loop(0, CPT, drain, 0)
    plsc.subcore_barrier()
    pltpu.sync_copy(acc_sh.at[pl.ds(s * RPT, RPT)], stg_v)
    pltpu.sync_copy(stg_v, deg_hbm.at[pl.ds(c * NPAD + s * RPT, RPT)])


@functools.partial(
    pl.kernel,
    out_type=jax.ShapeDtypeStruct((NC, NPAD, D), jnp.float32),
    mesh=_sc_mesh(),
    scratch_types=[
        pltpu.VMEM((NBUF, CHUNK), jnp.int32),
        pltpu.VMEM((DRING, CHUNK), jnp.int32),
        pltpu.VMEM((NBUF, CHUNK, D), jnp.float32),
        pltpu.VMEM_SHARED((NPAD, D), jnp.float32),
        pltpu.SemaphoreType.DMA((NBUF,)),
        pltpu.SemaphoreType.DMA((NBUF,)),
        pltpu.SemaphoreType.DMA((NBUF,)),
    ],
)
def _sc_scatter(hp_hbm, srcf_hbm, dstf_hbm, zeros_hbm, parts_hbm,
                sbuf, dring, rows, acc_sh, sem_g, sem_i, sem_s):
    c = lax.axis_index("c")
    s = lax.axis_index("s")
    w = s * NC + c
    stg0 = rows.at[0, pl.ds(0, ZR)]
    pltpu.sync_copy(zeros_hbm, stg0)
    for j in range(RPT // ZR):
        pltpu.async_copy(stg0, acc_sh.at[pl.ds(s * RPT + j * ZR, ZR)],
                         sem_s.at[0])
    for j in range(RPT // ZR):
        pltpu.make_async_copy(stg0, acc_sh.at[pl.ds(s * RPT, ZR)],
                              sem_s.at[0]).wait()
    plsc.subcore_barrier()

    base = w * CPT * CHUNK

    def src_at(j):
        return srcf_hbm.at[pl.ds(base + j * CHUNK, CHUNK)]

    def dst_at(j):
        return dstf_hbm.at[pl.ds(base + j * CHUNK, CHUNK)]

    for t in range(NBUF):
        pltpu.sync_copy(src_at(t), sbuf.at[t])
        pltpu.sync_copy(dst_at(t), dring.at[t])
    for t in range(NBUF - 1):
        pltpu.async_copy(hp_hbm.at[sbuf.at[t]], rows.at[t], sem_g.at[t])

    G = NBUF - 1

    def body(j, carry):
        k = lax.rem(j, NBUF)
        kg = lax.rem(j + G, NBUF)
        m = lax.rem(j, DRING)
        mp = lax.rem(j + NBUF, DRING)
        pltpu.make_async_copy(hp_hbm.at[sbuf.at[0]], rows.at[0],
                              sem_g.at[k]).wait()
        pltpu.async_copy(rows.at[k], acc_sh.at[dring.at[m]], sem_s.at[k],
                         add=True)

        @pl.when(jnp.logical_and(j >= 1, j + G < CPT))
        def _():
            pltpu.make_async_copy(src_at(0), sbuf.at[0], sem_i.at[kg]).wait()
            pltpu.make_async_copy(src_at(0), sbuf.at[0], sem_i.at[kg]).wait()
            pltpu.make_async_copy(rows.at[0], acc_sh.at[dring.at[0]],
                                  sem_s.at[kg]).wait()

        @pl.when(j + G < CPT)
        def _():
            pltpu.async_copy(hp_hbm.at[sbuf.at[kg]], rows.at[kg],
                             sem_g.at[kg])

        @pl.when(j + NBUF < CPT)
        def _():
            pltpu.async_copy(src_at(j + NBUF), sbuf.at[k], sem_i.at[k])
            pltpu.async_copy(dst_at(j + NBUF), dring.at[mp], sem_i.at[k])

        return carry

    lax.fori_loop(0, CPT, body, 0)
    for t in range(NBUF):
        pltpu.make_async_copy(rows.at[0], acc_sh.at[dring.at[0]],
                              sem_s.at[t]).wait()
    plsc.subcore_barrier()
    stgs = (rows.at[0, pl.ds(0, ZR)], rows.at[1, pl.ds(0, ZR)])
    for j in range(RPT // ZR):
        buf = stgs[j % 2]
        sem = sem_s.at[j % 2]
        if j >= 2:
            pltpu.make_async_copy(buf, parts_hbm.at[c, pl.ds(s * RPT, ZR)],
                                  sem).wait()
        pltpu.sync_copy(acc_sh.at[pl.ds(s * RPT + j * ZR, ZR)], buf)
        pltpu.async_copy(buf, parts_hbm.at[c, pl.ds(s * RPT + j * ZR, ZR)],
                         sem)
    for t in range(2):
        pltpu.make_async_copy(stgs[t], parts_hbm.at[c, pl.ds(s * RPT, ZR)],
                              sem_s.at[t]).wait()


def _mm_body(x_ref, w_ref, h_ref):
    h_ref[...] = jnp.dot(x_ref[...], w_ref[...],
                         preferred_element_type=jnp.float32)


def _tc_matmul(x, W):
    return pl.pallas_call(
        _mm_body,
        grid=(N // MMR,),
        in_specs=[
            pl.BlockSpec((MMR, D), lambda i: (i, 0)),
            pl.BlockSpec((D, D), lambda i: (0, 0)),
        ],
        out_specs=pl.BlockSpec((MMR, D), lambda i: (i, 0)),
        out_shape=jax.ShapeDtypeStruct((N, D), jnp.float32),
    )(x, W)


def _scale_body(h_ref, deg_ref, hp_ref):
    deg = jnp.sum(deg_ref[...], axis=1, keepdims=True) + 1.0
    hp_ref[...] = h_ref[...] * lax.rsqrt(deg)


def _tc_scale(h, deg2t):
    return pl.pallas_call(
        _scale_body,
        grid=(N // MMR,),
        in_specs=[
            pl.BlockSpec((MMR, D), lambda i: (i, 0)),
            pl.BlockSpec((MMR, NC), lambda i: (i, 0)),
        ],
        out_specs=pl.BlockSpec((MMR, D), lambda i: (i, 0)),
        out_shape=jax.ShapeDtypeStruct((N, D), jnp.float32),
    )(h, deg2t)


def _comb_body(parts_ref, h_ref, deg_ref, b_ref, out_ref):
    deg = jnp.sum(deg_ref[...], axis=1, keepdims=True) + 1.0
    dinv = lax.rsqrt(deg)
    out_ref[...] = ((parts_ref[0] + parts_ref[1]) * dinv
                    + h_ref[...] * (1.0 / deg) + b_ref[...])


def _tc_combine(parts, hp, deg2t, b2):
    return pl.pallas_call(
        _comb_body,
        grid=(N // MMR,),
        in_specs=[
            pl.BlockSpec((NC, MMR, D), lambda i: (0, i, 0)),
            pl.BlockSpec((MMR, D), lambda i: (i, 0)),
            pl.BlockSpec((MMR, NC), lambda i: (i, 0)),
            pl.BlockSpec((1, D), lambda i: (0, 0)),
        ],
        out_specs=pl.BlockSpec((MMR, D), lambda i: (i, 0)),
        out_shape=jax.ShapeDtypeStruct((N, D), jnp.float32),
    )(parts, hp, deg2t, b2)


def kernel(x, edge_index, W, b):
    src = edge_index[0].astype(jnp.int32)
    dst = edge_index[1].astype(jnp.int32)
    e = src.shape[0]
    epad = NW * CPT * CHUNK
    npe = epad - e
    pad_ids = jnp.arange(npe, dtype=jnp.int32) % PAD_SPREAD
    srcp = jnp.concatenate([src, pad_ids])
    dstf = jnp.concatenate([dst, N + pad_ids])
    zeros1 = jnp.zeros((RPT,), jnp.float32)
    zeros2 = jnp.zeros((ZR, D), jnp.float32)

    deg2 = _sc_degree(dstf, zeros1).reshape(NC, NPAD)
    h = _tc_matmul(x, W)
    deg2t = deg2[:, :N].T
    hp = _tc_scale(h, deg2t)
    parts = _sc_scatter(hp, srcp, dstf, zeros2)
    out = _tc_combine(parts, h, deg2t, b.reshape(1, D))
    return out.reshape(1, N, D)

# --- scband reference (transcript-rebuilt; emitter-appended) ---
"""Pipeline reference for scband-graph-neural-network-23235773071650 (READ-ONLY COPY).

The authoritative reference and input builder live on the scoring server;
editing this copy changes nothing except your own understanding.
"""

import jax, jax.numpy as jnp
import numpy as np

N_NODES = 10000
N_EDGES = 320000
D_IN = 128
D_OUT = 128


def setup_inputs(seed: int = 0) -> dict:
    key = jax.random.key(seed)
    k1, k2, k3 = jax.random.split(key, 3)
    x = jax.random.normal(k1, (N_NODES, D_IN), dtype=jnp.float32)
    edge_index = jax.random.randint(k2, (2, N_EDGES), 0, N_NODES, dtype=jnp.int64)
    # GCNConv linear weight (glorot-style init) and bias
    limit = float(np.sqrt(6.0 / (D_IN + D_OUT)))
    W = jax.random.uniform(k3, (D_IN, D_OUT), dtype=jnp.float32, minval=-limit, maxval=limit)
    b = jnp.zeros((D_OUT,), dtype=jnp.float32)
    return {"x": x, "edge_index": edge_index, "W": W, "b": b}


def reference(x, edge_index, W, b):
    # Single-layer GraphNeuralNetwork with variety='gcn' (PyG GCNConv, add aggr,
    # normalize=True, add_self_loops=True), applied to a Batch with num_graphs=1.
    N = x.shape[0]
    src = edge_index[0]
    dst = edge_index[1]
    # add self loops
    loop = jnp.arange(N, dtype=src.dtype)
    src = jnp.concatenate([src, loop])
    dst = jnp.concatenate([dst, loop])
    ew = jnp.ones(src.shape[0], dtype=x.dtype)
    # symmetric normalization: deg computed over destination nodes
    deg = jnp.zeros((N,), dtype=x.dtype).at[dst].add(ew)
    deg_inv_sqrt = deg ** -0.5
    deg_inv_sqrt = jnp.where(jnp.isinf(deg_inv_sqrt), 0.0, deg_inv_sqrt)
    norm = deg_inv_sqrt[src] * ew * deg_inv_sqrt[dst]
    # linear transform, then message passing (gather from src, scatter-add to dst)
    h = x @ W
    msg = h[src] * norm[:, None]
    out = jnp.zeros((N, h.shape[1]), dtype=h.dtype).at[dst].add(msg)
    out = out + b
    # features.view(num_graphs, -1, out_size) with num_graphs=1
    return out.reshape(1, -1, D_OUT)

if __name__ == "__main__":
    import jax
    _d = setup_inputs()
    print(jax.jit(kernel)(*tuple(_d.values())))

</pallas_src>

<mosaic_0001>
#map = affine_map<(d0, d1) -> (0)>
module attributes {stable_mosaic.version = 14 : i64} {
  func.func @_sc_degree(%arg0: i32, %arg1: i32, %arg2: memref<320000xi32, #tpu.memory_space<hbm>>, %arg3: memref<640xf32, #tpu.memory_space<hbm>>, %arg4: memref<20480xf32, #tpu.memory_space<hbm>>, %arg5: memref<125x80xi32, #tpu.memory_space<vmem>>, %arg6: memref<80xf32, #tpu.memory_space<vmem>>, %arg7: memref<640xf32, #tpu.memory_space<vmem>>, %arg8: memref<10240xf32, #tpu.memory_space<vmem_shared>>, %arg9: memref<!tpu.dma_semaphore, #tpu.memory_space<semaphore_mem>>) attributes {dimension_semantics = [#tpu.dimension_semantics<core_parallel>, #tpu.dimension_semantics<subcore_parallel>], iteration_bounds = array<i64: 2, 16>, scalar_prefetch = 0 : i64, scratch_operands = 5 : i64, tpu.core_type = #tpu.core_type<sc_vector_subcore>, window_params = [{transform_indices = #map}, {transform_indices = #map}, {transform_indices = #map}]} {
    %mul3A = arith.constant 2 : i32
    %mul3A_0 = arith.muli %arg1, %mul3A : i32
    %add3A = arith.addi %mul3A_0, %arg0 : i32
    %mul3A_1 = arith.constant 125 : i32
    %mul3A_2 = arith.muli %add3A, %mul3A_1 : i32
    %mul3A_3 = arith.constant 80 : i32
    %mul3A_4 = arith.muli %mul3A_2, %mul3A_3 : i32
    %broadcast_in_dim3A = arith.constant 1.000000e+00 : f32
    %broadcast_in_dim3A_5 = vector.broadcast %broadcast_in_dim3A : f32 to vector<16xf32>
    %swap3A = arith.constant 0 : index
    %swap3A_6 = tpu.vector_load %arg6[%swap3A] {strides = array<i32>} : memref<80xf32, #tpu.memory_space<vmem>>, vector<16xf32>,
    %swap3A_7 = vector.shape_cast %swap3A_6 : vector<16xf32> to vector<16xf32>
    %swap3A_8 = vector.shape_cast %broadcast_in_dim3A_5 : vector<16xf32> to vector<16xf32>
    tpu.vector_store %arg6[%swap3A], %swap3A_8 {strides = array<i32>} : memref<80xf32, #tpu.memory_space<vmem>>, vector<16xf32>,
    %broadcast_in_dim3A_9 = arith.constant 1.000000e+00 : f32
    %broadcast_in_dim3A_10 = vector.broadcast %broadcast_in_dim3A_9 : f32 to vector<16xf32>
    %swap3A_11 = arith.constant 16 : index
    %swap3A_12 = tpu.vector_load %arg6[%swap3A_11] {strides = array<i32>} : memref<80xf32, #tpu.memory_space<vmem>>, vector<16xf32>,
    %swap3A_13 = vector.shape_cast %swap3A_12 : vector<16xf32> to vector<16xf32>
    %swap3A_14 = vector.shape_cast %broadcast_in_dim3A_10 : vector<16xf32> to vector<16xf32>
    tpu.vector_store %arg6[%swap3A_11], %swap3A_14 {strides = array<i32>} : memref<80xf32, #tpu.memory_space<vmem>>, vector<16xf32>,
    %broadcast_in_dim3A_15 = arith.constant 1.000000e+00 : f32
    %broadcast_in_dim3A_16 = vector.broadcast %broadcast_in_dim3A_15 : f32 to vector<16xf32>
    %swap3A_17 = arith.constant 32 : index
    %swap3A_18 = tpu.vector_load %arg6[%swap3A_17] {strides = array<i32>} : memref<80xf32, #tpu.memory_space<vmem>>, vector<16xf32>,
    %swap3A_19 = vector.shape_cast %swap3A_18 : vector<16xf32> to vector<16xf32>
    %swap3A_20 = vector.shape_cast %broadcast_in_dim3A_16 : vector<16xf32> to vector<16xf32>
    tpu.vector_store %arg6[%swap3A_17], %swap3A_20 {strides = array<i32>} : memref<80xf32, #tpu.memory_space<vmem>>, vector<16xf32>,
    %broadcast_in_dim3A_21 = arith.constant 1.000000e+00 : f32
    %broadcast_in_dim3A_22 = vector.broadcast %broadcast_in_dim3A_21 : f32 to vector<16xf32>
    %swap3A_23 = arith.constant 48 : index
    %swap3A_24 = tpu.vector_load %arg6[%swap3A_23] {strides = array<i32>} : memref<80xf32, #tpu.memory_space<vmem>>, vector<16xf32>,
    %swap3A_25 = vector.shape_cast %swap3A_24 : vector<16xf32> to vector<16xf32>
    %swap3A_26 = vector.shape_cast %broadcast_in_dim3A_22 : vector<16xf32> to vector<16xf32>
    tpu.vector_store %arg6[%swap3A_23], %swap3A_26 {strides = array<i32>} : memref<80xf32, #tpu.memory_space<vmem>>, vector<16xf32>,
    %broadcast_in_dim3A_27 = arith.constant 1.000000e+00 : f32
    %broadcast_in_dim3A_28 = vector.broadcast %broadcast_in_dim3A_27 : f32 to vector<16xf32>
    %swap3A_29 = arith.constant 64 : index
    %swap3A_30 = tpu.vector_load %arg6[%swap3A_29] {strides = array<i32>} : memref<80xf32, #tpu.memory_space<vmem>>, vector<16xf32>,
    %swap3A_31 = vector.shape_cast %swap3A_30 : vector<16xf32> to vector<16xf32>
    %swap3A_32 = vector.shape_cast %broadcast_in_dim3A_28 : vector<16xf32> to vector<16xf32>
    tpu.vector_store %arg6[%swap3A_29], %swap3A_32 {strides = array<i32>} : memref<80xf32, #tpu.memory_space<vmem>>, vector<16xf32>,
    "tpu.region"() ({
      %run_scoped3A = tpu.sem_alloc : memref<!tpu.dma_semaphore, #tpu.memory_space<semaphore_mem>>
      %dma_start3A = arith.constant 0 : i32
      %dma_start3A_66 = tpu.memref_slice %arg3[%dma_start3A] : memref<640xf32, #tpu.memory_space<hbm>> -> memref<640xf32, #tpu.memory_space<hbm>>
      %dma_start3A_67 = arith.constant 0 : i32
      %dma_start3A_68 = tpu.memref_slice %arg3[%dma_start3A_67] : memref<640xf32, #tpu.memory_space<hbm>> -> memref<640xf32, #tpu.memory_space<hbm>>
      tpu.enqueue_dma source(%dma_start3A_68 : memref<640xf32, #tpu.memory_space<hbm>>) target(%arg7 : memref<640xf32, #tpu.memory_space<vmem>>) target_semaphore(%run_scoped3A : memref<!tpu.dma_semaphore, #tpu.memory_space<semaphore_mem>>)
      %dma_wait3A = arith.constant 0 : i32
      %dma_wait3A_69 = tpu.memref_slice %arg3[%dma_wait3A] : memref<640xf32, #tpu.memory_space<hbm>> -> memref<640xf32, #tpu.memory_space<hbm>>
      %dma_wait3A_70 = arith.constant 0 : i32
      %dma_wait3A_71 = tpu.memref_slice %arg3[%dma_wait3A_70] : memref<640xf32, #tpu.memory_space<hbm>> -> memref<640xf32, #tpu.memory_space<hbm>>
      tpu.wait_dma2 semaphore(%run_scoped3A : memref<!tpu.dma_semaphore, #tpu.memory_space<semaphore_mem>>) src(%dma_wait3A_71 : memref<640xf32, #tpu.memory_space<hbm>>) dst(%arg7 : memref<640xf32, #tpu.memory_space<vmem>>)
      tpu.yield
    }) : () -> ()
    %mul3A_33 = arith.constant 640 : i32
    %mul3A_34 = arith.muli %arg1, %mul3A_33 : i32
    "tpu.region"() ({
      %run_scoped3A = tpu.sem_alloc : memref<!tpu.dma_semaphore, #tpu.memory_space<semaphore_mem>>
      %dma_start3A = tpu.memref_slice %arg8[%mul3A_34] : memref<10240xf32, #tpu.memory_space<vmem_shared>> -> memref<640xf32, #tpu.memory_space<vmem_shared>>
      %dma_start3A_66 = tpu.memref_slice %arg8[%mul3A_34] : memref<10240xf32, #tpu.memory_space<vmem_shared>> -> memref<640xf32, #tpu.memory_space<vmem_shared>>
      tpu.enqueue_dma source(%arg7 : memref<640xf32, #tpu.memory_space<vmem>>) target(%dma_start3A_66 : memref<640xf32, #tpu.memory_space<vmem_shared>>) target_semaphore(%run_scoped3A : memref<!tpu.dma_semaphore, #tpu.memory_space<semaphore_mem>>)
      %dma_wait3A = tpu.memref_slice %arg8[%mul3A_34] : memref<10240xf32, #tpu.memory_space<vmem_shared>> -> memref<640xf32, #tpu.memory_space<vmem_shared>>
      %dma_wait3A_67 = tpu.memref_slice %arg8[%mul3A_34] : memref<10240xf32, #tpu.memory_space<vmem_shared>> -> memref<640xf32, #tpu.memory_space<vmem_shared>>
      tpu.wait_dma2 semaphore(%run_scoped3A : memref<!tpu.dma_semaphore, #tpu.memory_space<semaphore_mem>>) src(%arg7 : memref<640xf32, #tpu.memory_space<vmem>>) dst(%dma_wait3A_67 : memref<640xf32, #tpu.memory_space<vmem_shared>>)
      tpu.yield
    }) : () -> ()
    %scan3A = arith.constant 0 : i32
    %scan3A_35 = arith.constant 0 : i32
    %scan3A_36 = arith.constant 125 : i32
    %scan3A_37 = arith.addi %scan3A_35, %scan3A_36 : i32
    %scan3A_38 = arith.constant 1 : i32
    scf.for %scan3A_66 = %scan3A_35 to %scan3A_37 step %scan3A_38  : i32 {
      %mul3A_67 = arith.constant 80 : i32
      %mul3A_68 = arith.muli %scan3A_66, %mul3A_67 : i32
      %add3A_69 = arith.addi %mul3A_4, %mul3A_68 : i32
      %dma_start3A = arith.constant 0 : i32
      %dma_start3A_70 = tpu.memref_slice %arg5[%scan3A_66, %dma_start3A] : memref<125x80xi32, #tpu.memory_space<vmem>> -> memref<1x80xi32, #tpu.memory_space<vmem>>
      %dma_start3A_71 = tpu.memref_squeeze %dma_start3A_70 : memref<1x80xi32, #tpu.memory_space<vmem>> -> memref<80xi32, #tpu.memory_space<vmem>>
      %dma_start3A_72 = tpu.memref_slice %arg2[%add3A_69] : memref<320000xi32, #tpu.memory_space<hbm>> -> memref<80xi32, #tpu.memory_space<hbm>>
      %dma_start3A_73 = arith.constant 0 : i32
      %dma_start3A_74 = tpu.memref_slice %arg5[%scan3A_66, %dma_start3A_73] : memref<125x80xi32, #tpu.memory_space<vmem>> -> memref<1x80xi32, #tpu.memory_space<vmem>>
      %dma_start3A_75 = tpu.memref_squeeze %dma_start3A_74 : memref<1x80xi32, #tpu.memory_space<vmem>> -> memref<80xi32, #tpu.memory_space<vmem>>
      %dma_start3A_76 = tpu.memref_slice %arg2[%add3A_69] : memref<320000xi32, #tpu.memory_space<hbm>> -> memref<80xi32, #tpu.memory_space<hbm>>
      tpu.enqueue_dma source(%dma_start3A_76 : memref<80xi32, #tpu.memory_space<hbm>>) target(%dma_start3A_75 : memref<80xi32, #tpu.memory_space<vmem>>) target_semaphore(%arg9 : memref<!tpu.dma_semaphore, #tpu.memory_space<semaphore_mem>>)
    }
    %scan3A_39 = arith.constant 125 : i32
    %scan3A_40 = arith.constant 0 : i32
    %scan3A_41 = arith.constant 0 : i32
    %scan3A_42 = arith.constant 125 : i32
    %scan3A_43 = arith.addi %scan3A_41, %scan3A_42 : i32
    %scan3A_44 = arith.constant 1 : i32
    scf.for %scan3A_66 = %scan3A_41 to %scan3A_43 step %scan3A_44  : i32 {
      %dma_wait3A = arith.constant 0 : i32
      %dma_wait3A_67 = arith.constant 0 : i32
      %dma_wait3A_68 = tpu.memref_slice %arg5[%dma_wait3A, %dma_wait3A_67] : memref<125x80xi32, #tpu.memory_space<vmem>> -> memref<1x80xi32, #tpu.memory_space<vmem>>
      %dma_wait3A_69 = tpu.memref_squeeze %dma_wait3A_68 : memref<1x80xi32, #tpu.memory_space<vmem>> -> memref<80xi32, #tpu.memory_space<vmem>>
      %dma_wait3A_70 = tpu.memref_slice %arg2[%mul3A_4] : memref<320000xi32, #tpu.memory_space<hbm>> -> memref<80xi32, #tpu.memory_space<hbm>>
      %dma_wait3A_71 = arith.constant 0 : i32
      %dma_wait3A_72 = tpu.memref_slice %arg5[%dma_wait3A, %dma_wait3A_71] : memref<125x80xi32, #tpu.memory_space<vmem>> -> memref<1x80xi32, #tpu.memory_space<vmem>>
      %dma_wait3A_73 = tpu.memref_squeeze %dma_wait3A_72 : memref<1x80xi32, #tpu.memory_space<vmem>> -> memref<80xi32, #tpu.memory_space<vmem>>
      %dma_wait3A_74 = tpu.memref_slice %arg2[%mul3A_4] : memref<320000xi32, #tpu.memory_space<hbm>> -> memref<80xi32, #tpu.memory_space<hbm>>
      tpu.wait_dma2 semaphore(%arg9 : memref<!tpu.dma_semaphore, #tpu.memory_space<semaphore_mem>>) src(%dma_wait3A_74 : memref<80xi32, #tpu.memory_space<hbm>>) dst(%dma_wait3A_73 : memref<80xi32, #tpu.memory_space<vmem>>)
    }
    %scan3A_45 = arith.constant 125 : i32
    %barrier3A = arith.constant 0 : index
    tpu.barrier barrier_id(%barrier3A)
    %scan3A_46 = arith.constant 0 : i32
    %scan3A_47 = arith.constant 0 : i32
    %scan3A_48 = arith.constant 125 : i32
    %scan3A_49 = arith.addi %scan3A_47, %scan3A_48 : i32
    %scan3A_50 = arith.constant 1 : i32
    scf.for %scan3A_66 = %scan3A_47 to %scan3A_49 step %scan3A_50  : i32 {
      %dma_start3A = arith.constant 0 : i32
      %dma_start3A_67 = tpu.memref_slice %arg5[%scan3A_66, %dma_start3A] : memref<125x80xi32, #tpu.memory_space<vmem>> -> memref<1x80xi32, #tpu.memory_space<vmem>>
      %dma_start3A_68 = tpu.memref_squeeze %dma_start3A_67 : memref<1x80xi32, #tpu.memory_space<vmem>> -> memref<80xi32, #tpu.memory_space<vmem>>
      %dma_start3A_69 = arith.constant 0 : i32
      %dma_start3A_70 = tpu.memref_slice %arg8[%dma_start3A_69] : memref<10240xf32, #tpu.memory_space<vmem_shared>> -> memref<10240xf32, #tpu.memory_space<vmem_shared>>
      tpu.enqueue_indirect_dma source(%arg6 : memref<80xf32, #tpu.memory_space<vmem>>) target(%dma_start3A_70 : memref<10240xf32, #tpu.memory_space<vmem_shared>>) offsets(%dma_start3A_68 : memref<80xi32, #tpu.memory_space<vmem>>) semaphore(%arg9 : memref<!tpu.dma_semaphore, #tpu.memory_space<semaphore_mem>>) {add = true}
    }
    %scan3A_51 = arith.constant 125 : i32
    %scan3A_52 = arith.constant 0 : i32
    %scan3A_53 = arith.constant 0 : i32
    %scan3A_54 = arith.constant 125 : i32
    %scan3A_55 = arith.addi %scan3A_53, %scan3A_54 : i32
    %scan3A_56 = arith.constant 1 : i32
    scf.for %scan3A_66 = %scan3A_53 to %scan3A_55 step %scan3A_56  : i32 {
      %dma_wait3A = arith.constant 0 : i32
      %dma_wait3A_67 = arith.constant 0 : i32
      %dma_wait3A_68 = tpu.memref_slice %arg5[%dma_wait3A, %dma_wait3A_67] : memref<125x80xi32, #tpu.memory_space<vmem>> -> memref<1x80xi32, #tpu.memory_space<vmem>>
      %dma_wait3A_69 = tpu.memref_squeeze %dma_wait3A_68 : memref<1x80xi32, #tpu.memory_space<vmem>> -> memref<80xi32, #tpu.memory_space<vmem>>
      %dma_wait3A_70 = arith.constant 0 : i32
      %dma_wait3A_71 = tpu.memref_slice %arg8[%dma_wait3A_70] : memref<10240xf32, #tpu.memory_space<vmem_shared>> -> memref<10240xf32, #tpu.memory_space<vmem_shared>>
      tpu.wait_indirect_dma semaphore(%arg9 : memref<!tpu.dma_semaphore, #tpu.memory_space<semaphore_mem>>) src(%arg6 : memref<80xf32, #tpu.memory_space<vmem>>) dst(%dma_wait3A_71 : memref<10240xf32, #tpu.memory_space<vmem_shared>>)
    }
    %scan3A_57 = arith.constant 125 : i32
    %barrier3A_58 = arith.constant 0 : index
    tpu.barrier barrier_id(%barrier3A_58)
    %mul3A_59 = arith.constant 640 : i32
    %mul3A_60 = arith.muli %arg1, %mul3A_59 : i32
    "tpu.region"() ({
      %run_scoped3A = tpu.sem_alloc : memref<!tpu.dma_semaphore, #tpu.memory_space<semaphore_mem>>
      %dma_start3A = tpu.memref_slice %arg8[%mul3A_60] : memref<10240xf32, #tpu.memory_space<vmem_shared>> -> memref<640xf32, #tpu.memory_space<vmem_shared>>
      %dma_start3A_66 = tpu.memref_slice %arg8[%mul3A_60] : memref<10240xf32, #tpu.memory_space<vmem_shared>> -> memref<640xf32, #tpu.memory_space<vmem_shared>>
      tpu.enqueue_dma source(%dma_start3A_66 : memref<640xf32, #tpu.memory_space<vmem_shared>>) target(%arg7 : memref<640xf32, #tpu.memory_space<vmem>>) target_semaphore(%run_scoped3A : memref<!tpu.dma_semaphore, #tpu.memory_space<semaphore_mem>>)
      %dma_wait3A = tpu.memref_slice %arg8[%mul3A_60] : memref<10240xf32, #tpu.memory_space<vmem_shared>> -> memref<640xf32, #tpu.memory_space<vmem_shared>>
      %dma_wait3A_67 = tpu.memref_slice %arg8[%mul3A_60] : memref<10240xf32, #tpu.memory_space<vmem_shared>> -> memref<640xf32, #tpu.memory_space<vmem_shared>>
      tpu.wait_dma2 semaphore(%run_scoped3A : memref<!tpu.dma_semaphore, #tpu.memory_space<semaphore_mem>>) src(%dma_wait3A_67 : memref<640xf32, #tpu.memory_space<vmem_shared>>) dst(%arg7 : memref<640xf32, #tpu.memory_space<vmem>>)
      tpu.yield
    }) : () -> ()
    %mul3A_61 = arith.constant 10240 : i32
    %mul3A_62 = arith.muli %arg0, %mul3A_61 : i32
    %mul3A_63 = arith.constant 640 : i32
    %mul3A_64 = arith.muli %arg1, %mul3A_63 : i32
    %add3A_65 = arith.addi %mul3A_62, %mul3A_64 : i32
    "tpu.region"() ({
      %run_scoped3A = tpu.sem_alloc : memref<!tpu.dma_semaphore, #tpu.memory_space<semaphore_mem>>
      %dma_start3A = tpu.memref_slice %arg4[%add3A_65] : memref<20480xf32, #tpu.memory_space<hbm>> -> memref<640xf32, #tpu.memory_space<hbm>>
      %dma_start3A_66 = tpu.memref_slice %arg4[%add3A_65] : memref<20480xf32, #tpu.memory_space<hbm>> -> memref<640xf32, #tpu.memory_space<hbm>>
      tpu.enqueue_dma source(%arg7 : memref<640xf32, #tpu.memory_space<vmem>>) target(%dma_start3A_66 : memref<640xf32, #tpu.memory_space<hbm>>) target_semaphore(%run_scoped3A : memref<!tpu.dma_semaphore, #tpu.memory_space<semaphore_mem>>)
      %dma_wait3A = tpu.memref_slice %arg4[%add3A_65] : memref<20480xf32, #tpu.memory_space<hbm>> -> memref<640xf32, #tpu.memory_space<hbm>>
      %dma_wait3A_67 = tpu.memref_slice %arg4[%add3A_65] : memref<20480xf32, #tpu.memory_space<hbm>> -> memref<640xf32, #tpu.memory_space<hbm>>
      tpu.wait_dma2 semaphore(%run_scoped3A : memref<!tpu.dma_semaphore, #tpu.memory_space<semaphore_mem>>) src(%arg7 : memref<640xf32, #tpu.memory_space<vmem>>) dst(%dma_wait3A_67 : memref<640xf32, #tpu.memory_space<hbm>>)
      tpu.yield
    }) : () -> ()
    return
  }
}

#map = affine_map<(d0, d1) -> (0, 0)>
#map1 = affine_map<(d0, d1) -> (0)>
#map2 = affine_map<(d0, d1) -> (0, 0, 0)>
module attributes {stable_mosaic.version = 14 : i64} {
  func.func @_sc_scatter(%arg0: i32, %arg1: i32, %arg2: memref<10000x128xf32, #tpu.memory_space<hbm>>, %arg3: memref<320000xi32, #tpu.memory_space<hbm>>, %arg4: memref<320000xi32, #tpu.memory_space<hbm>>, %arg5: memref<80x128xf32, #tpu.memory_space<hbm>>, %arg6: memref<2x10240x128xf32, #tpu.memory_space<hbm>>, %arg7: memref<4x80xi32, #tpu.memory_space<vmem>>, %arg8: memref<5x80xi32, #tpu.memory_space<vmem>>, %arg9: memref<4x80x128xf32, #tpu.memory_space<vmem>>, %arg10: memref<10240x128xf32, #tpu.memory_space<vmem_shared>>, %arg11: memref<4x!tpu.dma_semaphore, #tpu.memory_space<semaphore_mem>>, %arg12: memref<4x!tpu.dma_semaphore, #tpu.memory_space<semaphore_mem>>, %arg13: memref<4x!tpu.dma_semaphore, #tpu.memory_space<semaphore_mem>>) attributes {dimension_semantics = [#tpu.dimension_semantics<core_parallel>, #tpu.dimension_semantics<subcore_parallel>], iteration_bounds = array<i64: 2, 16>, scalar_prefetch = 0 : i64, scratch_operands = 7 : i64, tpu.core_type = #tpu.core_type<sc_vector_subcore>, window_params = [{transform_indices = #map}, {transform_indices = #map1}, {transform_indices = #map1}, {transform_indices = #map}, {transform_indices = #map2}]} {
    %mul3A = arith.constant 2 : i32
    %mul3A_0 = arith.muli %arg1, %mul3A : i32
    %add3A = arith.addi %mul3A_0, %arg0 : i32
    %run_scoped3A = arith.constant 0 : i32
    "tpu.region"() ({
      %run_scoped3A_818 = tpu.sem_alloc : memref<!tpu.dma_semaphore, #tpu.memory_space<semaphore_mem>>
      %dma_start3A_819 = arith.constant 0 : i32
      %dma_start3A_820 = arith.constant 0 : i32
      %dma_start3A_821 = tpu.memref_slice %arg9[%run_scoped3A, %dma_start3A_819, %dma_start3A_820] : memref<4x80x128xf32, #tpu.memory_space<vmem>> -> memref<1x80x128xf32, #tpu.memory_space<vmem>>
      %dma_start3A_822 = tpu.memref_squeeze %dma_start3A_821 : memref<1x80x128xf32, #tpu.memory_space<vmem>> -> memref<80x128xf32, #tpu.memory_space<vmem>>
      %dma_start3A_823 = arith.constant 0 : i32
      %dma_start3A_824 = arith.constant 0 : i32
      %dma_start3A_825 = tpu.memref_slice %arg9[%run_scoped3A, %dma_start3A_823, %dma_start3A_824] : memref<4x80x128xf32, #tpu.memory_space<vmem>> -> memref<1x80x128xf32, #tpu.memory_space<vmem>>
      %dma_start3A_826 = tpu.memref_squeeze %dma_start3A_825 : memref<1x80x128xf32, #tpu.memory_space<vmem>> -> memref<80x128xf32, #tpu.memory_space<vmem>>
      tpu.enqueue_dma source(%arg5 : memref<80x128xf32, #tpu.memory_space<hbm>>) target(%dma_start3A_826 : memref<80x128xf32, #tpu.memory_space<vmem>>) target_semaphore(%run_scoped3A_818 : memref<!tpu.dma_semaphore, #tpu.memory_space<semaphore_mem>>)
      %dma_wait3A_827 = arith.constant 0 : i32
      %dma_wait3A_828 = arith.constant 0 : i32
      %dma_wait3A_829 = tpu.memref_slice %arg9[%run_scoped3A, %dma_wait3A_827, %dma_wait3A_828] : memref<4x80x128xf32, #tpu.memory_space<vmem>> -> memref<1x80x128xf32, #tpu.memory_space<vmem>>
      %dma_wait3A_830 = tpu.memref_squeeze %dma_wait3A_829 : memref<1x80x128xf32, #tpu.memory_space<vmem>> -> memref<80x128xf32, #tpu.memory_space<vmem>>
      %dma_wait3A_831 = arith.constant 0 : i32
      %dma_wait3A_832 = arith.constant 0 : i32
      %dma_wait3A_833 = tpu.memref_slice %arg9[%run_scoped3A, %dma_wait3A_831, %dma_wait3A_832] : memref<4x80x128xf32, #tpu.memory_space<vmem>> -> memref<1x80x128xf32, #tpu.memory_space<vmem>>
      %dma_wait3A_834 = tpu.memref_squeeze %dma_wait3A_833 : memref<1x80x128xf32, #tpu.memory_space<vmem>> -> memref<80x128xf32, #tpu.memory_space<vmem>>
      tpu.wait_dma2 semaphore(%run_scoped3A_818 : memref<!tpu.dma_semaphore, #tpu.memory_space<semaphore_mem>>) src(%arg5 : memref<80x128xf32, #tpu.memory_space<hbm>>) dst(%dma_wait3A_834 : memref<80x128xf32, #tpu.memory_space<vmem>>)
      tpu.yield
    }) : () -> ()
    %mul3A_1 = arith.constant 640 : i32
    %mul3A_2 = arith.muli %arg1, %mul3A_1 : i32
    %add3A_3 = arith.constant 0 : i32
    %add3A_4 = arith.addi %mul3A_2, %add3A_3 : i32
    %dma_start3A = arith.constant 0 : i32
    %dma_start3A_5 = arith.constant 0 : i32
    %dma_start3A_6 = arith.constant 0 : i32
    %dma_start3A_7 = arith.constant 0 : i32
    %dma_start3A_8 = tpu.memref_slice %arg9[%dma_start3A, %dma_start3A_6, %dma_start3A_7] : memref<4x80x128xf32, #tpu.memory_space<vmem>> -> memref<1x80x128xf32, #tpu.memory_space<vmem>>
    %dma_start3A_9 = tpu.memref_squeeze %dma_start3A_8 : memref<1x80x128xf32, #tpu.memory_space<vmem>> -> memref<80x128xf32, #tpu.memory_space<vmem>>
    %dma_start3A_10 = arith.constant 0 : i32
    %dma_start3A_11 = tpu.memref_slice %arg10[%add3A_4, %dma_start3A_10] : memref<10240x128xf32, #tpu.memory_space<vmem_shared>> -> memref<80x128xf32, #tpu.memory_space<vmem_shared>>
    %dma_start3A_12 = tpu.memref_slice %arg13[%dma_start3A_5] : memref<4x!tpu.dma_semaphore, #tpu.memory_space<semaphore_mem>> -> memref<1x!tpu.dma_semaphore, #tpu.memory_space<semaphore_mem>>
    %dma_start3A_13 = tpu.memref_squeeze %dma_start3A_12 : memref<1x!tpu.dma_semaphore, #tpu.memory_space<semaphore_mem>> -> memref<!tpu.dma_semaphore, #tpu.memory_space<semaphore_mem>>
    %dma_start3A_14 = arith.constant 0 : i32
    %dma_start3A_15 = tpu.memref_slice %arg10[%add3A_4, %dma_start3A_14] : memref<10240x128xf32, #tpu.memory_space<vmem_shared>> -> memref<80x128xf32, #tpu.memory_space<vmem_shared>>
    %dma_start3A_16 = arith.constant 0 : i32
    %dma_start3A_17 = arith.constant 0 : i32
    %dma_start3A_18 = tpu.memref_slice %arg9[%dma_start3A, %dma_start3A_16, %dma_start3A_17] : memref<4x80x128xf32, #tpu.memory_space<vmem>> -> memref<1x80x128xf32, #tpu.memory_space<vmem>>
    %dma_start3A_19 = tpu.memref_squeeze %dma_start3A_18 : memref<1x80x128xf32, #tpu.memory_space<vmem>> -> memref<80x128xf32, #tpu.memory_space<vmem>>
    tpu.enqueue_dma source(%dma_start3A_19 : memref<80x128xf32, #tpu.memory_space<vmem>>) target(%dma_start3A_15 : memref<80x128xf32, #tpu.memory_space<vmem_shared>>) target_semaphore(%dma_start3A_13 : memref<!tpu.dma_semaphore, #tpu.memory_space<semaphore_mem>>)
    %mul3A_20 = arith.constant 640 : i32
    %mul3A_21 = arith.muli %arg1, %mul3A_20 : i32
    %add3A_22 = arith.constant 80 : i32
    %add3A_23 = arith.addi %mul3A_21, %add3A_22 : i32
    %dma_start3A_24 = arith.constant 0 : i32
    %dma_start3A_25 = arith.constant 0 : i32
    %dma_start3A_26 = arith.constant 0 : i32
    %dma_start3A_27 = arith.constant 0 : i32
    %dma_start3A_28 = tpu.memref_slice %arg9[%dma_start3A_24, %dma_start3A_26, %dma_start3A_27] : memref<4x80x128xf32, #tpu.memory_space<vmem>> -> memref<1x80x128xf32, #tpu.memory_space<vmem>>
    %dma_start3A_29 = tpu.memref_squeeze %dma_start3A_28 : memref<1x80x128xf32, #tpu.memory_space<vmem>> -> memref<80x128xf32, #tpu.memory_space<vmem>>
    %dma_start3A_30 = arith.constant 0 : i32
    %dma_start3A_31 = tpu.memref_slice %arg10[%add3A_23, %dma_start3A_30] : memref<10240x128xf32, #tpu.memory_space<vmem_shared>> -> memref<80x128xf32, #tpu.memory_space<vmem_shared>>
    %dma_start3A_32 = tpu.memref_slice %arg13[%dma_start3A_25] : memref<4x!tpu.dma_semaphore, #tpu.memory_space<semaphore_mem>> -> memref<1x!tpu.dma_semaphore, #tpu.memory_space<semaphore_mem>>
    %dma_start3A_33 = tpu.memref_squeeze %dma_start3A_32 : memref<1x!tpu.dma_semaphore, #tpu.memory_space<semaphore_mem>> -> memref<!tpu.dma_semaphore, #tpu.memory_space<semaphore_mem>>
    %dma_start3A_34 = arith.constant 0 : i32
    %dma_start3A_35 = tpu.memref_slice %arg10[%add3A_23, %dma_start3A_34] : memref<10240x128xf32, #tpu.memory_space<vmem_shared>> -> memref<80x128xf32, #tpu.memory_space<vmem_shared>>
    %dma_start3A_36 = arith.constant 0 : i32
    %dma_start3A_37 = arith.constant 0 : i32
    %dma_start3A_38 = tpu.memref_slice %arg9[%dma_start3A_24, %dma_start3A_36, %dma_start3A_37] : memref<4x80x128xf32, #tpu.memory_space<vmem>> -> memref<1x80x128xf32, #tpu.memory_space<vmem>>
    %dma_start3A_39 = tpu.memref_squeeze %dma_start3A_38 : memref<1x80x128xf32, #tpu.memory_space<vmem>> -> memref<80x128xf32, #tpu.memory_space<vmem>>
    tpu.enqueue_dma source(%dma_start3A_39 : memref<80x128xf32, #tpu.memory_space<vmem>>) target(%dma_start3A_35 : memref<80x128xf32, #tpu.memory_space<vmem_shared>>) target_semaphore(%dma_start3A_33 : memref<!tpu.dma_semaphore, #tpu.memory_space<semaphore_mem>>)
    %mul3A_40 = arith.constant 640 : i32
    %mul3A_41 = arith.muli %arg1, %mul3A_40 : i32
    %add3A_42 = arith.constant 160 : i32
    %add3A_43 = arith.addi %mul3A_41, %add3A_42 : i32
    %dma_start3A_44 = arith.constant 0 : i32
    %dma_start3A_45 = arith.constant 0 : i32
    %dma_start3A_46 = arith.constant 0 : i32
    %dma_start3A_47 = arith.constant 0 : i32
    %dma_start3A_48 = tpu.memref_slice %arg9[%dma_start3A_44, %dma_start3A_46, %dma_start3A_47] : memref<4x80x128xf32, #tpu.memory_space<vmem>> -> memref<1x80x128xf32, #tpu.memory_space<vmem>>
    %dma_start3A_49 = tpu.memref_squeeze %dma_start3A_48 : memref<1x80x128xf32, #tpu.memory_space<vmem>> -> memref<80x128xf32, #tpu.memory_space<vmem>>
    %dma_start3A_50 = arith.constant 0 : i32
    %dma_start3A_51 = tpu.memref_slice %arg10[%add3A_43, %dma_start3A_50] : memref<10240x128xf32, #tpu.memory_space<vmem_shared>> -> memref<80x128xf32, #tpu.memory_space<vmem_shared>>
    %dma_start3A_52 = tpu.memref_slice %arg13[%dma_start3A_45] : memref<4x!tpu.dma_semaphore, #tpu.memory_space<semaphore_mem>> -> memref<1x!tpu.dma_semaphore, #tpu.memory_space<semaphore_mem>>
    %dma_start3A_53 = tpu.memref_squeeze %dma_start3A_52 : memref<1x!tpu.dma_semaphore, #tpu.memory_space<semaphore_mem>> -> memref<!tpu.dma_semaphore, #tpu.memory_space<semaphore_mem>>
    %dma_start3A_54 = arith.constant 0 : i32
    %dma_start3A_55 = tpu.memref_slice %arg10[%add3A_43, %dma_start3A_54] : memref<10240x128xf32, #tpu.memory_space<vmem_shared>> -> memref<80x128xf32, #tpu.memory_space<vmem_shared>>
    %dma_start3A_56 = arith.constant 0 : i32
    %dma_start3A_57 = arith.constant 0 : i32
    %dma_start3A_58 = tpu.memref_slice %arg9[%dma_start3A_44, %dma_start3A_56, %dma_start3A_57] : memref<4x80x128xf32, #tpu.memory_space<vmem>> -> memref<1x80x128xf32, #tpu.memory_space<vmem>>
    %dma_start3A_59 = tpu.memref_squeeze %dma_start3A_58 : memref<1x80x128xf32, #tpu.memory_space<vmem>> -> memref<80x128xf32, #tpu.memory_space<vmem>>
    tpu.enqueue_dma source(%dma_start3A_59 : memref<80x128xf32, #tpu.memory_space<vmem>>) target(%dma_start3A_55 : memref<80x128xf32, #tpu.memory_space<vmem_shared>>) target_semaphore(%dma_start3A_53 : memref<!tpu.dma_semaphore, #tpu.memory_space<semaphore_mem>>)
    %mul3A_60 = arith.constant 640 : i32
    %mul3A_61 = arith.muli %arg1, %mul3A_60 : i32
    %add3A_62 = arith.constant 240 : i32
    %add3A_63 = arith.addi %mul3A_61, %add3A_62 : i32
    %dma_start3A_64 = arith.constant 0 : i32
    %dma_start3A_65 = arith.constant 0 : i32
    %dma_start3A_66 = arith.constant 0 : i32
    %dma_start3A_67 = arith.constant 0 : i32
    %dma_start3A_68 = tpu.memref_slice %arg9[%dma_start3A_64, %dma_start3A_66, %dma_start3A_67] : memref<4x80x128xf32, #tpu.memory_space<vmem>> -> memref<1x80x128xf32, #tpu.memory_space<vmem>>
    %dma_start3A_69 = tpu.memref_squeeze %dma_start3A_68 : memref<1x80x128xf32, #tpu.memory_space<vmem>> -> memref<80x128xf32, #tpu.memory_space<vmem>>
    %dma_start3A_70 = arith.constant 0 : i32
    %dma_start3A_71 = tpu.memref_slice %arg10[%add3A_63, %dma_start3A_70] : memref<10240x128xf32, #tpu.memory_space<vmem_shared>> -> memref<80x128xf32, #tpu.memory_space<vmem_shared>>
    %dma_start3A_72 = tpu.memref_slice %arg13[%dma_start3A_65] : memref<4x!tpu.dma_semaphore, #tpu.memory_space<semaphore_mem>> -> memref<1x!tpu.dma_semaphore, #tpu.memory_space<semaphore_mem>>
    %dma_start3A_73 = tpu.memref_squeeze %dma_start3A_72 : memref<1x!tpu.dma_semaphore, #tpu.memory_space<semaphore_mem>> -> memref<!tpu.dma_semaphore, #tpu.memory_space<semaphore_mem>>
    %dma_start3A_74 = arith.constant 0 : i32
    %dma_start3A_75 = tpu.memref_slice %arg10[%add3A_63, %dma_start3A_74] : memref<10240x128xf32, #tpu.memory_space<vmem_shared>> -> memref<80x128xf32, #tpu.memory_space<vmem_shared>>
    %dma_start3A_76 = arith.constant 0 : i32
    %dma_start3A_77 = arith.constant 0 : i32
    %dma_start3A_78 = tpu.memref_slice %arg9[%dma_start3A_64, %dma_start3A_76, %dma_start3A_77] : memref<4x80x128xf32, #tpu.memory_space<vmem>> -> memref<1x80x128xf32, #tpu.memory_space<vmem>>
    %dma_start3A_79 = tpu.memref_squeeze %dma_start3A_78 : memref<1x80x128xf32, #tpu.memory_space<vmem>> -> memref<80x128xf32, #tpu.memory_space<vmem>>
    tpu.enqueue_dma source(%dma_start3A_79 : memref<80x128xf32, #tpu.memory_space<vmem>>) target(%dma_start3A_75 : memref<80x128xf32, #tpu.memory_space<vmem_shared>>) target_semaphore(%dma_start3A_73 : memref<!tpu.dma_semaphore, #tpu.memory_space<semaphore_mem>>)
    %mul3A_80 = arith.constant 640 : i32
    %mul3A_81 = arith.muli %arg1, %mul3A_80 : i32
    %add3A_82 = arith.constant 320 : i32
    %add3A_83 = arith.addi %mul3A_81, %add3A_82 : i32
    %dma_start3A_84 = arith.constant 0 : i32
    %dma_start3A_85 = arith.constant 0 : i32
    %dma_start3A_86 = arith.constant 0 : i32
    %dma_start3A_87 = arith.constant 0 : i32
    %dma_start3A_88 = tpu.memref_slice %arg9[%dma_start3A_84, %dma_start3A_86, %dma_start3A_87] : memref<4x80x128xf32, #tpu.memory_space<vmem>> -> memref<1x80x128xf32, #tpu.memory_space<vmem>>
    %dma_start3A_89 = tpu.memref_squeeze %dma_start3A_88 : memref<1x80x128xf32, #tpu.memory_space<vmem>> -> memref<80x128xf32, #tpu.memory_space<vmem>>
    %dma_start3A_90 = arith.constant 0 : i32
    %dma_start3A_91 = tpu.memref_slice %arg10[%add3A_83, %dma_start3A_90] : memref<10240x128xf32, #tpu.memory_space<vmem_shared>> -> memref<80x128xf32, #tpu.memory_space<vmem_shared>>
    %dma_start3A_92 = tpu.memref_slice %arg13[%dma_start3A_85] : memref<4x!tpu.dma_semaphore, #tpu.memory_space<semaphore_mem>> -> memref<1x!tpu.dma_semaphore, #tpu.memory_space<semaphore_mem>>
    %dma_start3A_93 = tpu.memref_squeeze %dma_start3A_92 : memref<1x!tpu.dma_semaphore, #tpu.memory_space<semaphore_mem>> -> memref<!tpu.dma_semaphore, #tpu.memory_space<semaphore_mem>>
    %dma_start3A_94 = arith.constant 0 : i32
    %dma_start3A_95 = tpu.memref_slice %arg10[%add3A_83, %dma_start3A_94] : memref<10240x128xf32, #tpu.memory_space<vmem_shared>> -> memref<80x128xf32, #tpu.memory_space<vmem_shared>>
    %dma_start3A_96 = arith.constant 0 : i32
    %dma_start3A_97 = arith.constant 0 : i32
    %dma_start3A_98 = tpu.memref_slice %arg9[%dma_start3A_84, %dma_start3A_96, %dma_start3A_97] : memref<4x80x128xf32, #tpu.memory_space<vmem>> -> memref<1x80x128xf32, #tpu.memory_space<vmem>>
    %dma_start3A_99 = tpu.memref_squeeze %dma_start3A_98 : memref<1x80x128xf32, #tpu.memory_space<vmem>> -> memref<80x128xf32, #tpu.memory_space<vmem>>
    tpu.enqueue_dma source(%dma_start3A_99 : memref<80x128xf32, #tpu.memory_space<vmem>>) target(%dma_start3A_95 : memref<80x128xf32, #tpu.memory_space<vmem_shared>>) target_semaphore(%dma_start3A_93 : memref<!tpu.dma_semaphore, #tpu.memory_space<semaphore_mem>>)
    %mul3A_100 = arith.constant 640 : i32
    %mul3A_101 = arith.muli %arg1, %mul3A_100 : i32
    %add3A_102 = arith.constant 400 : i32
    %add3A_103 = arith.addi %mul3A_101, %add3A_102 : i32
    %dma_start3A_104 = arith.constant 0 : i32
    %dma_start3A_105 = arith.constant 0 : i32
    %dma_start3A_106 = arith.constant 0 : i32
    %dma_start3A_107 = arith.constant 0 : i32
    %dma_start3A_108 = tpu.memref_slice %arg9[%dma_start3A_104, %dma_start3A_106, %dma_start3A_107] : memref<4x80x128xf32, #tpu.memory_space<vmem>> -> memref<1x80x128xf32, #tpu.memory_space<vmem>>
    %dma_start3A_109 = tpu.memref_squeeze %dma_start3A_108 : memref<1x80x128xf32, #tpu.memory_space<vmem>> -> memref<80x128xf32, #tpu.memory_space<vmem>>
    %dma_start3A_110 = arith.constant 0 : i32
    %dma_start3A_111 = tpu.memref_slice %arg10[%add3A_103, %dma_start3A_110] : memref<10240x128xf32, #tpu.memory_space<vmem_shared>> -> memref<80x128xf32, #tpu.memory_space<vmem_shared>>
    %dma_start3A_112 = tpu.memref_slice %arg13[%dma_start3A_105] : memref<4x!tpu.dma_semaphore, #tpu.memory_space<semaphore_mem>> -> memref<1x!tpu.dma_semaphore, #tpu.memory_space<semaphore_mem>>
    %dma_start3A_113 = tpu.memref_squeeze %dma_start3A_112 : memref<1x!tpu.dma_semaphore, #tpu.memory_space<semaphore_mem>> -> memref<!tpu.dma_semaphore, #tpu.memory_space<semaphore_mem>>
    %dma_start3A_114 = arith.constant 0 : i32
    %dma_start3A_115 = tpu.memref_slice %arg10[%add3A_103, %dma_start3A_114] : memref<10240x128xf32, #tpu.memory_space<vmem_shared>> -> memref<80x128xf32, #tpu.memory_space<vmem_shared>>
    %dma_start3A_116 = arith.constant 0 : i32
    %dma_start3A_117 = arith.constant 0 : i32
    %dma_start3A_118 = tpu.memref_slice %arg9[%dma_start3A_104, %dma_start3A_116, %dma_start3A_117] : memref<4x80x128xf32, #tpu.memory_space<vmem>> -> memref<1x80x128xf32, #tpu.memory_space<vmem>>
    %dma_start3A_119 = tpu.memref_squeeze %dma_start3A_118 : memref<1x80x128xf32, #tpu.memory_space<vmem>> -> memref<80x128xf32, #tpu.memory_space<vmem>>
    tpu.enqueue_dma source(%dma_start3A_119 : memref<80x128xf32, #tpu.memory_space<vmem>>) target(%dma_start3A_115 : memref<80x128xf32, #tpu.memory_space<vmem_shared>>) target_semaphore(%dma_start3A_113 : memref<!tpu.dma_semaphore, #tpu.memory_space<semaphore_mem>>)
    %mul3A_120 = arith.constant 640 : i32
    %mul3A_121 = arith.muli %arg1, %mul3A_120 : i32
    %add3A_122 = arith.constant 480 : i32
    %add3A_123 = arith.addi %mul3A_121, %add3A_122 : i32
    %dma_start3A_124 = arith.constant 0 : i32
    %dma_start3A_125 = arith.constant 0 : i32
    %dma_start3A_126 = arith.constant 0 : i32
    %dma_start3A_127 = arith.constant 0 : i32
    %dma_start3A_128 = tpu.memref_slice %arg9[%dma_start3A_124, %dma_start3A_126, %dma_start3A_127] : memref<4x80x128xf32, #tpu.memory_space<vmem>> -> memref<1x80x128xf32, #tpu.memory_space<vmem>>
    %dma_start3A_129 = tpu.memref_squeeze %dma_start3A_128 : memref<1x80x128xf32, #tpu.memory_space<vmem>> -> memref<80x128xf32, #tpu.memory_space<vmem>>
    %dma_start3A_130 = arith.constant 0 : i32
    %dma_start3A_131 = tpu.memref_slice %arg10[%add3A_123, %dma_start3A_130] : memref<10240x128xf32, #tpu.memory_space<vmem_shared>> -> memref<80x128xf32, #tpu.memory_space<vmem_shared>>
    %dma_start3A_132 = tpu.memref_slice %arg13[%dma_start3A_125] : memref<4x!tpu.dma_semaphore, #tpu.memory_space<semaphore_mem>> -> memref<1x!tpu.dma_semaphore, #tpu.memory_space<semaphore_mem>>
    %dma_start3A_133 = tpu.memref_squeeze %dma_start3A_132 : memref<1x!tpu.dma_semaphore, #tpu.memory_space<semaphore_mem>> -> memref<!tpu.dma_semaphore, #tpu.memory_space<semaphore_mem>>
    %dma_start3A_134 = arith.constant 0 : i32
    %dma_start3A_135 = tpu.memref_slice %arg10[%add3A_123, %dma_start3A_134] : memref<10240x128xf32, #tpu.memory_space<vmem_shared>> -> memref<80x128xf32, #tpu.memory_space<vmem_shared>>
    %dma_start3A_136 = arith.constant 0 : i32
    %dma_start3A_137 = arith.constant 0 : i32
    %dma_start3A_138 = tpu.memref_slice %arg9[%dma_start3A_124, %dma_start3A_136, %dma_start3A_137] : memref<4x80x128xf32, #tpu.memory_space<vmem>> -> memref<1x80x128xf32, #tpu.memory_space<vmem>>
    %dma_start3A_139 = tpu.memref_squeeze %dma_start3A_138 : memref<1x80x128xf32, #tpu.memory_space<vmem>> -> memref<80x128xf32, #tpu.memory_space<vmem>>
    tpu.enqueue_dma source(%dma_start3A_139 : memref<80x128xf32, #tpu.memory_space<vmem>>) target(%dma_start3A_135 : memref<80x128xf32, #tpu.memory_space<vmem_shared>>) target_semaphore(%dma_start3A_133 : memref<!tpu.dma_semaphore, #tpu.memory_space<semaphore_mem>>)
    %mul3A_140 = arith.constant 640 : i32
    %mul3A_141 = arith.muli %arg1, %mul3A_140 : i32
    %add3A_142 = arith.constant 560 : i32
    %add3A_143 = arith.addi %mul3A_141, %add3A_142 : i32
    %dma_start3A_144 = arith.constant 0 : i32
    %dma_start3A_145 = arith.constant 0 : i32
    %dma_start3A_146 = arith.constant 0 : i32
    %dma_start3A_147 = arith.constant 0 : i32
    %dma_start3A_148 = tpu.memref_slice %arg9[%dma_start3A_144, %dma_start3A_146, %dma_start3A_147] : memref<4x80x128xf32, #tpu.memory_space<vmem>> -> memref<1x80x128xf32, #tpu.memory_space<vmem>>
    %dma_start3A_149 = tpu.memref_squeeze %dma_start3A_148 : memref<1x80x128xf32, #tpu.memory_space<vmem>> -> memref<80x128xf32, #tpu.memory_space<vmem>>
    %dma_start3A_150 = arith.constant 0 : i32
    %dma_start3A_151 = tpu.memref_slice %arg10[%add3A_143, %dma_start3A_150] : memref<10240x128xf32, #tpu.memory_space<vmem_shared>> -> memref<80x128xf32, #tpu.memory_space<vmem_shared>>
    %dma_start3A_152 = tpu.memref_slice %arg13[%dma_start3A_145] : memref<4x!tpu.dma_semaphore, #tpu.memory_space<semaphore_mem>> -> memref<1x!tpu.dma_semaphore, #tpu.memory_space<semaphore_mem>>
    %dma_start3A_153 = tpu.memref_squeeze %dma_start3A_152 : memref<1x!tpu.dma_semaphore, #tpu.memory_space<semaphore_mem>> -> memref<!tpu.dma_semaphore, #tpu.memory_space<semaphore_mem>>
    %dma_start3A_154 = arith.constant 0 : i32
    %dma_start3A_155 = tpu.memref_slice %arg10[%add3A_143, %dma_start3A_154] : memref<10240x128xf32, #tpu.memory_space<vmem_shared>> -> memref<80x128xf32, #tpu.memory_space<vmem_shared>>
    %dma_start3A_156 = arith.constant 0 : i32
    %dma_start3A_157 = arith.constant 0 : i32
    %dma_start3A_158 = tpu.memref_slice %arg9[%dma_start3A_144, %dma_start3A_156, %dma_start3A_157] : memref<4x80x128xf32, #tpu.memory_space<vmem>> -> memref<1x80x128xf32, #tpu.memory_space<vmem>>
    %dma_start3A_159 = tpu.memref_squeeze %dma_start3A_158 : memref<1x80x128xf32, #tpu.memory_space<vmem>> -> memref<80x128xf32, #tpu.memory_space<vmem>>
    tpu.enqueue_dma source(%dma_start3A_159 : memref<80x128xf32, #tpu.memory_space<vmem>>) target(%dma_start3A_155 : memref<80x128xf32, #tpu.memory_space<vmem_shared>>) target_semaphore(%dma_start3A_153 : memref<!tpu.dma_semaphore, #tpu.memory_space<semaphore_mem>>)
    %mul3A_160 = arith.constant 640 : i32
    %mul3A_161 = arith.muli %arg1, %mul3A_160 : i32
    %dma_wait3A = arith.constant 0 : i32
    %dma_wait3A_162 = arith.constant 0 : i32
    %dma_wait3A_163 = arith.constant 0 : i32
    %dma_wait3A_164 = arith.constant 0 : i32
    %dma_wait3A_165 = tpu.memref_slice %arg9[%dma_wait3A, %dma_wait3A_163, %dma_wait3A_164] : memref<4x80x128xf32, #tpu.memory_space<vmem>> -> memref<1x80x128xf32, #tpu.memory_space<vmem>>
    %dma_wait3A_166 = tpu.memref_squeeze %dma_wait3A_165 : memref<1x80x128xf32, #tpu.memory_space<vmem>> -> memref<80x128xf32, #tpu.memory_space<vmem>>
    %dma_wait3A_167 = arith.constant 0 : i32
    %dma_wait3A_168 = tpu.memref_slice %arg10[%mul3A_161, %dma_wait3A_167] : memref<10240x128xf32, #tpu.memory_space<vmem_shared>> -> memref<80x128xf32, #tpu.memory_space<vmem_shared>>
    %dma_wait3A_169 = tpu.memref_slice %arg13[%dma_wait3A_162] : memref<4x!tpu.dma_semaphore, #tpu.memory_space<semaphore_mem>> -> memref<1x!tpu.dma_semaphore, #tpu.memory_space<semaphore_mem>>
    %dma_wait3A_170 = tpu.memref_squeeze %dma_wait3A_169 : memref<1x!tpu.dma_semaphore, #tpu.memory_space<semaphore_mem>> -> memref<!tpu.dma_semaphore, #tpu.memory_space<semaphore_mem>>
    %dma_wait3A_171 = arith.constant 0 : i32
    %dma_wait3A_172 = tpu.memref_slice %arg10[%mul3A_161, %dma_wait3A_171] : memref<10240x128xf32, #tpu.memory_space<vmem_shared>> -> memref<80x128xf32, #tpu.memory_space<vmem_shared>>
    %dma_wait3A_173 = arith.constant 0 : i32
    %dma_wait3A_174 = arith.constant 0 : i32
    %dma_wait3A_175 = tpu.memref_slice %arg9[%dma_wait3A, %dma_wait3A_173, %dma_wait3A_174] : memref<4x80x128xf32, #tpu.memory_space<vmem>> -> memref<1x80x128xf32, #tpu.memory_space<vmem>>
    %dma_wait3A_176 = tpu.memref_squeeze %dma_wait3A_175 : memref<1x80x128xf32, #tpu.memory_space<vmem>> -> memref<80x128xf32, #tpu.memory_space<vmem>>
    tpu.wait_dma2 semaphore(%dma_wait3A_170 : memref<!tpu.dma_semaphore, #tpu.memory_space<semaphore_mem>>) src(%dma_wait3A_176 : memref<80x128xf32, #tpu.memory_space<vmem>>) dst(%dma_wait3A_172 : memref<80x128xf32, #tpu.memory_space<vmem_shared>>)
    %mul3A_177 = arith.constant 640 : i32
    %mul3A_178 = arith.muli %arg1, %mul3A_177 : i32
    %dma_wait3A_179 = arith.constant 0 : i32
    %dma_wait3A_180 = arith.constant 0 : i32
    %dma_wait3A_181 = arith.constant 0 : i32
    %dma_wait3A_182 = arith.constant 0 : i32
    %dma_wait3A_183 = tpu.memref_slice %arg9[%dma_wait3A_179, %dma_wait3A_181, %dma_wait3A_182] : memref<4x80x128xf32, #tpu.memory_space<vmem>> -> memref<1x80x128xf32, #tpu.memory_space<vmem>>
    %dma_wait3A_184 = tpu.memref_squeeze %dma_wait3A_183 : memref<1x80x128xf32, #tpu.memory_space<vmem>> -> memref<80x128xf32, #tpu.memory_space<vmem>>
    %dma_wait3A_185 = arith.constant 0 : i32
    %dma_wait3A_186 = tpu.memref_slice %arg10[%mul3A_178, %dma_wait3A_185] : memref<10240x128xf32, #tpu.memory_space<vmem_shared>> -> memref<80x128xf32, #tpu.memory_space<vmem_shared>>
    %dma_wait3A_187 = tpu.memref_slice %arg13[%dma_wait3A_180] : memref<4x!tpu.dma_semaphore, #tpu.memory_space<semaphore_mem>> -> memref<1x!tpu.dma_semaphore, #tpu.memory_space<semaphore_mem>>
    %dma_wait3A_188 = tpu.memref_squeeze %dma_wait3A_187 : memref<1x!tpu.dma_semaphore, #tpu.memory_space<semaphore_mem>> -> memref<!tpu.dma_semaphore, #tpu.memory_space<semaphore_mem>>
    %dma_wait3A_189 = arith.constant 0 : i32
    %dma_wait3A_190 = tpu.memref_slice %arg10[%mul3A_178, %dma_wait3A_189] : memref<10240x128xf32, #tpu.memory_space<vmem_shared>> -> memref<80x128xf32, #tpu.memory_space<vmem_shared>>
    %dma_wait3A_191 = arith.constant 0 : i32
    %dma_wait3A_192 = arith.constant 0 : i32
    %dma_wait3A_193 = tpu.memref_slice %arg9[%dma_wait3A_179, %dma_wait3A_191, %dma_wait3A_192] : memref<4x80x128xf32, #tpu.memory_space<vmem>> -> memref<1x80x128xf32, #tpu.memory_space<vmem>>
    %dma_wait3A_194 = tpu.memref_squeeze %dma_wait3A_193 : memref<1x80x128xf32, #tpu.memory_space<vmem>> -> memref<80x128xf32, #tpu.memory_space<vmem>>
    tpu.wait_dma2 semaphore(%dma_wait3A_188 : memref<!tpu.dma_semaphore, #tpu.memory_space<semaphore_mem>>) src(%dma_wait3A_194 : memref<80x128xf32, #tpu.memory_space<vmem>>) dst(%dma_wait3A_190 : memref<80x128xf32, #tpu.memory_space<vmem_shared>>)
    %mul3A_195 = arith.constant 640 : i32
    %mul3A_196 = arith.muli %arg1, %mul3A_195 : i32
    %dma_wait3A_197 = arith.constant 0 : i32
    %dma_wait3A_198 = arith.constant 0 : i32
    %dma_wait3A_199 = arith.constant 0 : i32
    %dma_wait3A_200 = arith.constant 0 : i32
    %dma_wait3A_201 = tpu.memref_slice %arg9[%dma_wait3A_197, %dma_wait3A_199, %dma_wait3A_200] : memref<4x80x128xf32, #tpu.memory_space<vmem>> -> memref<1x80x128xf32, #tpu.memory_space<vmem>>
    %dma_wait3A_202 = tpu.memref_squeeze %dma_wait3A_201 : memref<1x80x128xf32, #tpu.memory_space<vmem>> -> memref<80x128xf32, #tpu.memory_space<vmem>>
    %dma_wait3A_203 = arith.constant 0 : i32
    %dma_wait3A_204 = tpu.memref_slice %arg10[%mul3A_196, %dma_wait3A_203] : memref<10240x128xf32, #tpu.memory_space<vmem_shared>> -> memref<80x128xf32, #tpu.memory_space<vmem_shared>>
    %dma_wait3A_205 = tpu.memref_slice %arg13[%dma_wait3A_198] : memref<4x!tpu.dma_semaphore, #tpu.memory_space<semaphore_mem>> -> memref<1x!tpu.dma_semaphore, #tpu.memory_space<semaphore_mem>>
    %dma_wait3A_206 = tpu.memref_squeeze %dma_wait3A_205 : memref<1x!tpu.dma_semaphore, #tpu.memory_space<semaphore_mem>> -> memref<!tpu.dma_semaphore, #tpu.memory_space<semaphore_mem>>
    %dma_wait3A_207 = arith.constant 0 : i32
    %dma_wait3A_208 = tpu.memref_slice %arg10[%mul3A_196, %dma_wait3A_207] : memref<10240x128xf32, #tpu.memory_space<vmem_shared>> -> memref<80x128xf32, #tpu.memory_space<vmem_shared>>
    %dma_wait3A_209 = arith.constant 0 : i32
    %dma_wait3A_210 = arith.constant 0 : i32
    %dma_wait3A_211 = tpu.memref_slice %arg9[%dma_wait3A_197, %dma_wait3A_209, %dma_wait3A_210] : memref<4x80x128xf32, #tpu.memory_space<vmem>> -> memref<1x80x128xf32, #tpu.memory_space<vmem>>
    %dma_wait3A_212 = tpu.memref_squeeze %dma_wait3A_211 : memref<1x80x128xf32, #tpu.memory_space<vmem>> -> memref<80x128xf32, #tpu.memory_space<vmem>>
    tpu.wait_dma2 semaphore(%dma_wait3A_206 : memref<!tpu.dma_semaphore, #tpu.memory_space<semaphore_mem>>) src(%dma_wait3A_212 : memref<80x128xf32, #tpu.memory_space<vmem>>) dst(%dma_wait3A_208 : memref<80x128xf32, #tpu.memory_space<vmem_shared>>)
    %mul3A_213 = arith.constant 640 : i32
    %mul3A_214 = arith.muli %arg1, %mul3A_213 : i32
    %dma_wait3A_215 = arith.constant 0 : i32
    %dma_wait3A_216 = arith.constant 0 : i32
    %dma_wait3A_217 = arith.constant 0 : i32
    %dma_wait3A_218 = arith.constant 0 : i32
    %dma_wait3A_219 = tpu.memref_slice %arg9[%dma_wait3A_215, %dma_wait3A_217, %dma_wait3A_218] : memref<4x80x128xf32, #tpu.memory_space<vmem>> -> memref<1x80x128xf32, #tpu.memory_space<vmem>>
    %dma_wait3A_220 = tpu.memref_squeeze %dma_wait3A_219 : memref<1x80x128xf32, #tpu.memory_space<vmem>> -> memref<80x128xf32, #tpu.memory_space<vmem>>
    %dma_wait3A_221 = arith.constant 0 : i32
    %dma_wait3A_222 = tpu.memref_slice %arg10[%mul3A_214, %dma_wait3A_221] : memref<10240x128xf32, #tpu.memory_space<vmem_shared>> -> memref<80x128xf32, #tpu.memory_space<vmem_shared>>
    %dma_wait3A_223 = tpu.memref_slice %arg13[%dma_wait3A_216] : memref<4x!tpu.dma_semaphore, #tpu.memory_space<semaphore_mem>> -> memref<1x!tpu.dma_semaphore, #tpu.memory_space<semaphore_mem>>
    %dma_wait3A_224 = tpu.memref_squeeze %dma_wait3A_223 : memref<1x!tpu.dma_semaphore, #tpu.memory_space<semaphore_mem>> -> memref<!tpu.dma_semaphore, #tpu.memory_space<semaphore_mem>>
    %dma_wait3A_225 = arith.constant 0 : i32
    %dma_wait3A_226 = tpu.memref_slice %arg10[%mul3A_214, %dma_wait3A_225] : memref<10240x128xf32, #tpu.memory_space<vmem_shared>> -> memref<80x128xf32, #tpu.memory_space<vmem_shared>>
    %dma_wait3A_227 = arith.constant 0 : i32
    %dma_wait3A_228 = arith.constant 0 : i32
    %dma_wait3A_229 = tpu.memref_slice %arg9[%dma_wait3A_215, %dma_wait3A_227, %dma_wait3A_228] : memref<4x80x128xf32, #tpu.memory_space<vmem>> -> memref<1x80x128xf32, #tpu.memory_space<vmem>>
    %dma_wait3A_230 = tpu.memref_squeeze %dma_wait3A_229 : memref<1x80x128xf32, #tpu.memory_space<vmem>> -> memref<80x128xf32, #tpu.memory_space<vmem>>
    tpu.wait_dma2 semaphore(%dma_wait3A_224 : memref<!tpu.dma_semaphore, #tpu.memory_space<semaphore_mem>>) src(%dma_wait3A_230 : memref<80x128xf32, #tpu.memory_space<vmem>>) dst(%dma_wait3A_226 : memref<80x128xf32, #tpu.memory_space<vmem_shared>>)
    %mul3A_231 = arith.constant 640 : i32
    %mul3A_232 = arith.muli %arg1, %mul3A_231 : i32
    %dma_wait3A_233 = arith.constant 0 : i32
    %dma_wait3A_234 = arith.constant 0 : i32
    %dma_wait3A_235 = arith.constant 0 : i32
    %dma_wait3A_236 = arith.constant 0 : i32
    %dma_wait3A_237 = tpu.memref_slice %arg9[%dma_wait3A_233, %dma_wait3A_235, %dma_wait3A_236] : memref<4x80x128xf32, #tpu.memory_space<vmem>> -> memref<1x80x128xf32, #tpu.memory_space<vmem>>
    %dma_wait3A_238 = tpu.memref_squeeze %dma_wait3A_237 : memref<1x80x128xf32, #tpu.memory_space<vmem>> -> memref<80x128xf32, #tpu.memory_space<vmem>>
    %dma_wait3A_239 = arith.constant 0 : i32
    %dma_wait3A_240 = tpu.memref_slice %arg10[%mul3A_232, %dma_wait3A_239] : memref<10240x128xf32, #tpu.memory_space<vmem_shared>> -> memref<80x128xf32, #tpu.memory_space<vmem_shared>>
    %dma_wait3A_241 = tpu.memref_slice %arg13[%dma_wait3A_234] : memref<4x!tpu.dma_semaphore, #tpu.memory_space<semaphore_mem>> -> memref<1x!tpu.dma_semaphore, #tpu.memory_space<semaphore_mem>>
    %dma_wait3A_242 = tpu.memref_squeeze %dma_wait3A_241 : memref<1x!tpu.dma_semaphore, #tpu.memory_space<semaphore_mem>> -> memref<!tpu.dma_semaphore, #tpu.memory_space<semaphore_mem>>
    %dma_wait3A_243 = arith.constant 0 : i32
    %dma_wait3A_244 = tpu.memref_slice %arg10[%mul3A_232, %dma_wait3A_243] : memref<10240x128xf32, #tpu.memory_space<vmem_shared>> -> memref<80x128xf32, #tpu.memory_space<vmem_shared>>
    %dma_wait3A_245 = arith.constant 0 : i32
    %dma_wait3A_246 = arith.constant 0 : i32
    %dma_wait3A_247 = tpu.memref_slice %arg9[%dma_wait3A_233, %dma_wait3A_245, %dma_wait3A_246] : memref<4x80x128xf32, #tpu.memory_space<vmem>> -> memref<1x80x128xf32, #tpu.memory_space<vmem>>
    %dma_wait3A_248 = tpu.memref_squeeze %dma_wait3A_247 : memref<1x80x128xf32, #tpu.memory_space<vmem>> -> memref<80x128xf32, #tpu.memory_space<vmem>>
    tpu.wait_dma2 semaphore(%dma_wait3A_242 : memref<!tpu.dma_semaphore, #tpu.memory_space<semaphore_mem>>) src(%dma_wait3A_248 : memref<80x128xf32, #tpu.memory_space<vmem>>) dst(%dma_wait3A_244 : memref<80x128xf32, #tpu.memory_space<vmem_shared>>)
    %mul3A_249 = arith.constant 640 : i32
    %mul3A_250 = arith.muli %arg1, %mul3A_249 : i32
    %dma_wait3A_251 = arith.constant 0 : i32
    %dma_wait3A_252 = arith.constant 0 : i32
    %dma_wait3A_253 = arith.constant 0 : i32
    %dma_wait3A_254 = arith.constant 0 : i32
    %dma_wait3A_255 = tpu.memref_slice %arg9[%dma_wait3A_251, %dma_wait3A_253, %dma_wait3A_254] : memref<4x80x128xf32, #tpu.memory_space<vmem>> -> memref<1x80x128xf32, #tpu.memory_space<vmem>>
    %dma_wait3A_256 = tpu.memref_squeeze %dma_wait3A_255 : memref<1x80x128xf32, #tpu.memory_space<vmem>> -> memref<80x128xf32, #tpu.memory_space<vmem>>
    %dma_wait3A_257 = arith.constant 0 : i32
    %dma_wait3A_258 = tpu.memref_slice %arg10[%mul3A_250, %dma_wait3A_257] : memref<10240x128xf32, #tpu.memory_space<vmem_shared>> -> memref<80x128xf32, #tpu.memory_space<vmem_shared>>
    %dma_wait3A_259 = tpu.memref_slice %arg13[%dma_wait3A_252] : memref<4x!tpu.dma_semaphore, #tpu.memory_space<semaphore_mem>> -> memref<1x!tpu.dma_semaphore, #tpu.memory_space<semaphore_mem>>
    %dma_wait3A_260 = tpu.memref_squeeze %dma_wait3A_259 : memref<1x!tpu.dma_semaphore, #tpu.memory_space<semaphore_mem>> -> memref<!tpu.dma_semaphore, #tpu.memory_space<semaphore_mem>>
    %dma_wait3A_261 = arith.constant 0 : i32
    %dma_wait3A_262 = tpu.memref_slice %arg10[%mul3A_250, %dma_wait3A_261] : memref<10240x128xf32, #tpu.memory_space<vmem_shared>> -> memref<80x128xf32, #tpu.memory_space<vmem_shared>>
    %dma_wait3A_263 = arith.constant 0 : i32
    %dma_wait3A_264 = arith.constant 0 : i32
    %dma_wait3A_265 = tpu.memref_slice %arg9[%dma_wait3A_251, %dma_wait3A_263, %dma_wait3A_264] : memref<4x80x128xf32, #tpu.memory_space<vmem>> -> memref<1x80x128xf32, #tpu.memory_space<vmem>>
    %dma_wait3A_266 = tpu.memref_squeeze %dma_wait3A_265 : memref<1x80x128xf32, #tpu.memory_space<vmem>> -> memref<80x128xf32, #tpu.memory_space<vmem>>
    tpu.wait_dma2 semaphore(%dma_wait3A_260 : memref<!tpu.dma_semaphore, #tpu.memory_space<semaphore_mem>>) src(%dma_wait3A_266 : memref<80x128xf32, #tpu.memory_space<vmem>>) dst(%dma_wait3A_262 : memref<80x128xf32, #tpu.memory_space<vmem_shared>>)
    %mul3A_267 = arith.constant 640 : i32
    %mul3A_268 = arith.muli %arg1, %mul3A_267 : i32
    %dma_wait3A_269 = arith.constant 0 : i32
    %dma_wait3A_270 = arith.constant 0 : i32
    %dma_wait3A_271 = arith.constant 0 : i32
    %dma_wait3A_272 = arith.constant 0 : i32
    %dma_wait3A_273 = tpu.memref_slice %arg9[%dma_wait3A_269, %dma_wait3A_271, %dma_wait3A_272] : memref<4x80x128xf32, #tpu.memory_space<vmem>> -> memref<1x80x128xf32, #tpu.memory_space<vmem>>
    %dma_wait3A_274 = tpu.memref_squeeze %dma_wait3A_273 : memref<1x80x128xf32, #tpu.memory_space<vmem>> -> memref<80x128xf32, #tpu.memory_space<vmem>>
    %dma_wait3A_275 = arith.constant 0 : i32
    %dma_wait3A_276 = tpu.memref_slice %arg10[%mul3A_268, %dma_wait3A_275] : memref<10240x128xf32, #tpu.memory_space<vmem_shared>> -> memref<80x128xf32, #tpu.memory_space<vmem_shared>>
    %dma_wait3A_277 = tpu.memref_slice %arg13[%dma_wait3A_270] : memref<4x!tpu.dma_semaphore, #tpu.memory_space<semaphore_mem>> -> memref<1x!tpu.dma_semaphore, #tpu.memory_space<semaphore_mem>>
    %dma_wait3A_278 = tpu.memref_squeeze %dma_wait3A_277 : memref<1x!tpu.dma_semaphore, #tpu.memory_space<semaphore_mem>> -> memref<!tpu.dma_semaphore, #tpu.memory_space<semaphore_mem>>
    %dma_wait3A_279 = arith.constant 0 : i32
    %dma_wait3A_280 = tpu.memref_slice %arg10[%mul3A_268, %dma_wait3A_279] : memref<10240x128xf32, #tpu.memory_space<vmem_shared>> -> memref<80x128xf32, #tpu.memory_space<vmem_shared>>
    %dma_wait3A_281 = arith.constant 0 : i32
    %dma_wait3A_282 = arith.constant 0 : i32
    %dma_wait3A_283 = tpu.memref_slice %arg9[%dma_wait3A_269, %dma_wait3A_281, %dma_wait3A_282] : memref<4x80x128xf32, #tpu.memory_space<vmem>> -> memref<1x80x128xf32, #tpu.memory_space<vmem>>
    %dma_wait3A_284 = tpu.memref_squeeze %dma_wait3A_283 : memref<1x80x128xf32, #tpu.memory_space<vmem>> -> memref<80x128xf32, #tpu.memory_space<vmem>>
    tpu.wait_dma2 semaphore(%dma_wait3A_278 : memref<!tpu.dma_semaphore, #tpu.memory_space<semaphore_mem>>) src(%dma_wait3A_284 : memref<80x128xf32, #tpu.memory_space<vmem>>) dst(%dma_wait3A_280 : memref<80x128xf32, #tpu.memory_space<vmem_shared>>)
    %mul3A_285 = arith.constant 640 : i32
    %mul3A_286 = arith.muli %arg1, %mul3A_285 : i32
    %dma_wait3A_287 = arith.constant 0 : i32
    %dma_wait3A_288 = arith.constant 0 : i32
    %dma_wait3A_289 = arith.constant 0 : i32
    %dma_wait3A_290 = arith.constant 0 : i32
    %dma_wait3A_291 = tpu.memref_slice %arg9[%dma_wait3A_287, %dma_wait3A_289, %dma_wait3A_290] : memref<4x80x128xf32, #tpu.memory_space<vmem>> -> memref<1x80x128xf32, #tpu.memory_space<vmem>>
    %dma_wait3A_292 = tpu.memref_squeeze %dma_wait3A_291 : memref<1x80x128xf32, #tpu.memory_space<vmem>> -> memref<80x128xf32, #tpu.memory_space<vmem>>
    %dma_wait3A_293 = arith.constant 0 : i32
    %dma_wait3A_294 = tpu.memref_slice %arg10[%mul3A_286, %dma_wait3A_293] : memref<10240x128xf32, #tpu.memory_space<vmem_shared>> -> memref<80x128xf32, #tpu.memory_space<vmem_shared>>
    %dma_wait3A_295 = tpu.memref_slice %arg13[%dma_wait3A_288] : memref<4x!tpu.dma_semaphore, #tpu.memory_space<semaphore_mem>> -> memref<1x!tpu.dma_semaphore, #tpu.memory_space<semaphore_mem>>
    %dma_wait3A_296 = tpu.memref_squeeze %dma_wait3A_295 : memref<1x!tpu.dma_semaphore, #tpu.memory_space<semaphore_mem>> -> memref<!tpu.dma_semaphore, #tpu.memory_space<semaphore_mem>>
    %dma_wait3A_297 = arith.constant 0 : i32
    %dma_wait3A_298 = tpu.memref_slice %arg10[%mul3A_286, %dma_wait3A_297] : memref<10240x128xf32, #tpu.memory_space<vmem_shared>> -> memref<80x128xf32, #tpu.memory_space<vmem_shared>>
    %dma_wait3A_299 = arith.constant 0 : i32
    %dma_wait3A_300 = arith.constant 0 : i32
    %dma_wait3A_301 = tpu.memref_slice %arg9[%dma_wait3A_287, %dma_wait3A_299, %dma_wait3A_300] : memref<4x80x128xf32, #tpu.memory_space<vmem>> -> memref<1x80x128xf32, #tpu.memory_space<vmem>>
    %dma_wait3A_302 = tpu.memref_squeeze %dma_wait3A_301 : memref<1x80x128xf32, #tpu.memory_space<vmem>> -> memref<80x128xf32, #tpu.memory_space<vmem>>
    tpu.wait_dma2 semaphore(%dma_wait3A_296 : memref<!tpu.dma_semaphore, #tpu.memory_space<semaphore_mem>>) src(%dma_wait3A_302 : memref<80x128xf32, #tpu.memory_space<vmem>>) dst(%dma_wait3A_298 : memref<80x128xf32, #tpu.memory_space<vmem_shared>>)
    %barrier3A = arith.constant 0 : index
    tpu.barrier barrier_id(%barrier3A)
    %mul3A_303 = arith.constant 125 : i32
    %mul3A_304 = arith.muli %add3A, %mul3A_303 : i32
    %mul3A_305 = arith.constant 80 : i32
    %mul3A_306 = arith.muli %mul3A_304, %mul3A_305 : i32
    %add3A_307 = arith.constant 0 : i32
    %add3A_308 = arith.addi %mul3A_306, %add3A_307 : i32
    %run_scoped3A_309 = arith.constant 0 : i32
    "tpu.region"() ({
      %run_scoped3A_818 = tpu.sem_alloc : memref<!tpu.dma_semaphore, #tpu.memory_space<semaphore_mem>>
      %dma_start3A_819 = arith.constant 0 : i32
      %dma_start3A_820 = tpu.memref_slice %arg7[%run_scoped3A_309, %dma_start3A_819] : memref<4x80xi32, #tpu.memory_space<vmem>> -> memref<1x80xi32, #tpu.memory_space<vmem>>
      %dma_start3A_821 = tpu.memref_squeeze %dma_start3A_820 : memref<1x80xi32, #tpu.memory_space<vmem>> -> memref<80xi32, #tpu.memory_space<vmem>>
      %dma_start3A_822 = tpu.memref_slice %arg3[%add3A_308] : memref<320000xi32, #tpu.memory_space<hbm>> -> memref<80xi32, #tpu.memory_space<hbm>>
      %dma_start3A_823 = arith.constant 0 : i32
      %dma_start3A_824 = tpu.memref_slice %arg7[%run_scoped3A_309, %dma_start3A_823] : memref<4x80xi32, #tpu.memory_space<vmem>> -> memref<1x80xi32, #tpu.memory_space<vmem>>
      %dma_start3A_825 = tpu.memref_squeeze %dma_start3A_824 : memref<1x80xi32, #tpu.memory_space<vmem>> -> memref<80xi32, #tpu.memory_space<vmem>>
      %dma_start3A_826 = tpu.memref_slice %arg3[%add3A_308] : memref<320000xi32, #tpu.memory_space<hbm>> -> memref<80xi32, #tpu.memory_space<hbm>>
      tpu.enqueue_dma source(%dma_start3A_826 : memref<80xi32, #tpu.memory_space<hbm>>) target(%dma_start3A_825 : memref<80xi32, #tpu.memory_space<vmem>>) target_semaphore(%run_scoped3A_818 : memref<!tpu.dma_semaphore, #tpu.memory_space<semaphore_mem>>)
      %dma_wait3A_827 = arith.constant 0 : i32
      %dma_wait3A_828 = tpu.memref_slice %arg7[%run_scoped3A_309, %dma_wait3A_827] : memref<4x80xi32, #tpu.memory_space<vmem>> -> memref<1x80xi32, #tpu.memory_space<vmem>>
      %dma_wait3A_829 = tpu.memref_squeeze %dma_wait3A_828 : memref<1x80xi32, #tpu.memory_space<vmem>> -> memref<80xi32, #tpu.memory_space<vmem>>
      %dma_wait3A_830 = tpu.memref_slice %arg3[%add3A_308] : memref<320000xi32, #tpu.memory_space<hbm>> -> memref<80xi32, #tpu.memory_space<hbm>>
      %dma_wait3A_831 = arith.constant 0 : i32
      %dma_wait3A_832 = tpu.memref_slice %arg7[%run_scoped3A_309, %dma_wait3A_831] : memref<4x80xi32, #tpu.memory_space<vmem>> -> memref<1x80xi32, #tpu.memory_space<vmem>>
      %dma_wait3A_833 = tpu.memref_squeeze %dma_wait3A_832 : memref<1x80xi32, #tpu.memory_space<vmem>> -> memref<80xi32, #tpu.memory_space<vmem>>
      %dma_wait3A_834 = tpu.memref_slice %arg3[%add3A_308] : memref<320000xi32, #tpu.memory_space<hbm>> -> memref<80xi32, #tpu.memory_space<hbm>>
      tpu.wait_dma2 semaphore(%run_scoped3A_818 : memref<!tpu.dma_semaphore, #tpu.memory_space<semaphore_mem>>) src(%dma_wait3A_834 : memref<80xi32, #tpu.memory_space<hbm>>) dst(%dma_wait3A_833 : memref<80xi32, #tpu.memory_space<vmem>>)
      tpu.yield
    }) : () -> ()
    %add3A_310 = arith.constant 0 : i32
    %add3A_311 = arith.addi %mul3A_306, %add3A_310 : i32
    %run_scoped3A_312 = arith.constant 0 : i32
    "tpu.region"() ({
      %run_scoped3A_818 = tpu.sem_alloc : memref<!tpu.dma_semaphore, #tpu.memory_space<semaphore_mem>>
      %dma_start3A_819 = arith.constant 0 : i32
      %dma_start3A_820 = tpu.memref_slice %arg8[%run_scoped3A_312, %dma_start3A_819] : memref<5x80xi32, #tpu.memory_space<vmem>> -> memref<1x80xi32, #tpu.memory_space<vmem>>
      %dma_start3A_821 = tpu.memref_squeeze %dma_start3A_820 : memref<1x80xi32, #tpu.memory_space<vmem>> -> memref<80xi32, #tpu.memory_space<vmem>>
      %dma_start3A_822 = tpu.memref_slice %arg4[%add3A_311] : memref<320000xi32, #tpu.memory_space<hbm>> -> memref<80xi32, #tpu.memory_space<hbm>>
      %dma_start3A_823 = arith.constant 0 : i32
      %dma_start3A_824 = tpu.memref_slice %arg8[%run_scoped3A_312, %dma_start3A_823] : memref<5x80xi32, #tpu.memory_space<vmem>> -> memref<1x80xi32, #tpu.memory_space<vmem>>
      %dma_start3A_825 = tpu.memref_squeeze %dma_start3A_824 : memref<1x80xi32, #tpu.memory_space<vmem>> -> memref<80xi32, #tpu.memory_space<vmem>>
      %dma_start3A_826 = tpu.memref_slice %arg4[%add3A_311] : memref<320000xi32, #tpu.memory_space<hbm>> -> memref<80xi32, #tpu.memory_space<hbm>>
      tpu.enqueue_dma source(%dma_start3A_826 : memref<80xi32, #tpu.memory_space<hbm>>) target(%dma_start3A_825 : memref<80xi32, #tpu.memory_space<vmem>>) target_semaphore(%run_scoped3A_818 : memref<!tpu.dma_semaphore, #tpu.memory_space<semaphore_mem>>)
      %dma_wait3A_827 = arith.constant 0 : i32
      %dma_wait3A_828 = tpu.memref_slice %arg8[%run_scoped3A_312, %dma_wait3A_827] : memref<5x80xi32, #tpu.memory_space<vmem>> -> memref<1x80xi32, #tpu.memory_space<vmem>>
      %dma_wait3A_829 = tpu.memref_squeeze %dma_wait3A_828 : memref<1x80xi32, #tpu.memory_space<vmem>> -> memref<80xi32, #tpu.memory_space<vmem>>
      %dma_wait3A_830 = tpu.memref_slice %arg4[%add3A_311] : memref<320000xi32, #tpu.memory_space<hbm>> -> memref<80xi32, #tpu.memory_space<hbm>>
      %dma_wait3A_831 = arith.constant 0 : i32
      %dma_wait3A_832 = tpu.memref_slice %arg8[%run_scoped3A_312, %dma_wait3A_831] : memref<5x80xi32, #tpu.memory_space<vmem>> -> memref<1x80xi32, #tpu.memory_space<vmem>>
      %dma_wait3A_833 = tpu.memref_squeeze %dma_wait3A_832 : memref<1x80xi32, #tpu.memory_space<vmem>> -> memref<80xi32, #tpu.memory_space<vmem>>
      %dma_wait3A_834 = tpu.memref_slice %arg4[%add3A_311] : memref<320000xi32, #tpu.memory_space<hbm>> -> memref<80xi32, #tpu.memory_space<hbm>>
      tpu.wait_dma2 semaphore(%run_scoped3A_818 : memref<!tpu.dma_semaphore, #tpu.memory_space<semaphore_mem>>) src(%dma_wait3A_834 : memref<80xi32, #tpu.memory_space<hbm>>) dst(%dma_wait3A_833 : memref<80xi32, #tpu.memory_space<vmem>>)
      tpu.yield
    }) : () -> ()
    %add3A_313 = arith.constant 80 : i32
    %add3A_314 = arith.addi %mul3A_306, %add3A_313 : i32
    %run_scoped3A_315 = arith.constant 1 : i32
    "tpu.region"() ({
      %run_scoped3A_818 = tpu.sem_alloc : memref<!tpu.dma_semaphore, #tpu.memory_space<semaphore_mem>>
      %dma_start3A_819 = arith.constant 0 : i32
      %dma_start3A_820 = tpu.memref_slice %arg7[%run_scoped3A_315, %dma_start3A_819] : memref<4x80xi32, #tpu.memory_space<vmem>> -> memref<1x80xi32, #tpu.memory_space<vmem>>
      %dma_start3A_821 = tpu.memref_squeeze %dma_start3A_820 : memref<1x80xi32, #tpu.memory_space<vmem>> -> memref<80xi32, #tpu.memory_space<vmem>>
      %dma_start3A_822 = tpu.memref_slice %arg3[%add3A_314] : memref<320000xi32, #tpu.memory_space<hbm>> -> memref<80xi32, #tpu.memory_space<hbm>>
      %dma_start3A_823 = arith.constant 0 : i32
      %dma_start3A_824 = tpu.memref_slice %arg7[%run_scoped3A_315, %dma_start3A_823] : memref<4x80xi32, #tpu.memory_space<vmem>> -> memref<1x80xi32, #tpu.memory_space<vmem>>
      %dma_start3A_825 = tpu.memref_squeeze %dma_start3A_824 : memref<1x80xi32, #tpu.memory_space<vmem>> -> memref<80xi32, #tpu.memory_space<vmem>>
      %dma_start3A_826 = tpu.memref_slice %arg3[%add3A_314] : memref<320000xi32, #tpu.memory_space<hbm>> -> memref<80xi32, #tpu.memory_space<hbm>>
      tpu.enqueue_dma source(%dma_start3A_826 : memref<80xi32, #tpu.memory_space<hbm>>) target(%dma_start3A_825 : memref<80xi32, #tpu.memory_space<vmem>>) target_semaphore(%run_scoped3A_818 : memref<!tpu.dma_semaphore, #tpu.memory_space<semaphore_mem>>)
      %dma_wait3A_827 = arith.constant 0 : i32
      %dma_wait3A_828 = tpu.memref_slice %arg7[%run_scoped3A_315, %dma_wait3A_827] : memref<4x80xi32, #tpu.memory_space<vmem>> -> memref<1x80xi32, #tpu.memory_space<vmem>>
      %dma_wait3A_829 = tpu.memref_squeeze %dma_wait3A_828 : memref<1x80xi32, #tpu.memory_space<vmem>> -> memref<80xi32, #tpu.memory_space<vmem>>
      %dma_wait3A_830 = tpu.memref_slice %arg3[%add3A_314] : memref<320000xi32, #tpu.memory_space<hbm>> -> memref<80xi32, #tpu.memory_space<hbm>>
      %dma_wait3A_831 = arith.constant 0 : i32
      %dma_wait3A_832 = tpu.memref_slice %arg7[%run_scoped3A_315, %dma_wait3A_831] : memref<4x80xi32, #tpu.memory_space<vmem>> -> memref<1x80xi32, #tpu.memory_space<vmem>>
      %dma_wait3A_833 = tpu.memref_squeeze %dma_wait3A_832 : memref<1x80xi32, #tpu.memory_space<vmem>> -> memref<80xi32, #tpu.memory_space<vmem>>
      %dma_wait3A_834 = tpu.memref_slice %arg3[%add3A_314] : memref<320000xi32, #tpu.memory_space<hbm>> -> memref<80xi32, #tpu.memory_space<hbm>>
      tpu.wait_dma2 semaphore(%run_scoped3A_818 : memref<!tpu.dma_semaphore, #tpu.memory_space<semaphore_mem>>) src(%dma_wait3A_834 : memref<80xi32, #tpu.memory_space<hbm>>) dst(%dma_wait3A_833 : memref<80xi32, #tpu.memory_space<vmem>>)
      tpu.yield
    }) : () -> ()
    %add3A_316 = arith.constant 80 : i32
    %add3A_317 = arith.addi %mul3A_306, %add3A_316 : i32
    %run_scoped3A_318 = arith.constant 1 : i32
    "tpu.region"() ({
      %run_scoped3A_818 = tpu.sem_alloc : memref<!tpu.dma_semaphore, #tpu.memory_space<semaphore_mem>>
      %dma_start3A_819 = arith.constant 0 : i32
      %dma_start3A_820 = tpu.memref_slice %arg8[%run_scoped3A_318, %dma_start3A_819] : memref<5x80xi32, #tpu.memory_space<vmem>> -> memref<1x80xi32, #tpu.memory_space<vmem>>
      %dma_start3A_821 = tpu.memref_squeeze %dma_start3A_820 : memref<1x80xi32, #tpu.memory_space<vmem>> -> memref<80xi32, #tpu.memory_space<vmem>>
      %dma_start3A_822 = tpu.memref_slice %arg4[%add3A_317] : memref<320000xi32, #tpu.memory_space<hbm>> -> memref<80xi32, #tpu.memory_space<hbm>>
      %dma_start3A_823 = arith.constant 0 : i32
      %dma_start3A_824 = tpu.memref_slice %arg8[%run_scoped3A_318, %dma_start3A_823] : memref<5x80xi32, #tpu.memory_space<vmem>> -> memref<1x80xi32, #tpu.memory_space<vmem>>
      %dma_start3A_825 = tpu.memref_squeeze %dma_start3A_824 : memref<1x80xi32, #tpu.memory_space<vmem>> -> memref<80xi32, #tpu.memory_space<vmem>>
      %dma_start3A_826 = tpu.memref_slice %arg4[%add3A_317] : memref<320000xi32, #tpu.memory_space<hbm>> -> memref<80xi32, #tpu.memory_space<hbm>>
      tpu.enqueue_dma source(%dma_start3A_826 : memref<80xi32, #tpu.memory_space<hbm>>) target(%dma_start3A_825 : memref<80xi32, #tpu.memory_space<vmem>>) target_semaphore(%run_scoped3A_818 : memref<!tpu.dma_semaphore, #tpu.memory_space<semaphore_mem>>)
      %dma_wait3A_827 = arith.constant 0 : i32
      %dma_wait3A_828 = tpu.memref_slice %arg8[%run_scoped3A_318, %dma_wait3A_827] : memref<5x80xi32, #tpu.memory_space<vmem>> -> memref<1x80xi32, #tpu.memory_space<vmem>>
      %dma_wait3A_829 = tpu.memref_squeeze %dma_wait3A_828 : memref<1x80xi32, #tpu.memory_space<vmem>> -> memref<80xi32, #tpu.memory_space<vmem>>
      %dma_wait3A_830 = tpu.memref_slice %arg4[%add3A_317] : memref<320000xi32, #tpu.memory_space<hbm>> -> memref<80xi32, #tpu.memory_space<hbm>>
      %dma_wait3A_831 = arith.constant 0 : i32
      %dma_wait3A_832 = tpu.memref_slice %arg8[%run_scoped3A_318, %dma_wait3A_831] : memref<5x80xi32, #tpu.memory_space<vmem>> -> memref<1x80xi32, #tpu.memory_space<vmem>>
      %dma_wait3A_833 = tpu.memref_squeeze %dma_wait3A_832 : memref<1x80xi32, #tpu.memory_space<vmem>> -> memref<80xi32, #tpu.memory_space<vmem>>
      %dma_wait3A_834 = tpu.memref_slice %arg4[%add3A_317] : memref<320000xi32, #tpu.memory_space<hbm>> -> memref<80xi32, #tpu.memory_space<hbm>>
      tpu.wait_dma2 semaphore(%run_scoped3A_818 : memref<!tpu.dma_semaphore, #tpu.memory_space<semaphore_mem>>) src(%dma_wait3A_834 : memref<80xi32, #tpu.memory_space<hbm>>) dst(%dma_wait3A_833 : memref<80xi32, #tpu.memory_space<vmem>>)
      tpu.yield
    }) : () -> ()
    %add3A_319 = arith.constant 160 : i32
    %add3A_320 = arith.addi %mul3A_306, %add3A_319 : i32
    %run_scoped3A_321 = arith.constant 2 : i32
    "tpu.region"() ({
      %run_scoped3A_818 = tpu.sem_alloc : memref<!tpu.dma_semaphore, #tpu.memory_space<semaphore_mem>>
      %dma_start3A_819 = arith.constant 0 : i32
      %dma_start3A_820 = tpu.memref_slice %arg7[%run_scoped3A_321, %dma_start3A_819] : memref<4x80xi32, #tpu.memory_space<vmem>> -> memref<1x80xi32, #tpu.memory_space<vmem>>
      %dma_start3A_821 = tpu.memref_squeeze %dma_start3A_820 : memref<1x80xi32, #tpu.memory_space<vmem>> -> memref<80xi32, #tpu.memory_space<vmem>>
      %dma_start3A_822 = tpu.memref_slice %arg3[%add3A_320] : memref<320000xi32, #tpu.memory_space<hbm>> -> memref<80xi32, #tpu.memory_space<hbm>>
      %dma_start3A_823 = arith.constant 0 : i32
      %dma_start3A_824 = tpu.memref_slice %arg7[%run_scoped3A_321, %dma_start3A_823] : memref<4x80xi32, #tpu.memory_space<vmem>> -> memref<1x80xi32, #tpu.memory_space<vmem>>
      %dma_start3A_825 = tpu.memref_squeeze %dma_start3A_824 : memref<1x80xi32, #tpu.memory_space<vmem>> -> memref<80xi32, #tpu.memory_space<vmem>>
      %dma_start3A_826 = tpu.memref_slice %arg3[%add3A_320] : memref<320000xi32, #tpu.memory_space<hbm>> -> memref<80xi32, #tpu.memory_space<hbm>>
      tpu.enqueue_dma source(%dma_start3A_826 : memref<80xi32, #tpu.memory_space<hbm>>) target(%dma_start3A_825 : memref<80xi32, #tpu.memory_space<vmem>>) target_semaphore(%run_scoped3A_818 : memref<!tpu.dma_semaphore, #tpu.memory_space<semaphore_mem>>)
      %dma_wait3A_827 = arith.constant 0 : i32
      %dma_wait3A_828 = tpu.memref_slice %arg7[%run_scoped3A_321, %dma_wait3A_827] : memref<4x80xi32, #tpu.memory_space<vmem>> -> memref<1x80xi32, #tpu.memory_space<vmem>>
      %dma_wait3A_829 = tpu.memref_squeeze %dma_wait3A_828 : memref<1x80xi32, #tpu.memory_space<vmem>> -> memref<80xi32, #tpu.memory_space<vmem>>
      %dma_wait3A_830 = tpu.memref_slice %arg3[%add3A_320] : memref<320000xi32, #tpu.memory_space<hbm>> -> memref<80xi32, #tpu.memory_space<hbm>>
      %dma_wait3A_831 = arith.constant 0 : i32
      %dma_wait3A_832 = tpu.memref_slice %arg7[%run_scoped3A_321, %dma_wait3A_831] : memref<4x80xi32, #tpu.memory_space<vmem>> -> memref<1x80xi32, #tpu.memory_space<vmem>>
      %dma_wait3A_833 = tpu.memref_squeeze %dma_wait3A_832 : memref<1x80xi32, #tpu.memory_space<vmem>> -> memref<80xi32, #tpu.memory_space<vmem>>
      %dma_wait3A_834 = tpu.memref_slice %arg3[%add3A_320] : memref<320000xi32, #tpu.memory_space<hbm>> -> memref<80xi32, #tpu.memory_space<hbm>>
      tpu.wait_dma2 semaphore(%run_scoped3A_818 : memref<!tpu.dma_semaphore, #tpu.memory_space<semaphore_mem>>) src(%dma_wait3A_834 : memref<80xi32, #tpu.memory_space<hbm>>) dst(%dma_wait3A_833 : memref<80xi32, #tpu.memory_space<vmem>>)
      tpu.yield
    }) : () -> ()
    %add3A_322 = arith.constant 160 : i32
    %add3A_323 = arith.addi %mul3A_306, %add3A_322 : i32
    %run_scoped3A_324 = arith.constant 2 : i32
    "tpu.region"() ({
      %run_scoped3A_818 = tpu.sem_alloc : memref<!tpu.dma_semaphore, #tpu.memory_space<semaphore_mem>>
      %dma_start3A_819 = arith.constant 0 : i32
      %dma_start3A_820 = tpu.memref_slice %arg8[%run_scoped3A_324, %dma_start3A_819] : memref<5x80xi32, #tpu.memory_space<vmem>> -> memref<1x80xi32, #tpu.memory_space<vmem>>
      %dma_start3A_821 = tpu.memref_squeeze %dma_start3A_820 : memref<1x80xi32, #tpu.memory_space<vmem>> -> memref<80xi32, #tpu.memory_space<vmem>>
      %dma_start3A_822 = tpu.memref_slice %arg4[%add3A_323] : memref<320000xi32, #tpu.memory_space<hbm>> -> memref<80xi32, #tpu.memory_space<hbm>>
      %dma_start3A_823 = arith.constant 0 : i32
      %dma_start3A_824 = tpu.memref_slice %arg8[%run_scoped3A_324, %dma_start3A_823] : memref<5x80xi32, #tpu.memory_space<vmem>> -> memref<1x80xi32, #tpu.memory_space<vmem>>
      %dma_start3A_825 = tpu.memref_squeeze %dma_start3A_824 : memref<1x80xi32, #tpu.memory_space<vmem>> -> memref<80xi32, #tpu.memory_space<vmem>>
      %dma_start3A_826 = tpu.memref_slice %arg4[%add3A_323] : memref<320000xi32, #tpu.memory_space<hbm>> -> memref<80xi32, #tpu.memory_space<hbm>>
      tpu.enqueue_dma source(%dma_start3A_826 : memref<80xi32, #tpu.memory_space<hbm>>) target(%dma_start3A_825 : memref<80xi32, #tpu.memory_space<vmem>>) target_semaphore(%run_scoped3A_818 : memref<!tpu.dma_semaphore, #tpu.memory_space<semaphore_mem>>)
      %dma_wait3A_827 = arith.constant 0 : i32
      %dma_wait3A_828 = tpu.memref_slice %arg8[%run_scoped3A_324, %dma_wait3A_827] : memref<5x80xi32, #tpu.memory_space<vmem>> -> memref<1x80xi32, #tpu.memory_space<vmem>>
      %dma_wait3A_829 = tpu.memref_squeeze %dma_wait3A_828 : memref<1x80xi32, #tpu.memory_space<vmem>> -> memref<80xi32, #tpu.memory_space<vmem>>
      %dma_wait3A_830 = tpu.memref_slice %arg4[%add3A_323] : memref<320000xi32, #tpu.memory_space<hbm>> -> memref<80xi32, #tpu.memory_space<hbm>>
      %dma_wait3A_831 = arith.constant 0 : i32
      %dma_wait3A_832 = tpu.memref_slice %arg8[%run_scoped3A_324, %dma_wait3A_831] : memref<5x80xi32, #tpu.memory_space<vmem>> -> memref<1x80xi32, #tpu.memory_space<vmem>>
      %dma_wait3A_833 = tpu.memref_squeeze %dma_wait3A_832 : memref<1x80xi32, #tpu.memory_space<vmem>> -> memref<80xi32, #tpu.memory_space<vmem>>
      %dma_wait3A_834 = tpu.memref_slice %arg4[%add3A_323] : memref<320000xi32, #tpu.memory_space<hbm>> -> memref<80xi32, #tpu.memory_space<hbm>>
      tpu.wait_dma2 semaphore(%run_scoped3A_818 : memref<!tpu.dma_semaphore, #tpu.memory_space<semaphore_mem>>) src(%dma_wait3A_834 : memref<80xi32, #tpu.memory_space<hbm>>) dst(%dma_wait3A_833 : memref<80xi32, #tpu.memory_space<vmem>>)
      tpu.yield
    }) : () -> ()
    %add3A_325 = arith.constant 240 : i32
    %add3A_326 = arith.addi %mul3A_306, %add3A_325 : i32
    %run_scoped3A_327 = arith.constant 3 : i32
    "tpu.region"() ({
      %run_scoped3A_818 = tpu.sem_alloc : memref<!tpu.dma_semaphore, #tpu.memory_space<semaphore_mem>>
      %dma_start3A_819 = arith.constant 0 : i32
      %dma_start3A_820 = tpu.memref_slice %arg7[%run_scoped3A_327, %dma_start3A_819] : memref<4x80xi32, #tpu.memory_space<vmem>> -> memref<1x80xi32, #tpu.memory_space<vmem>>
      %dma_start3A_821 = tpu.memref_squeeze %dma_start3A_820 : memref<1x80xi32, #tpu.memory_space<vmem>> -> memref<80xi32, #tpu.memory_space<vmem>>
      %dma_start3A_822 = tpu.memref_slice %arg3[%add3A_326] : memref<320000xi32, #tpu.memory_space<hbm>> -> memref<80xi32, #tpu.memory_space<hbm>>
      %dma_start3A_823 = arith.constant 0 : i32
      %dma_start3A_824 = tpu.memref_slice %arg7[%run_scoped3A_327, %dma_start3A_823] : memref<4x80xi32, #tpu.memory_space<vmem>> -> memref<1x80xi32, #tpu.memory_space<vmem>>
      %dma_start3A_825 = tpu.memref_squeeze %dma_start3A_824 : memref<1x80xi32, #tpu.memory_space<vmem>> -> memref<80xi32, #tpu.memory_space<vmem>>
      %dma_start3A_826 = tpu.memref_slice %arg3[%add3A_326] : memref<320000xi32, #tpu.memory_space<hbm>> -> memref<80xi32, #tpu.memory_space<hbm>>
      tpu.enqueue_dma source(%dma_start3A_826 : memref<80xi32, #tpu.memory_space<hbm>>) target(%dma_start3A_825 : memref<80xi32, #tpu.memory_space<vmem>>) target_semaphore(%run_scoped3A_818 : memref<!tpu.dma_semaphore, #tpu.memory_space<semaphore_mem>>)
      %dma_wait3A_827 = arith.constant 0 : i32
      %dma_wait3A_828 = tpu.memref_slice %arg7[%run_scoped3A_327, %dma_wait3A_827] : memref<4x80xi32, #tpu.memory_space<vmem>> -> memref<1x80xi32, #tpu.memory_space<vmem>>
      %dma_wait3A_829 = tpu.memref_squeeze %dma_wait3A_828 : memref<1x80xi32, #tpu.memory_space<vmem>> -> memref<80xi32, #tpu.memory_space<vmem>>
      %dma_wait3A_830 = tpu.memref_slice %arg3[%add3A_326] : memref<320000xi32, #tpu.memory_space<hbm>> -> memref<80xi32, #tpu.memory_space<hbm>>
      %dma_wait3A_831 = arith.constant 0 : i32
      %dma_wait3A_832 = tpu.memref_slice %arg7[%run_scoped3A_327, %dma_wait3A_831] : memref<4x80xi32, #tpu.memory_space<vmem>> -> memref<1x80xi32, #tpu.memory_space<vmem>>
      %dma_wait3A_833 = tpu.memref_squeeze %dma_wait3A_832 : memref<1x80xi32, #tpu.memory_space<vmem>> -> memref<80xi32, #tpu.memory_space<vmem>>
      %dma_wait3A_834 = tpu.memref_slice %arg3[%add3A_326] : memref<320000xi32, #tpu.memory_space<hbm>> -> memref<80xi32, #tpu.memory_space<hbm>>
      tpu.wait_dma2 semaphore(%run_scoped3A_818 : memref<!tpu.dma_semaphore, #tpu.memory_space<semaphore_mem>>) src(%dma_wait3A_834 : memref<80xi32, #tpu.memory_space<hbm>>) dst(%dma_wait3A_833 : memref<80xi32, #tpu.memory_space<vmem>>)
      tpu.yield
    }) : () -> ()
    %add3A_328 = arith.constant 240 : i32
    %add3A_329 = arith.addi %mul3A_306, %add3A_328 : i32
    %run_scoped3A_330 = arith.constant 3 : i32
    "tpu.region"() ({
      %run_scoped3A_818 = tpu.sem_alloc : memref<!tpu.dma_semaphore, #tpu.memory_space<semaphore_mem>>
      %dma_start3A_819 = arith.constant 0 : i32
      %dma_start3A_820 = tpu.memref_slice %arg8[%run_scoped3A_330, %dma_start3A_819] : memref<5x80xi32, #tpu.memory_space<vmem>> -> memref<1x80xi32, #tpu.memory_space<vmem>>
      %dma_start3A_821 = tpu.memref_squeeze %dma_start3A_820 : memref<1x80xi32, #tpu.memory_space<vmem>> -> memref<80xi32, #tpu.memory_space<vmem>>
      %dma_start3A_822 = tpu.memref_slice %arg4[%add3A_329] : memref<320000xi32, #tpu.memory_space<hbm>> -> memref<80xi32, #tpu.memory_space<hbm>>
      %dma_start3A_823 = arith.constant 0 : i32
      %dma_start3A_824 = tpu.memref_slice %arg8[%run_scoped3A_330, %dma_start3A_823] : memref<5x80xi32, #tpu.memory_space<vmem>> -> memref<1x80xi32, #tpu.memory_space<vmem>>
      %dma_start3A_825 = tpu.memref_squeeze %dma_start3A_824 : memref<1x80xi32, #tpu.memory_space<vmem>> -> memref<80xi32, #tpu.memory_space<vmem>>
      %dma_start3A_826 = tpu.memref_slice %arg4[%add3A_329] : memref<320000xi32, #tpu.memory_space<hbm>> -> memref<80xi32, #tpu.memory_space<hbm>>
      tpu.enqueue_dma source(%dma_start3A_826 : memref<80xi32, #tpu.memory_space<hbm>>) target(%dma_start3A_825 : memref<80xi32, #tpu.memory_space<vmem>>) target_semaphore(%run_scoped3A_818 : memref<!tpu.dma_semaphore, #tpu.memory_space<semaphore_mem>>)
      %dma_wait3A_827 = arith.constant 0 : i32
      %dma_wait3A_828 = tpu.memref_slice %arg8[%run_scoped3A_330, %dma_wait3A_827] : memref<5x80xi32, #tpu.memory_space<vmem>> -> memref<1x80xi32, #tpu.memory_space<vmem>>
      %dma_wait3A_829 = tpu.memref_squeeze %dma_wait3A_828 : memref<1x80xi32, #tpu.memory_space<vmem>> -> memref<80xi32, #tpu.memory_space<vmem>>
      %dma_wait3A_830 = tpu.memref_slice %arg4[%add3A_329] : memref<320000xi32, #tpu.memory_space<hbm>> -> memref<80xi32, #tpu.memory_space<hbm>>
      %dma_wait3A_831 = arith.constant 0 : i32
      %dma_wait3A_832 = tpu.memref_slice %arg8[%run_scoped3A_330, %dma_wait3A_831] : memref<5x80xi32, #tpu.memory_space<vmem>> -> memref<1x80xi32, #tpu.memory_space<vmem>>
      %dma_wait3A_833 = tpu.memref_squeeze %dma_wait3A_832 : memref<1x80xi32, #tpu.memory_space<vmem>> -> memref<80xi32, #tpu.memory_space<vmem>>
      %dma_wait3A_834 = tpu.memref_slice %arg4[%add3A_329] : memref<320000xi32, #tpu.memory_space<hbm>> -> memref<80xi32, #tpu.memory_space<hbm>>
      tpu.wait_dma2 semaphore(%run_scoped3A_818 : memref<!tpu.dma_semaphore, #tpu.memory_space<semaphore_mem>>) src(%dma_wait3A_834 : memref<80xi32, #tpu.memory_space<hbm>>) dst(%dma_wait3A_833 : memref<80xi32, #tpu.memory_space<vmem>>)
      tpu.yield
    }) : () -> ()
    %dma_start3A_331 = arith.constant 0 : i32
    %dma_start3A_332 = arith.constant 0 : i32
    %dma_start3A_333 = arith.constant 0 : i32
    %dma_start3A_334 = arith.constant 0 : i32
    %dma_start3A_335 = arith.constant 0 : i32
    %dma_start3A_336 = tpu.memref_slice %arg9[%dma_start3A_332, %dma_start3A_334, %dma_start3A_335] : memref<4x80x128xf32, #tpu.memory_space<vmem>> -> memref<1x80x128xf32, #tpu.memory_space<vmem>>
    %dma_start3A_337 = tpu.memref_squeeze %dma_start3A_336 : memref<1x80x128xf32, #tpu.memory_space<vmem>> -> memref<80x128xf32, #tpu.memory_space<vmem>>
    %dma_start3A_338 = arith.constant 0 : i32
    %dma_start3A_339 = tpu.memref_slice %arg7[%dma_start3A_331, %dma_start3A_338] : memref<4x80xi32, #tpu.memory_space<vmem>> -> memref<1x80xi32, #tpu.memory_space<vmem>>
    %dma_start3A_340 = tpu.memref_squeeze %dma_start3A_339 : memref<1x80xi32, #tpu.memory_space<vmem>> -> memref<80xi32, #tpu.memory_space<vmem>>
    %dma_start3A_341 = arith.constant 0 : i32
    %dma_start3A_342 = arith.constant 0 : i32
    %dma_start3A_343 = tpu.memref_slice %arg2[%dma_start3A_341, %dma_start3A_342] : memref<10000x128xf32, #tpu.memory_space<hbm>> -> memref<10000x128xf32, #tpu.memory_space<hbm>>
    %dma_start3A_344 = tpu.memref_slice %arg11[%dma_start3A_333] : memref<4x!tpu.dma_semaphore, #tpu.memory_space<semaphore_mem>> -> memref<1x!tpu.dma_semaphore, #tpu.memory_space<semaphore_mem>>
    %dma_start3A_345 = tpu.memref_squeeze %dma_start3A_344 : memref<1x!tpu.dma_semaphore, #tpu.memory_space<semaphore_mem>> -> memref<!tpu.dma_semaphore, #tpu.memory_space<semaphore_mem>>
    tpu.enqueue_indirect_dma source(%dma_start3A_343 : memref<10000x128xf32, #tpu.memory_space<hbm>>) target(%dma_start3A_337 : memref<80x128xf32, #tpu.memory_space<vmem>>) offsets(%dma_start3A_340 : memref<80xi32, #tpu.memory_space<vmem>>) semaphore(%dma_start3A_345 : memref<!tpu.dma_semaphore, #tpu.memory_space<semaphore_mem>>)
    %dma_start3A_346 = arith.constant 1 : i32
    %dma_start3A_347 = arith.constant 1 : i32
    %dma_start3A_348 = arith.constant 1 : i32
    %dma_start3A_349 = arith.constant 0 : i32
    %dma_start3A_350 = arith.constant 0 : i32
    %dma_start3A_351 = tpu.memref_slice %arg9[%dma_start3A_347, %dma_start3A_349, %dma_start3A_350] : memref<4x80x128xf32, #tpu.memory_space<vmem>> -> memref<1x80x128xf32, #tpu.memory_space<vmem>>
    %dma_start3A_352 = tpu.memref_squeeze %dma_start3A_351 : memref<1x80x128xf32, #tpu.memory_space<vmem>> -> memref<80x128xf32, #tpu.memory_space<vmem>>
    %dma_start3A_353 = arith.constant 0 : i32
    %dma_start3A_354 = tpu.memref_slice %arg7[%dma_start3A_346, %dma_start3A_353] : memref<4x80xi32, #tpu.memory_space<vmem>> -> memref<1x80xi32, #tpu.memory_space<vmem>>
    %dma_start3A_355 = tpu.memref_squeeze %dma_start3A_354 : memref<1x80xi32, #tpu.memory_space<vmem>> -> memref<80xi32, #tpu.memory_space<vmem>>
    %dma_start3A_356 = arith.constant 0 : i32
    %dma_start3A_357 = arith.constant 0 : i32
    %dma_start3A_358 = tpu.memref_slice %arg2[%dma_start3A_356, %dma_start3A_357] : memref<10000x128xf32, #tpu.memory_space<hbm>> -> memref<10000x128xf32, #tpu.memory_space<hbm>>
    %dma_start3A_359 = tpu.memref_slice %arg11[%dma_start3A_348] : memref<4x!tpu.dma_semaphore, #tpu.memory_space<semaphore_mem>> -> memref<1x!tpu.dma_semaphore, #tpu.memory_space<semaphore_mem>>
    %dma_start3A_360 = tpu.memref_squeeze %dma_start3A_359 : memref<1x!tpu.dma_semaphore, #tpu.memory_space<semaphore_mem>> -> memref<!tpu.dma_semaphore, #tpu.memory_space<semaphore_mem>>
    tpu.enqueue_indirect_dma source(%dma_start3A_358 : memref<10000x128xf32, #tpu.memory_space<hbm>>) target(%dma_start3A_352 : memref<80x128xf32, #tpu.memory_space<vmem>>) offsets(%dma_start3A_355 : memref<80xi32, #tpu.memory_space<vmem>>) semaphore(%dma_start3A_360 : memref<!tpu.dma_semaphore, #tpu.memory_space<semaphore_mem>>)
    %dma_start3A_361 = arith.constant 2 : i32
    %dma_start3A_362 = arith.constant 2 : i32
    %dma_start3A_363 = arith.constant 2 : i32
    %dma_start3A_364 = arith.constant 0 : i32
    %dma_start3A_365 = arith.constant 0 : i32
    %dma_start3A_366 = tpu.memref_slice %arg9[%dma_start3A_362, %dma_start3A_364, %dma_start3A_365] : memref<4x80x128xf32, #tpu.memory_space<vmem>> -> memref<1x80x128xf32, #tpu.memory_space<vmem>>
    %dma_start3A_367 = tpu.memref_squeeze %dma_start3A_366 : memref<1x80x128xf32, #tpu.memory_space<vmem>> -> memref<80x128xf32, #tpu.memory_space<vmem>>
    %dma_start3A_368 = arith.constant 0 : i32
    %dma_start3A_369 = tpu.memref_slice %arg7[%dma_start3A_361, %dma_start3A_368] : memref<4x80xi32, #tpu.memory_space<vmem>> -> memref<1x80xi32, #tpu.memory_space<vmem>>
    %dma_start3A_370 = tpu.memref_squeeze %dma_start3A_369 : memref<1x80xi32, #tpu.memory_space<vmem>> -> memref<80xi32, #tpu.memory_space<vmem>>
    %dma_start3A_371 = arith.constant 0 : i32
    %dma_start3A_372 = arith.constant 0 : i32
    %dma_start3A_373 = tpu.memref_slice %arg2[%dma_start3A_371, %dma_start3A_372] : memref<10000x128xf32, #tpu.memory_space<hbm>> -> memref<10000x128xf32, #tpu.memory_space<hbm>>
    %dma_start3A_374 = tpu.memref_slice %arg11[%dma_start3A_363] : memref<4x!tpu.dma_semaphore, #tpu.memory_space<semaphore_mem>> -> memref<1x!tpu.dma_semaphore, #tpu.memory_space<semaphore_mem>>
    %dma_start3A_375 = tpu.memref_squeeze %dma_start3A_374 : memref<1x!tpu.dma_semaphore, #tpu.memory_space<semaphore_mem>> -> memref<!tpu.dma_semaphore, #tpu.memory_space<semaphore_mem>>
    tpu.enqueue_indirect_dma source(%dma_start3A_373 : memref<10000x128xf32, #tpu.memory_space<hbm>>) target(%dma_start3A_367 : memref<80x128xf32, #tpu.memory_space<vmem>>) offsets(%dma_start3A_370 : memref<80xi32, #tpu.memory_space<vmem>>) semaphore(%dma_start3A_375 : memref<!tpu.dma_semaphore, #tpu.memory_space<semaphore_mem>>)
    %scan3A = arith.constant 0 : i32
    %scan3A_376 = arith.constant 0 : i32
    %scan3A_377 = arith.constant 125 : i32
    %scan3A_378 = arith.addi %scan3A_376, %scan3A_377 : i32
    %scan3A_379 = arith.constant 1 : i32
    scf.for %scan3A_818 = %scan3A_376 to %scan3A_378 step %scan3A_379  : i32 {
      %rem3A = arith.constant 4 : i32
      %rem3A_819 = arith.remsi %scan3A_818, %rem3A : i32
      %add3A_820 = arith.constant 3 : i32
      %add3A_821 = arith.addi %scan3A_818, %add3A_820 : i32
      %rem3A_822 = arith.constant 4 : i32
      %rem3A_823 = arith.remsi %add3A_821, %rem3A_822 : i32
      %rem3A_824 = arith.constant 5 : i32
      %rem3A_825 = arith.remsi %scan3A_818, %rem3A_824 : i32
      %add3A_826 = arith.constant 4 : i32
      %add3A_827 = arith.addi %scan3A_818, %add3A_826 : i32
      %rem3A_828 = arith.constant 5 : i32
      %rem3A_829 = arith.remsi %add3A_827, %rem3A_828 : i32
      %dma_wait3A_830 = arith.constant 0 : i32
      %dma_wait3A_831 = arith.constant 0 : i32
      %dma_wait3A_832 = arith.constant 0 : i32
      %dma_wait3A_833 = arith.constant 0 : i32
      %dma_wait3A_834 = tpu.memref_slice %arg9[%dma_wait3A_831, %dma_wait3A_832, %dma_wait3A_833] : memref<4x80x128xf32, #tpu.memory_space<vmem>> -> memref<1x80x128xf32, #tpu.memory_space<vmem>>
      %dma_wait3A_835 = tpu.memref_squeeze %dma_wait3A_834 : memref<1x80x128xf32, #tpu.memory_space<vmem>> -> memref<80x128xf32, #tpu.memory_space<vmem>>
      %dma_wait3A_836 = arith.constant 0 : i32
      %dma_wait3A_837 = tpu.memref_slice %arg7[%dma_wait3A_830, %dma_wait3A_836] : memref<4x80xi32, #tpu.memory_space<vmem>> -> memref<1x80xi32, #tpu.memory_space<vmem>>
      %dma_wait3A_838 = tpu.memref_squeeze %dma_wait3A_837 : memref<1x80xi32, #tpu.memory_space<vmem>> -> memref<80xi32, #tpu.memory_space<vmem>>
      %dma_wait3A_839 = arith.constant 0 : i32
      %dma_wait3A_840 = arith.constant 0 : i32
      %dma_wait3A_841 = tpu.memref_slice %arg2[%dma_wait3A_839, %dma_wait3A_840] : memref<10000x128xf32, #tpu.memory_space<hbm>> -> memref<10000x128xf32, #tpu.memory_space<hbm>>
      %dma_wait3A_842 = tpu.memref_slice %arg11[%rem3A_819] : memref<4x!tpu.dma_semaphore, #tpu.memory_space<semaphore_mem>> -> memref<1x!tpu.dma_semaphore, #tpu.memory_space<semaphore_mem>>
      %dma_wait3A_843 = tpu.memref_squeeze %dma_wait3A_842 : memref<1x!tpu.dma_semaphore, #tpu.memory_space<semaphore_mem>> -> memref<!tpu.dma_semaphore, #tpu.memory_space<semaphore_mem>>
      tpu.wait_indirect_dma semaphore(%dma_wait3A_843 : memref<!tpu.dma_semaphore, #tpu.memory_space<semaphore_mem>>) src(%dma_wait3A_841 : memref<10000x128xf32, #tpu.memory_space<hbm>>) dst(%dma_wait3A_835 : memref<80x128xf32, #tpu.memory_space<vmem>>)
      %dma_start3A_844 = arith.constant 0 : i32
      %dma_start3A_845 = arith.constant 0 : i32
      %dma_start3A_846 = tpu.memref_slice %arg9[%rem3A_819, %dma_start3A_844, %dma_start3A_845] : memref<4x80x128xf32, #tpu.memory_space<vmem>> -> memref<1x80x128xf32, #tpu.memory_space<vmem>>
      %dma_start3A_847 = tpu.memref_squeeze %dma_start3A_846 : memref<1x80x128xf32, #tpu.memory_space<vmem>> -> memref<80x128xf32, #tpu.memory_space<vmem>>
      %dma_start3A_848 = arith.constant 0 : i32
      %dma_start3A_849 = tpu.memref_slice %arg8[%rem3A_825, %dma_start3A_848] : memref<5x80xi32, #tpu.memory_space<vmem>> -> memref<1x80xi32, #tpu.memory_space<vmem>>
      %dma_start3A_850 = tpu.memref_squeeze %dma_start3A_849 : memref<1x80xi32, #tpu.memory_space<vmem>> -> memref<80xi32, #tpu.memory_space<vmem>>
      %dma_start3A_851 = arith.constant 0 : i32
      %dma_start3A_852 = arith.constant 0 : i32
      %dma_start3A_853 = tpu.memref_slice %arg10[%dma_start3A_851, %dma_start3A_852] : memref<10240x128xf32, #tpu.memory_space<vmem_shared>> -> memref<10240x128xf32, #tpu.memory_space<vmem_shared>>
      %dma_start3A_854 = tpu.memref_slice %arg13[%rem3A_819] : memref<4x!tpu.dma_semaphore, #tpu.memory_space<semaphore_mem>> -> memref<1x!tpu.dma_semaphore, #tpu.memory_space<semaphore_mem>>
      %dma_start3A_855 = tpu.memref_squeeze %dma_start3A_854 : memref<1x!tpu.dma_semaphore, #tpu.memory_space<semaphore_mem>> -> memref<!tpu.dma_semaphore, #tpu.memory_space<semaphore_mem>>
      tpu.enqueue_indirect_dma source(%dma_start3A_847 : memref<80x128xf32, #tpu.memory_space<vmem>>) target(%dma_start3A_853 : memref<10240x128xf32, #tpu.memory_space<vmem_shared>>) offsets(%dma_start3A_850 : memref<80xi32, #tpu.memory_space<vmem>>) semaphore(%dma_start3A_855 : memref<!tpu.dma_semaphore, #tpu.memory_space<semaphore_mem>>) {add = true}
      %ge3A = arith.constant 1 : i32
      %ge3A_856 = arith.cmpi sge, %scan3A_818, %ge3A : i32
      %add3A_857 = arith.constant 3 : i32
      %add3A_858 = arith.addi %scan3A_818, %add3A_857 : i32
      %lt3A = arith.constant 125 : i32
      %lt3A_859 = arith.cmpi slt, %add3A_858, %lt3A : i32
      %and3A = arith.andi %ge3A_856, %lt3A_859 : i1
      %convert_element_type3A = arith.extui %and3A : i1 to i32
      %cond3A = arith.constant 0 : i32
      %cond3A_860 = arith.cmpi ne, %convert_element_type3A, %cond3A : i32
      scf.if %cond3A_860 {
        %add3A_875 = arith.constant 0 : i32
        %add3A_876 = arith.addi %mul3A_306, %add3A_875 : i32
        %dma_wait3A_877 = arith.constant 0 : i32
        %dma_wait3A_878 = arith.constant 0 : i32
        %dma_wait3A_879 = tpu.memref_slice %arg7[%dma_wait3A_877, %dma_wait3A_878] : memref<4x80xi32, #tpu.memory_space<vmem>> -> memref<1x80xi32, #tpu.memory_space<vmem>>
        %dma_wait3A_880 = tpu.memref_squeeze %dma_wait3A_879 : memref<1x80xi32, #tpu.memory_space<vmem>> -> memref<80xi32, #tpu.memory_space<vmem>>
        %dma_wait3A_881 = tpu.memref_slice %arg3[%add3A_876] : memref<320000xi32, #tpu.memory_space<hbm>> -> memref<80xi32, #tpu.memory_space<hbm>>
        %dma_wait3A_882 = tpu.memref_slice %arg12[%rem3A_823] : memref<4x!tpu.dma_semaphore, #tpu.memory_space<semaphore_mem>> -> memref<1x!tpu.dma_semaphore, #tpu.memory_space<semaphore_mem>>
        %dma_wait3A_883 = tpu.memref_squeeze %dma_wait3A_882 : memref<1x!tpu.dma_semaphore, #tpu.memory_space<semaphore_mem>> -> memref<!tpu.dma_semaphore, #tpu.memory_space<semaphore_mem>>
        %dma_wait3A_884 = arith.constant 0 : i32
        %dma_wait3A_885 = tpu.memref_slice %arg7[%dma_wait3A_877, %dma_wait3A_884] : memref<4x80xi32, #tpu.memory_space<vmem>> -> memref<1x80xi32, #tpu.memory_space<vmem>>
        %dma_wait3A_886 = tpu.memref_squeeze %dma_wait3A_885 : memref<1x80xi32, #tpu.memory_space<vmem>> -> memref<80xi32, #tpu.memory_space<vmem>>
        %dma_wait3A_887 = tpu.memref_slice %arg3[%add3A_876] : memref<320000xi32, #tpu.memory_space<hbm>> -> memref<80xi32, #tpu.memory_space<hbm>>
        tpu.wait_dma2 semaphore(%dma_wait3A_883 : memref<!tpu.dma_semaphore, #tpu.memory_space<semaphore_mem>>) src(%dma_wait3A_887 : memref<80xi32, #tpu.memory_space<hbm>>) dst(%dma_wait3A_886 : memref<80xi32, #tpu.memory_space<vmem>>)
        %add3A_888 = arith.constant 0 : i32
        %add3A_889 = arith.addi %mul3A_306, %add3A_888 : i32
        %dma_wait3A_890 = arith.constant 0 : i32
        %dma_wait3A_891 = arith.constant 0 : i32
        %dma_wait3A_892 = tpu.memref_slice %arg7[%dma_wait3A_890, %dma_wait3A_891] : memref<4x80xi32, #tpu.memory_space<vmem>> -> memref<1x80xi32, #tpu.memory_space<vmem>>
        %dma_wait3A_893 = tpu.memref_squeeze %dma_wait3A_892 : memref<1x80xi32, #tpu.memory_space<vmem>> -> memref<80xi32, #tpu.memory_space<vmem>>
        %dma_wait3A_894 = tpu.memref_slice %arg3[%add3A_889] : memref<320000xi32, #tpu.memory_space<hbm>> -> memref<80xi32, #tpu.memory_space<hbm>>
        %dma_wait3A_895 = tpu.memref_slice %arg12[%rem3A_823] : memref<4x!tpu.dma_semaphore, #tpu.memory_space<semaphore_mem>> -> memref<1x!tpu.dma_semaphore, #tpu.memory_space<semaphore_mem>>
        %dma_wait3A_896 = tpu.memref_squeeze %dma_wait3A_895 : memref<1x!tpu.dma_semaphore, #tpu.memory_space<semaphore_mem>> -> memref<!tpu.dma_semaphore, #tpu.memory_space<semaphore_mem>>
        %dma_wait3A_897 = arith.constant 0 : i32
        %dma_wait3A_898 = tpu.memref_slice %arg7[%dma_wait3A_890, %dma_wait3A_897] : memref<4x80xi32, #tpu.memory_space<vmem>> -> memref<1x80xi32, #tpu.memory_space<vmem>>
        %dma_wait3A_899 = tpu.memref_squeeze %dma_wait3A_898 : memref<1x80xi32, #tpu.memory_space<vmem>> -> memref<80xi32, #tpu.memory_space<vmem>>
        %dma_wait3A_900 = tpu.memref_slice %arg3[%add3A_889] : memref<320000xi32, #tpu.memory_space<hbm>> -> memref<80xi32, #tpu.memory_space<hbm>>
        tpu.wait_dma2 semaphore(%dma_wait3A_896 : memref<!tpu.dma_semaphore, #tpu.memory_space<semaphore_mem>>) src(%dma_wait3A_900 : memref<80xi32, #tpu.memory_space<hbm>>) dst(%dma_wait3A_899 : memref<80xi32, #tpu.memory_space<vmem>>)
        %dma_wait3A_901 = arith.constant 0 : i32
        %dma_wait3A_902 = arith.constant 0 : i32
        %dma_wait3A_903 = arith.constant 0 : i32
        %dma_wait3A_904 = arith.constant 0 : i32
        %dma_wait3A_905 = tpu.memref_slice %arg9[%dma_wait3A_901, %dma_wait3A_903, %dma_wait3A_904] : memref<4x80x128xf32, #tpu.memory_space<vmem>> -> memref<1x80x128xf32, #tpu.memory_space<vmem>>
        %dma_wait3A_906 = tpu.memref_squeeze %dma_wait3A_905 : memref<1x80x128xf32, #tpu.memory_space<vmem>> -> memref<80x128xf32, #tpu.memory_space<vmem>>
        %dma_wait3A_907 = arith.constant 0 : i32
        %dma_wait3A_908 = tpu.memref_slice %arg8[%dma_wait3A_902, %dma_wait3A_907] : memref<5x80xi32, #tpu.memory_space<vmem>> -> memref<1x80xi32, #tpu.memory_space<vmem>>
        %dma_wait3A_909 = tpu.memref_squeeze %dma_wait3A_908 : memref<1x80xi32, #tpu.memory_space<vmem>> -> memref<80xi32, #tpu.memory_space<vmem>>
        %dma_wait3A_910 = arith.constant 0 : i32
        %dma_wait3A_911 = arith.constant 0 : i32
        %dma_wait3A_912 = tpu.memref_slice %arg10[%dma_wait3A_910, %dma_wait3A_911] : memref<10240x128xf32, #tpu.memory_space<vmem_shared>> -> memref<10240x128xf32, #tpu.memory_space<vmem_shared>>
        %dma_wait3A_913 = tpu.memref_slice %arg13[%rem3A_823] : memref<4x!tpu.dma_semaphore, #tpu.memory_space<semaphore_mem>> -> memref<1x!tpu.dma_semaphore, #tpu.memory_space<semaphore_mem>>
        %dma_wait3A_914 = tpu.memref_squeeze %dma_wait3A_913 : memref<1x!tpu.dma_semaphore, #tpu.memory_space<semaphore_mem>> -> memref<!tpu.dma_semaphore, #tpu.memory_space<semaphore_mem>>
        tpu.wait_indirect_dma semaphore(%dma_wait3A_914 : memref<!tpu.dma_semaphore, #tpu.memory_space<semaphore_mem>>) src(%dma_wait3A_906 : memref<80x128xf32, #tpu.memory_space<vmem>>) dst(%dma_wait3A_912 : memref<10240x128xf32, #tpu.memory_space<vmem_shared>>)
      } else {
      }
      %add3A_861 = arith.constant 3 : i32
      %add3A_862 = arith.addi %scan3A_818, %add3A_861 : i32
      %lt3A_863 = arith.constant 125 : i32
      %lt3A_864 = arith.cmpi slt, %add3A_862, %lt3A_863 : i32
      %convert_element_type3A_865 = arith.extui %lt3A_864 : i1 to i32
      %cond3A_866 = arith.constant 0 : i32
      %cond3A_867 = arith.cmpi ne, %convert_element_type3A_865, %cond3A_866 : i32
      scf.if %cond3A_867 {
        %dma_start3A_875 = arith.constant 0 : i32
        %dma_start3A_876 = arith.constant 0 : i32
        %dma_start3A_877 = tpu.memref_slice %arg9[%rem3A_823, %dma_start3A_875, %dma_start3A_876] : memref<4x80x128xf32, #tpu.memory_space<vmem>> -> memref<1x80x128xf32, #tpu.memory_space<vmem>>
        %dma_start3A_878 = tpu.memref_squeeze %dma_start3A_877 : memref<1x80x128xf32, #tpu.memory_space<vmem>> -> memref<80x128xf32, #tpu.memory_space<vmem>>
        %dma_start3A_879 = arith.constant 0 : i32
        %dma_start3A_880 = tpu.memref_slice %arg7[%rem3A_823, %dma_start3A_879] : memref<4x80xi32, #tpu.memory_space<vmem>> -> memref<1x80xi32, #tpu.memory_space<vmem>>
        %dma_start3A_881 = tpu.memref_squeeze %dma_start3A_880 : memref<1x80xi32, #tpu.memory_space<vmem>> -> memref<80xi32, #tpu.memory_space<vmem>>
        %dma_start3A_882 = arith.constant 0 : i32
        %dma_start3A_883 = arith.constant 0 : i32
        %dma_start3A_884 = tpu.memref_slice %arg2[%dma_start3A_882, %dma_start3A_883] : memref<10000x128xf32, #tpu.memory_space<hbm>> -> memref<10000x128xf32, #tpu.memory_space<hbm>>
        %dma_start3A_885 = tpu.memref_slice %arg11[%rem3A_823] : memref<4x!tpu.dma_semaphore, #tpu.memory_space<semaphore_mem>> -> memref<1x!tpu.dma_semaphore, #tpu.memory_space<semaphore_mem>>
        %dma_start3A_886 = tpu.memref_squeeze %dma_start3A_885 : memref<1x!tpu.dma_semaphore, #tpu.memory_space<semaphore_mem>> -> memref<!tpu.dma_semaphore, #tpu.memory_space<semaphore_mem>>
        tpu.enqueue_indirect_dma source(%dma_start3A_884 : memref<10000x128xf32, #tpu.memory_space<hbm>>) target(%dma_start3A_878 : memref<80x128xf32, #tpu.memory_space<vmem>>) offsets(%dma_start3A_881 : memref<80xi32, #tpu.memory_space<vmem>>) semaphore(%dma_start3A_886 : memref<!tpu.dma_semaphore, #tpu.memory_space<semaphore_mem>>)
      } else {
      }
      %add3A_868 = arith.constant 4 : i32
      %add3A_869 = arith.addi %scan3A_818, %add3A_868 : i32
      %lt3A_870 = arith.constant 125 : i32
      %lt3A_871 = arith.cmpi slt, %add3A_869, %lt3A_870 : i32
      %convert_element_type3A_872 = arith.extui %lt3A_871 : i1 to i32
      %cond3A_873 = arith.constant 0 : i32
      %cond3A_874 = arith.cmpi ne, %convert_element_type3A_872, %cond3A_873 : i32
      scf.if %cond3A_874 {
        %add3A_875 = arith.constant 4 : i32
        %add3A_876 = arith.addi %scan3A_818, %add3A_875 : i32
        %mul3A_877 = arith.constant 80 : i32
        %mul3A_878 = arith.muli %add3A_876, %mul3A_877 : i32
        %add3A_879 = arith.addi %mul3A_306, %mul3A_878 : i32
        %dma_start3A_880 = arith.constant 0 : i32
        %dma_start3A_881 = tpu.memref_slice %arg7[%rem3A_819, %dma_start3A_880] : memref<4x80xi32, #tpu.memory_space<vmem>> -> memref<1x80xi32, #tpu.memory_space<vmem>>
        %dma_start3A_882 = tpu.memref_squeeze %dma_start3A_881 : memref<1x80xi32, #tpu.memory_space<vmem>> -> memref<80xi32, #tpu.memory_space<vmem>>
        %dma_start3A_883 = tpu.memref_slice %arg3[%add3A_879] : memref<320000xi32, #tpu.memory_space<hbm>> -> memref<80xi32, #tpu.memory_space<hbm>>
        %dma_start3A_884 = tpu.memref_slice %arg12[%rem3A_819] : memref<4x!tpu.dma_semaphore, #tpu.memory_space<semaphore_mem>> -> memref<1x!tpu.dma_semaphore, #tpu.memory_space<semaphore_mem>>
        %dma_start3A_885 = tpu.memref_squeeze %dma_start3A_884 : memref<1x!tpu.dma_semaphore, #tpu.memory_space<semaphore_mem>> -> memref<!tpu.dma_semaphore, #tpu.memory_space<semaphore_mem>>
        %dma_start3A_886 = arith.constant 0 : i32
        %dma_start3A_887 = tpu.memref_slice %arg7[%rem3A_819, %dma_start3A_886] : memref<4x80xi32, #tpu.memory_space<vmem>> -> memref<1x80xi32, #tpu.memory_space<vmem>>
        %dma_start3A_888 = tpu.memref_squeeze %dma_start3A_887 : memref<1x80xi32, #tpu.memory_space<vmem>> -> memref<80xi32, #tpu.memory_space<vmem>>
        %dma_start3A_889 = tpu.memref_slice %arg3[%add3A_879] : memref<320000xi32, #tpu.memory_space<hbm>> -> memref<80xi32, #tpu.memory_space<hbm>>
        tpu.enqueue_dma source(%dma_start3A_889 : memref<80xi32, #tpu.memory_space<hbm>>) target(%dma_start3A_888 : memref<80xi32, #tpu.memory_space<vmem>>) target_semaphore(%dma_start3A_885 : memref<!tpu.dma_semaphore, #tpu.memory_space<semaphore_mem>>)
        %add3A_890 = arith.constant 4 : i32
        %add3A_891 = arith.addi %scan3A_818, %add3A_890 : i32
        %mul3A_892 = arith.constant 80 : i32
        %mul3A_893 = arith.muli %add3A_891, %mul3A_892 : i32
        %add3A_894 = arith.addi %mul3A_306, %mul3A_893 : i32
        %dma_start3A_895 = arith.constant 0 : i32
        %dma_start3A_896 = tpu.memref_slice %arg8[%rem3A_829, %dma_start3A_895] : memref<5x80xi32, #tpu.memory_space<vmem>> -> memref<1x80xi32, #tpu.memory_space<vmem>>
        %dma_start3A_897 = tpu.memref_squeeze %dma_start3A_896 : memref<1x80xi32, #tpu.memory_space<vmem>> -> memref<80xi32, #tpu.memory_space<vmem>>
        %dma_start3A_898 = tpu.memref_slice %arg4[%add3A_894] : memref<320000xi32, #tpu.memory_space<hbm>> -> memref<80xi32, #tpu.memory_space<hbm>>
        %dma_start3A_899 = tpu.memref_slice %arg12[%rem3A_819] : memref<4x!tpu.dma_semaphore, #tpu.memory_space<semaphore_mem>> -> memref<1x!tpu.dma_semaphore, #tpu.memory_space<semaphore_mem>>
        %dma_start3A_900 = tpu.memref_squeeze %dma_start3A_899 : memref<1x!tpu.dma_semaphore, #tpu.memory_space<semaphore_mem>> -> memref<!tpu.dma_semaphore, #tpu.memory_space<semaphore_mem>>
        %dma_start3A_901 = arith.constant 0 : i32
        %dma_start3A_902 = tpu.memref_slice %arg8[%rem3A_829, %dma_start3A_901] : memref<5x80xi32, #tpu.memory_space<vmem>> -> memref<1x80xi32, #tpu.memory_space<vmem>>
        %dma_start3A_903 = tpu.memref_squeeze %dma_start3A_902 : memref<1x80xi32, #tpu.memory_space<vmem>> -> memref<80xi32, #tpu.memory_space<vmem>>
        %dma_start3A_904 = tpu.memref_slice %arg4[%add3A_894] : memref<320000xi32, #tpu.memory_space<hbm>> -> memref<80xi32, #tpu.memory_space<hbm>>
        tpu.enqueue_dma source(%dma_start3A_904 : memref<80xi32, #tpu.memory_space<hbm>>) target(%dma_start3A_903 : memref<80xi32, #tpu.memory_space<vmem>>) target_semaphore(%dma_start3A_900 : memref<!tpu.dma_semaphore, #tpu.memory_space<semaphore_mem>>)
      } else {
      }
    }
    %scan3A_380 = arith.constant 125 : i32
    %dma_wait3A_381 = arith.constant 0 : i32
    %dma_wait3A_382 = arith.constant 0 : i32
    %dma_wait3A_383 = arith.constant 0 : i32
    %dma_wait3A_384 = arith.constant 0 : i32
    %dma_wait3A_385 = arith.constant 0 : i32
    %dma_wait3A_386 = tpu.memref_slice %arg9[%dma_wait3A_381, %dma_wait3A_384, %dma_wait3A_385] : memref<4x80x128xf32, #tpu.memory_space<vmem>> -> memref<1x80x128xf32, #tpu.memory_space<vmem>>
    %dma_wait3A_387 = tpu.memref_squeeze %dma_wait3A_386 : memref<1x80x128xf32, #tpu.memory_space<vmem>> -> memref<80x128xf32, #tpu.memory_space<vmem>>
    %dma_wait3A_388 = arith.constant 0 : i32
    %dma_wait3A_389 = tpu.memref_slice %arg8[%dma_wait3A_382, %dma_wait3A_388] : memref<5x80xi32, #tpu.memory_space<vmem>> -> memref<1x80xi32, #tpu.memory_space<vmem>>
    %dma_wait3A_390 = tpu.memref_squeeze %dma_wait3A_389 : memref<1x80xi32, #tpu.memory_space<vmem>> -> memref<80xi32, #tpu.memory_space<vmem>>
    %dma_wait3A_391 = arith.constant 0 : i32
    %dma_wait3A_392 = arith.constant 0 : i32
    %dma_wait3A_393 = tpu.memref_slice %arg10[%dma_wait3A_391, %dma_wait3A_392] : memref<10240x128xf32, #tpu.memory_space<vmem_shared>> -> memref<10240x128xf32, #tpu.memory_space<vmem_shared>>
    %dma_wait3A_394 = tpu.memref_slice %arg13[%dma_wait3A_383] : memref<4x!tpu.dma_semaphore, #tpu.memory_space<semaphore_mem>> -> memref<1x!tpu.dma_semaphore, #tpu.memory_space<semaphore_mem>>
    %dma_wait3A_395 = tpu.memref_squeeze %dma_wait3A_394 : memref<1x!tpu.dma_semaphore, #tpu.memory_space<semaphore_mem>> -> memref<!tpu.dma_semaphore, #tpu.memory_space<semaphore_mem>>
    tpu.wait_indirect_dma semaphore(%dma_wait3A_395 : memref<!tpu.dma_semaphore, #tpu.memory_space<semaphore_mem>>) src(%dma_wait3A_387 : memref<80x128xf32, #tpu.memory_space<vmem>>) dst(%dma_wait3A_393 : memref<10240x128xf32, #tpu.memory_space<vmem_shared>>)
    %dma_wait3A_396 = arith.constant 0 : i32
    %dma_wait3A_397 = arith.constant 0 : i32
    %dma_wait3A_398 = arith.constant 1 : i32
    %dma_wait3A_399 = arith.constant 0 : i32
    %dma_wait3A_400 = arith.constant 0 : i32
    %dma_wait3A_401 = tpu.memref_slice %arg9[%dma_wait3A_396, %dma_wait3A_399, %dma_wait3A_400] : memref<4x80x128xf32, #tpu.memory_space<vmem>> -> memref<1x80x128xf32, #tpu.memory_space<vmem>>
    %dma_wait3A_402 = tpu.memref_squeeze %dma_wait3A_401 : memref<1x80x128xf32, #tpu.memory_space<vmem>> -> memref<80x128xf32, #tpu.memory_space<vmem>>
    %dma_wait3A_403 = arith.constant 0 : i32
    %dma_wait3A_404 = tpu.memref_slice %arg8[%dma_wait3A_397, %dma_wait3A_403] : memref<5x80xi32, #tpu.memory_space<vmem>> -> memref<1x80xi32, #tpu.memory_space<vmem>>
    %dma_wait3A_405 = tpu.memref_squeeze %dma_wait3A_404 : memref<1x80xi32, #tpu.memory_space<vmem>> -> memref<80xi32, #tpu.memory_space<vmem>>
    %dma_wait3A_406 = arith.constant 0 : i32
    %dma_wait3A_407 = arith.constant 0 : i32
    %dma_wait3A_408 = tpu.memref_slice %arg10[%dma_wait3A_406, %dma_wait3A_407] : memref<10240x128xf32, #tpu.memory_space<vmem_shared>> -> memref<10240x128xf32, #tpu.memory_space<vmem_shared>>
    %dma_wait3A_409 = tpu.memref_slice %arg13[%dma_wait3A_398] : memref<4x!tpu.dma_semaphore, #tpu.memory_space<semaphore_mem>> -> memref<1x!tpu.dma_semaphore, #tpu.memory_space<semaphore_mem>>
    %dma_wait3A_410 = tpu.memref_squeeze %dma_wait3A_409 : memref<1x!tpu.dma_semaphore, #tpu.memory_space<semaphore_mem>> -> memref<!tpu.dma_semaphore, #tpu.memory_space<semaphore_mem>>
    tpu.wait_indirect_dma semaphore(%dma_wait3A_410 : memref<!tpu.dma_semaphore, #tpu.memory_space<semaphore_mem>>) src(%dma_wait3A_402 : memref<80x128xf32, #tpu.memory_space<vmem>>) dst(%dma_wait3A_408 : memref<10240x128xf32, #tpu.memory_space<vmem_shared>>)
    %dma_wait3A_411 = arith.constant 0 : i32
    %dma_wait3A_412 = arith.constant 0 : i32
    %dma_wait3A_413 = arith.constant 2 : i32
    %dma_wait3A_414 = arith.constant 0 : i32
    %dma_wait3A_415 = arith.constant 0 : i32
    %dma_wait3A_416 = tpu.memref_slice %arg9[%dma_wait3A_411, %dma_wait3A_414, %dma_wait3A_415] : memref<4x80x128xf32, #tpu.memory_space<vmem>> -> memref<1x80x128xf32, #tpu.memory_space<vmem>>
    %dma_wait3A_417 = tpu.memref_squeeze %dma_wait3A_416 : memref<1x80x128xf32, #tpu.memory_space<vmem>> -> memref<80x128xf32, #tpu.memory_space<vmem>>
    %dma_wait3A_418 = arith.constant 0 : i32
    %dma_wait3A_419 = tpu.memref_slice %arg8[%dma_wait3A_412, %dma_wait3A_418] : memref<5x80xi32, #tpu.memory_space<vmem>> -> memref<1x80xi32, #tpu.memory_space<vmem>>
    %dma_wait3A_420 = tpu.memref_squeeze %dma_wait3A_419 : memref<1x80xi32, #tpu.memory_space<vmem>> -> memref<80xi32, #tpu.memory_space<vmem>>
    %dma_wait3A_421 = arith.constant 0 : i32
    %dma_wait3A_422 = arith.constant 0 : i32
    %dma_wait3A_423 = tpu.memref_slice %arg10[%dma_wait3A_421, %dma_wait3A_422] : memref<10240x128xf32, #tpu.memory_space<vmem_shared>> -> memref<10240x128xf32, #tpu.memory_space<vmem_shared>>
    %dma_wait3A_424 = tpu.memref_slice %arg13[%dma_wait3A_413] : memref<4x!tpu.dma_semaphore, #tpu.memory_space<semaphore_mem>> -> memref<1x!tpu.dma_semaphore, #tpu.memory_space<semaphore_mem>>
    %dma_wait3A_425 = tpu.memref_squeeze %dma_wait3A_424 : memref<1x!tpu.dma_semaphore, #tpu.memory_space<semaphore_mem>> -> memref<!tpu.dma_semaphore, #tpu.memory_space<semaphore_mem>>
    tpu.wait_indirect_dma semaphore(%dma_wait3A_425 : memref<!tpu.dma_semaphore, #tpu.memory_space<semaphore_mem>>) src(%dma_wait3A_417 : memref<80x128xf32, #tpu.memory_space<vmem>>) dst(%dma_wait3A_423 : memref<10240x128xf32, #tpu.memory_space<vmem_shared>>)
    %dma_wait3A_426 = arith.constant 0 : i32
    %dma_wait3A_427 = arith.constant 0 : i32
    %dma_wait3A_428 = arith.constant 3 : i32
    %dma_wait3A_429 = arith.constant 0 : i32
    %dma_wait3A_430 = arith.constant 0 : i32
    %dma_wait3A_431 = tpu.memref_slice %arg9[%dma_wait3A_426, %dma_wait3A_429, %dma_wait3A_430] : memref<4x80x128xf32, #tpu.memory_space<vmem>> -> memref<1x80x128xf32, #tpu.memory_space<vmem>>
    %dma_wait3A_432 = tpu.memref_squeeze %dma_wait3A_431 : memref<1x80x128xf32, #tpu.memory_space<vmem>> -> memref<80x128xf32, #tpu.memory_space<vmem>>
    %dma_wait3A_433 = arith.constant 0 : i32
    %dma_wait3A_434 = tpu.memref_slice %arg8[%dma_wait3A_427, %dma_wait3A_433] : memref<5x80xi32, #tpu.memory_space<vmem>> -> memref<1x80xi32, #tpu.memory_space<vmem>>
    %dma_wait3A_435 = tpu.memref_squeeze %dma_wait3A_434 : memref<1x80xi32, #tpu.memory_space<vmem>> -> memref<80xi32, #tpu.memory_space<vmem>>
    %dma_wait3A_436 = arith.constant 0 : i32
    %dma_wait3A_437 = arith.constant 0 : i32
    %dma_wait3A_438 = tpu.memref_slice %arg10[%dma_wait3A_436, %dma_wait3A_437] : memref<10240x128xf32, #tpu.memory_space<vmem_shared>> -> memref<10240x128xf32, #tpu.memory_space<vmem_shared>>
    %dma_wait3A_439 = tpu.memref_slice %arg13[%dma_wait3A_428] : memref<4x!tpu.dma_semaphore, #tpu.memory_space<semaphore_mem>> -> memref<1x!tpu.dma_semaphore, #tpu.memory_space<semaphore_mem>>
    %dma_wait3A_440 = tpu.memref_squeeze %dma_wait3A_439 : memref<1x!tpu.dma_semaphore, #tpu.memory_space<semaphore_mem>> -> memref<!tpu.dma_semaphore, #tpu.memory_space<semaphore_mem>>
    tpu.wait_indirect_dma semaphore(%dma_wait3A_440 : memref<!tpu.dma_semaphore, #tpu.memory_space<semaphore_mem>>) src(%dma_wait3A_432 : memref<80x128xf32, #tpu.memory_space<vmem>>) dst(%dma_wait3A_438 : memref<10240x128xf32, #tpu.memory_space<vmem_shared>>)
    %barrier3A_441 = arith.constant 0 : index
    tpu.barrier barrier_id(%barrier3A_441)
    %mul3A_442 = arith.constant 640 : i32
    %mul3A_443 = arith.muli %arg1, %mul3A_442 : i32
    %add3A_444 = arith.constant 0 : i32
    %add3A_445 = arith.addi %mul3A_443, %add3A_444 : i32
    %run_scoped3A_446 = arith.constant 0 : i32
    "tpu.region"() ({
      %run_scoped3A_818 = tpu.sem_alloc : memref<!tpu.dma_semaphore, #tpu.memory_space<semaphore_mem>>
      %dma_start3A_819 = arith.constant 0 : i32
      %dma_start3A_820 = arith.constant 0 : i32
      %dma_start3A_821 = tpu.memref_slice %arg9[%run_scoped3A_446, %dma_start3A_819, %dma_start3A_820] : memref<4x80x128xf32, #tpu.memory_space<vmem>> -> memref<1x80x128xf32, #tpu.memory_space<vmem>>
      %dma_start3A_822 = tpu.memref_squeeze %dma_start3A_821 : memref<1x80x128xf32, #tpu.memory_space<vmem>> -> memref<80x128xf32, #tpu.memory_space<vmem>>
      %dma_start3A_823 = arith.constant 0 : i32
      %dma_start3A_824 = tpu.memref_slice %arg10[%add3A_445, %dma_start3A_823] : memref<10240x128xf32, #tpu.memory_space<vmem_shared>> -> memref<80x128xf32, #tpu.memory_space<vmem_shared>>
      %dma_start3A_825 = arith.constant 0 : i32
      %dma_start3A_826 = arith.constant 0 : i32
      %dma_start3A_827 = tpu.memref_slice %arg9[%run_scoped3A_446, %dma_start3A_825, %dma_start3A_826] : memref<4x80x128xf32, #tpu.memory_space<vmem>> -> memref<1x80x128xf32, #tpu.memory_space<vmem>>
      %dma_start3A_828 = tpu.memref_squeeze %dma_start3A_827 : memref<1x80x128xf32, #tpu.memory_space<vmem>> -> memref<80x128xf32, #tpu.memory_space<vmem>>
      %dma_start3A_829 = arith.constant 0 : i32
      %dma_start3A_830 = tpu.memref_slice %arg10[%add3A_445, %dma_start3A_829] : memref<10240x128xf32, #tpu.memory_space<vmem_shared>> -> memref<80x128xf32, #tpu.memory_space<vmem_shared>>
      tpu.enqueue_dma source(%dma_start3A_830 : memref<80x128xf32, #tpu.memory_space<vmem_shared>>) target(%dma_start3A_828 : memref<80x128xf32, #tpu.memory_space<vmem>>) target_semaphore(%run_scoped3A_818 : memref<!tpu.dma_semaphore, #tpu.memory_space<semaphore_mem>>)
      %dma_wait3A_831 = arith.constant 0 : i32
      %dma_wait3A_832 = arith.constant 0 : i32
      %dma_wait3A_833 = tpu.memref_slice %arg9[%run_scoped3A_446, %dma_wait3A_831, %dma_wait3A_832] : memref<4x80x128xf32, #tpu.memory_space<vmem>> -> memref<1x80x128xf32, #tpu.memory_space<vmem>>
      %dma_wait3A_834 = tpu.memref_squeeze %dma_wait3A_833 : memref<1x80x128xf32, #tpu.memory_space<vmem>> -> memref<80x128xf32, #tpu.memory_space<vmem>>
      %dma_wait3A_835 = arith.constant 0 : i32
      %dma_wait3A_836 = tpu.memref_slice %arg10[%add3A_445, %dma_wait3A_835] : memref<10240x128xf32, #tpu.memory_space<vmem_shared>> -> memref<80x128xf32, #tpu.memory_space<vmem_shared>>
      %dma_wait3A_837 = arith.constant 0 : i32
      %dma_wait3A_838 = arith.constant 0 : i32
      %dma_wait3A_839 = tpu.memref_slice %arg9[%run_scoped3A_446, %dma_wait3A_837, %dma_wait3A_838] : memref<4x80x128xf32, #tpu.memory_space<vmem>> -> memref<1x80x128xf32, #tpu.memory_space<vmem>>
      %dma_wait3A_840 = tpu.memref_squeeze %dma_wait3A_839 : memref<1x80x128xf32, #tpu.memory_space<vmem>> -> memref<80x128xf32, #tpu.memory_space<vmem>>
      %dma_wait3A_841 = arith.constant 0 : i32
      %dma_wait3A_842 = tpu.memref_slice %arg10[%add3A_445, %dma_wait3A_841] : memref<10240x128xf32, #tpu.memory_space<vmem_shared>> -> memref<80x128xf32, #tpu.memory_space<vmem_shared>>
      tpu.wait_dma2 semaphore(%run_scoped3A_818 : memref<!tpu.dma_semaphore, #tpu.memory_space<semaphore_mem>>) src(%dma_wait3A_842 : memref<80x128xf32, #tpu.memory_space<vmem_shared>>) dst(%dma_wait3A_840 : memref<80x128xf32, #tpu.memory_space<vmem>>)
      tpu.yield
    }) : () -> ()
    %mul3A_447 = arith.constant 640 : i32
    %mul3A_448 = arith.muli %arg1, %mul3A_447 : i32
    %add3A_449 = arith.constant 0 : i32
    %add3A_450 = arith.addi %mul3A_448, %add3A_449 : i32
    %dma_start3A_451 = arith.constant 0 : i32
    %dma_start3A_452 = arith.constant 0 : i32
    %dma_start3A_453 = arith.constant 0 : i32
    %dma_start3A_454 = arith.constant 0 : i32
    %dma_start3A_455 = tpu.memref_slice %arg9[%dma_start3A_451, %dma_start3A_453, %dma_start3A_454] : memref<4x80x128xf32, #tpu.memory_space<vmem>> -> memref<1x80x128xf32, #tpu.memory_space<vmem>>
    %dma_start3A_456 = tpu.memref_squeeze %dma_start3A_455 : memref<1x80x128xf32, #tpu.memory_space<vmem>> -> memref<80x128xf32, #tpu.memory_space<vmem>>
    %dma_start3A_457 = arith.constant 0 : i32
    %dma_start3A_458 = tpu.memref_slice %arg6[%arg0, %add3A_450, %dma_start3A_457] : memref<2x10240x128xf32, #tpu.memory_space<hbm>> -> memref<1x80x128xf32, #tpu.memory_space<hbm>>
    %dma_start3A_459 = tpu.memref_squeeze %dma_start3A_458 : memref<1x80x128xf32, #tpu.memory_space<hbm>> -> memref<80x128xf32, #tpu.memory_space<hbm>>
    %dma_start3A_460 = tpu.memref_slice %arg13[%dma_start3A_452] : memref<4x!tpu.dma_semaphore, #tpu.memory_space<semaphore_mem>> -> memref<1x!tpu.dma_semaphore, #tpu.memory_space<semaphore_mem>>
    %dma_start3A_461 = tpu.memref_squeeze %dma_start3A_460 : memref<1x!tpu.dma_semaphore, #tpu.memory_space<semaphore_mem>> -> memref<!tpu.dma_semaphore, #tpu.memory_space<semaphore_mem>>
    %dma_start3A_462 = arith.constant 0 : i32
    %dma_start3A_463 = tpu.memref_slice %arg6[%arg0, %add3A_450, %dma_start3A_462] : memref<2x10240x128xf32, #tpu.memory_space<hbm>> -> memref<1x80x128xf32, #tpu.memory_space<hbm>>
    %dma_start3A_464 = tpu.memref_squeeze %dma_start3A_463 : memref<1x80x128xf32, #tpu.memory_space<hbm>> -> memref<80x128xf32, #tpu.memory_space<hbm>>
    %dma_start3A_465 = arith.constant 0 : i32
    %dma_start3A_466 = arith.constant 0 : i32
    %dma_start3A_467 = tpu.memref_slice %arg9[%dma_start3A_451, %dma_start3A_465, %dma_start3A_466] : memref<4x80x128xf32, #tpu.memory_space<vmem>> -> memref<1x80x128xf32, #tpu.memory_space<vmem>>
    %dma_start3A_468 = tpu.memref_squeeze %dma_start3A_467 : memref<1x80x128xf32, #tpu.memory_space<vmem>> -> memref<80x128xf32, #tpu.memory_space<vmem>>
    tpu.enqueue_dma source(%dma_start3A_468 : memref<80x128xf32, #tpu.memory_space<vmem>>) target(%dma_start3A_464 : memref<80x128xf32, #tpu.memory_space<hbm>>) target_semaphore(%dma_start3A_461 : memref<!tpu.dma_semaphore, #tpu.memory_space<semaphore_mem>>)
    %mul3A_469 = arith.constant 640 : i32
    %mul3A_470 = arith.muli %arg1, %mul3A_469 : i32
    %add3A_471 = arith.constant 80 : i32
    %add3A_472 = arith.addi %mul3A_470, %add3A_471 : i32
    %run_scoped3A_473 = arith.constant 1 : i32
    "tpu.region"() ({
      %run_scoped3A_818 = tpu.sem_alloc : memref<!tpu.dma_semaphore, #tpu.memory_space<semaphore_mem>>
      %dma_start3A_819 = arith.constant 0 : i32
      %dma_start3A_820 = arith.constant 0 : i32
      %dma_start3A_821 = tpu.memref_slice %arg9[%run_scoped3A_473, %dma_start3A_819, %dma_start3A_820] : memref<4x80x128xf32, #tpu.memory_space<vmem>> -> memref<1x80x128xf32, #tpu.memory_space<vmem>>
      %dma_start3A_822 = tpu.memref_squeeze %dma_start3A_821 : memref<1x80x128xf32, #tpu.memory_space<vmem>> -> memref<80x128xf32, #tpu.memory_space<vmem>>
      %dma_start3A_823 = arith.constant 0 : i32
      %dma_start3A_824 = tpu.memref_slice %arg10[%add3A_472, %dma_start3A_823] : memref<10240x128xf32, #tpu.memory_space<vmem_shared>> -> memref<80x128xf32, #tpu.memory_space<vmem_shared>>
      %dma_start3A_825 = arith.constant 0 : i32
      %dma_start3A_826 = arith.constant 0 : i32
      %dma_start3A_827 = tpu.memref_slice %arg9[%run_scoped3A_473, %dma_start3A_825, %dma_start3A_826] : memref<4x80x128xf32, #tpu.memory_space<vmem>> -> memref<1x80x128xf32, #tpu.memory_space<vmem>>
      %dma_start3A_828 = tpu.memref_squeeze %dma_start3A_827 : memref<1x80x128xf32, #tpu.memory_space<vmem>> -> memref<80x128xf32, #tpu.memory_space<vmem>>
      %dma_start3A_829 = arith.constant 0 : i32
      %dma_start3A_830 = tpu.memref_slice %arg10[%add3A_472, %dma_start3A_829] : memref<10240x128xf32, #tpu.memory_space<vmem_shared>> -> memref<80x128xf32, #tpu.memory_space<vmem_shared>>
      tpu.enqueue_dma source(%dma_start3A_830 : memref<80x128xf32, #tpu.memory_space<vmem_shared>>) target(%dma_start3A_828 : memref<80x128xf32, #tpu.memory_space<vmem>>) target_semaphore(%run_scoped3A_818 : memref<!tpu.dma_semaphore, #tpu.memory_space<semaphore_mem>>)
      %dma_wait3A_831 = arith.constant 0 : i32
      %dma_wait3A_832 = arith.constant 0 : i32
      %dma_wait3A_833 = tpu.memref_slice %arg9[%run_scoped3A_473, %dma_wait3A_831, %dma_wait3A_832] : memref<4x80x128xf32, #tpu.memory_space<vmem>> -> memref<1x80x128xf32, #tpu.memory_space<vmem>>
      %dma_wait3A_834 = tpu.memref_squeeze %dma_wait3A_833 : memref<1x80x128xf32, #tpu.memory_space<vmem>> -> memref<80x128xf32, #tpu.memory_space<vmem>>
      %dma_wait3A_835 = arith.constant 0 : i32
      %dma_wait3A_836 = tpu.memref_slice %arg10[%add3A_472, %dma_wait3A_835] : memref<10240x128xf32, #tpu.memory_space<vmem_shared>> -> memref<80x128xf32, #tpu.memory_space<vmem_shared>>
      %dma_wait3A_837 = arith.constant 0 : i32
      %dma_wait3A_838 = arith.constant 0 : i32
      %dma_wait3A_839 = tpu.memref_slice %arg9[%run_scoped3A_473, %dma_wait3A_837, %dma_wait3A_838] : memref<4x80x128xf32, #tpu.memory_space<vmem>> -> memref<1x80x128xf32, #tpu.memory_space<vmem>>
      %dma_wait3A_840 = tpu.memref_squeeze %dma_wait3A_839 : memref<1x80x128xf32, #tpu.memory_space<vmem>> -> memref<80x128xf32, #tpu.memory_space<vmem>>
      %dma_wait3A_841 = arith.constant 0 : i32
      %dma_wait3A_842 = tpu.memref_slice %arg10[%add3A_472, %dma_wait3A_841] : memref<10240x128xf32, #tpu.memory_space<vmem_shared>> -> memref<80x128xf32, #tpu.memory_space<vmem_shared>>
      tpu.wait_dma2 semaphore(%run_scoped3A_818 : memref<!tpu.dma_semaphore, #tpu.memory_space<semaphore_mem>>) src(%dma_wait3A_842 : memref<80x128xf32, #tpu.memory_space<vmem_shared>>) dst(%dma_wait3A_840 : memref<80x128xf32, #tpu.memory_space<vmem>>)
      tpu.yield
    }) : () -> ()
    %mul3A_474 = arith.constant 640 : i32
    %mul3A_475 = arith.muli %arg1, %mul3A_474 : i32
    %add3A_476 = arith.constant 80 : i32
    %add3A_477 = arith.addi %mul3A_475, %add3A_476 : i32
    %dma_start3A_478 = arith.constant 1 : i32
    %dma_start3A_479 = arith.constant 1 : i32
    %dma_start3A_480 = arith.constant 0 : i32
    %dma_start3A_481 = arith.constant 0 : i32
    %dma_start3A_482 = tpu.memref_slice %arg9[%dma_start3A_478, %dma_start3A_480, %dma_start3A_481] : memref<4x80x128xf32, #tpu.memory_space<vmem>> -> memref<1x80x128xf32, #tpu.memory_space<vmem>>
    %dma_start3A_483 = tpu.memref_squeeze %dma_start3A_482 : memref<1x80x128xf32, #tpu.memory_space<vmem>> -> memref<80x128xf32, #tpu.memory_space<vmem>>
    %dma_start3A_484 = arith.constant 0 : i32
    %dma_start3A_485 = tpu.memref_slice %arg6[%arg0, %add3A_477, %dma_start3A_484] : memref<2x10240x128xf32, #tpu.memory_space<hbm>> -> memref<1x80x128xf32, #tpu.memory_space<hbm>>
    %dma_start3A_486 = tpu.memref_squeeze %dma_start3A_485 : memref<1x80x128xf32, #tpu.memory_space<hbm>> -> memref<80x128xf32, #tpu.memory_space<hbm>>
    %dma_start3A_487 = tpu.memref_slice %arg13[%dma_start3A_479] : memref<4x!tpu.dma_semaphore, #tpu.memory_space<semaphore_mem>> -> memref<1x!tpu.dma_semaphore, #tpu.memory_space<semaphore_mem>>
    %dma_start3A_488 = tpu.memref_squeeze %dma_start3A_487 : memref<1x!tpu.dma_semaphore, #tpu.memory_space<semaphore_mem>> -> memref<!tpu.dma_semaphore, #tpu.memory_space<semaphore_mem>>
    %dma_start3A_489 = arith.constant 0 : i32
    %dma_start3A_490 = tpu.memref_slice %arg6[%arg0, %add3A_477, %dma_start3A_489] : memref<2x10240x128xf32, #tpu.memory_space<hbm>> -> memref<1x80x128xf32, #tpu.memory_space<hbm>>
    %dma_start3A_491 = tpu.memref_squeeze %dma_start3A_490 : memref<1x80x128xf32, #tpu.memory_space<hbm>> -> memref<80x128xf32, #tpu.memory_space<hbm>>
    %dma_start3A_492 = arith.constant 0 : i32
    %dma_start3A_493 = arith.constant 0 : i32
    %dma_start3A_494 = tpu.memref_slice %arg9[%dma_start3A_478, %dma_start3A_492, %dma_start3A_493] : memref<4x80x128xf32, #tpu.memory_space<vmem>> -> memref<1x80x128xf32, #tpu.memory_space<vmem>>
    %dma_start3A_495 = tpu.memref_squeeze %dma_start3A_494 : memref<1x80x128xf32, #tpu.memory_space<vmem>> -> memref<80x128xf32, #tpu.memory_space<vmem>>
    tpu.enqueue_dma source(%dma_start3A_495 : memref<80x128xf32, #tpu.memory_space<vmem>>) target(%dma_start3A_491 : memref<80x128xf32, #tpu.memory_space<hbm>>) target_semaphore(%dma_start3A_488 : memref<!tpu.dma_semaphore, #tpu.memory_space<semaphore_mem>>)
    %mul3A_496 = arith.constant 640 : i32
    %mul3A_497 = arith.muli %arg1, %mul3A_496 : i32
    %dma_wait3A_498 = arith.constant 0 : i32
    %dma_wait3A_499 = arith.constant 0 : i32
    %dma_wait3A_500 = arith.constant 0 : i32
    %dma_wait3A_501 = arith.constant 0 : i32
    %dma_wait3A_502 = tpu.memref_slice %arg9[%dma_wait3A_498, %dma_wait3A_500, %dma_wait3A_501] : memref<4x80x128xf32, #tpu.memory_space<vmem>> -> memref<1x80x128xf32, #tpu.memory_space<vmem>>
    %dma_wait3A_503 = tpu.memref_squeeze %dma_wait3A_502 : memref<1x80x128xf32, #tpu.memory_space<vmem>> -> memref<80x128xf32, #tpu.memory_space<vmem>>
    %dma_wait3A_504 = arith.constant 0 : i32
    %dma_wait3A_505 = tpu.memref_slice %arg6[%arg0, %mul3A_497, %dma_wait3A_504] : memref<2x10240x128xf32, #tpu.memory_space<hbm>> -> memref<1x80x128xf32, #tpu.memory_space<hbm>>
    %dma_wait3A_506 = tpu.memref_squeeze %dma_wait3A_505 : memref<1x80x128xf32, #tpu.memory_space<hbm>> -> memref<80x128xf32, #tpu.memory_space<hbm>>
    %dma_wait3A_507 = tpu.memref_slice %arg13[%dma_wait3A_499] : memref<4x!tpu.dma_semaphore, #tpu.memory_space<semaphore_mem>> -> memref<1x!tpu.dma_semaphore, #tpu.memory_space<semaphore_mem>>
    %dma_wait3A_508 = tpu.memref_squeeze %dma_wait3A_507 : memref<1x!tpu.dma_semaphore, #tpu.memory_space<semaphore_mem>> -> memref<!tpu.dma_semaphore, #tpu.memory_space<semaphore_mem>>
    %dma_wait3A_509 = arith.constant 0 : i32
    %dma_wait3A_510 = tpu.memref_slice %arg6[%arg0, %mul3A_497, %dma_wait3A_509] : memref<2x10240x128xf32, #tpu.memory_space<hbm>> -> memref<1x80x128xf32, #tpu.memory_space<hbm>>
    %dma_wait3A_511 = tpu.memref_squeeze %dma_wait3A_510 : memref<1x80x128xf32, #tpu.memory_space<hbm>> -> memref<80x128xf32, #tpu.memory_space<hbm>>
    %dma_wait3A_512 = arith.constant 0 : i32
    %dma_wait3A_513 = arith.constant 0 : i32
    %dma_wait3A_514 = tpu.memref_slice %arg9[%dma_wait3A_498, %dma_wait3A_512, %dma_wait3A_513] : memref<4x80x128xf32, #tpu.memory_space<vmem>> -> memref<1x80x128xf32, #tpu.memory_space<vmem>>
    %dma_wait3A_515 = tpu.memref_squeeze %dma_wait3A_514 : memref<1x80x128xf32, #tpu.memory_space<vmem>> -> memref<80x128xf32, #tpu.memory_space<vmem>>
    tpu.wait_dma2 semaphore(%dma_wait3A_508 : memref<!tpu.dma_semaphore, #tpu.memory_space<semaphore_mem>>) src(%dma_wait3A_515 : memref<80x128xf32, #tpu.memory_space<vmem>>) dst(%dma_wait3A_511 : memref<80x128xf32, #tpu.memory_space<hbm>>)
    %mul3A_516 = arith.constant 640 : i32
    %mul3A_517 = arith.muli %arg1, %mul3A_516 : i32
    %add3A_518 = arith.constant 160 : i32
    %add3A_519 = arith.addi %mul3A_517, %add3A_518 : i32
    %run_scoped3A_520 = arith.constant 0 : i32
    "tpu.region"() ({
      %run_scoped3A_818 = tpu.sem_alloc : memref<!tpu.dma_semaphore, #tpu.memory_space<semaphore_mem>>
      %dma_start3A_819 = arith.constant 0 : i32
      %dma_start3A_820 = arith.constant 0 : i32
      %dma_start3A_821 = tpu.memref_slice %arg9[%run_scoped3A_520, %dma_start3A_819, %dma_start3A_820] : memref<4x80x128xf32, #tpu.memory_space<vmem>> -> memref<1x80x128xf32, #tpu.memory_space<vmem>>
      %dma_start3A_822 = tpu.memref_squeeze %dma_start3A_821 : memref<1x80x128xf32, #tpu.memory_space<vmem>> -> memref<80x128xf32, #tpu.memory_space<vmem>>
      %dma_start3A_823 = arith.constant 0 : i32
      %dma_start3A_824 = tpu.memref_slice %arg10[%add3A_519, %dma_start3A_823] : memref<10240x128xf32, #tpu.memory_space<vmem_shared>> -> memref<80x128xf32, #tpu.memory_space<vmem_shared>>
      %dma_start3A_825 = arith.constant 0 : i32
      %dma_start3A_826 = arith.constant 0 : i32
      %dma_start3A_827 = tpu.memref_slice %arg9[%run_scoped3A_520, %dma_start3A_825, %dma_start3A_826] : memref<4x80x128xf32, #tpu.memory_space<vmem>> -> memref<1x80x128xf32, #tpu.memory_space<vmem>>
      %dma_start3A_828 = tpu.memref_squeeze %dma_start3A_827 : memref<1x80x128xf32, #tpu.memory_space<vmem>> -> memref<80x128xf32, #tpu.memory_space<vmem>>
      %dma_start3A_829 = arith.constant 0 : i32
      %dma_start3A_830 = tpu.memref_slice %arg10[%add3A_519, %dma_start3A_829] : memref<10240x128xf32, #tpu.memory_space<vmem_shared>> -> memref<80x128xf32, #tpu.memory_space<vmem_shared>>
      tpu.enqueue_dma source(%dma_start3A_830 : memref<80x128xf32, #tpu.memory_space<vmem_shared>>) target(%dma_start3A_828 : memref<80x128xf32, #tpu.memory_space<vmem>>) target_semaphore(%run_scoped3A_818 : memref<!tpu.dma_semaphore, #tpu.memory_space<semaphore_mem>>)
      %dma_wait3A_831 = arith.constant 0 : i32
      %dma_wait3A_832 = arith.constant 0 : i32
      %dma_wait3A_833 = tpu.memref_slice %arg9[%run_scoped3A_520, %dma_wait3A_831, %dma_wait3A_832] : memref<4x80x128xf32, #tpu.memory_space<vmem>> -> memref<1x80x128xf32, #tpu.memory_space<vmem>>
      %dma_wait3A_834 = tpu.memref_squeeze %dma_wait3A_833 : memref<1x80x128xf32, #tpu.memory_space<vmem>> -> memref<80x128xf32, #tpu.memory_space<vmem>>
      %dma_wait3A_835 = arith.constant 0 : i32
      %dma_wait3A_836 = tpu.memref_slice %arg10[%add3A_519, %dma_wait3A_835] : memref<10240x128xf32, #tpu.memory_space<vmem_shared>> -> memref<80x128xf32, #tpu.memory_space<vmem_shared>>
      %dma_wait3A_837 = arith.constant 0 : i32
      %dma_wait3A_838 = arith.constant 0 : i32
      %dma_wait3A_839 = tpu.memref_slice %arg9[%run_scoped3A_520, %dma_wait3A_837, %dma_wait3A_838] : memref<4x80x128xf32, #tpu.memory_space<vmem>> -> memref<1x80x128xf32, #tpu.memory_space<vmem>>
      %dma_wait3A_840 = tpu.memref_squeeze %dma_wait3A_839 : memref<1x80x128xf32, #tpu.memory_space<vmem>> -> memref<80x128xf32, #tpu.memory_space<vmem>>
      %dma_wait3A_841 = arith.constant 0 : i32
      %dma_wait3A_842 = tpu.memref_slice %arg10[%add3A_519, %dma_wait3A_841] : memref<10240x128xf32, #tpu.memory_space<vmem_shared>> -> memref<80x128xf32, #tpu.memory_space<vmem_shared>>
      tpu.wait_dma2 semaphore(%run_scoped3A_818 : memref<!tpu.dma_semaphore, #tpu.memory_space<semaphore_mem>>) src(%dma_wait3A_842 : memref<80x128xf32, #tpu.memory_space<vmem_shared>>) dst(%dma_wait3A_840 : memref<80x128xf32, #tpu.memory_space<vmem>>)
      tpu.yield
    }) : () -> ()
    %mul3A_521 = arith.constant 640 : i32
    %mul3A_522 = arith.muli %arg1, %mul3A_521 : i32
    %add3A_523 = arith.constant 160 : i32
    %add3A_524 = arith.addi %mul3A_522, %add3A_523 : i32
    %dma_start3A_525 = arith.constant 0 : i32
    %dma_start3A_526 = arith.constant 0 : i32
    %dma_start3A_527 = arith.constant 0 : i32
    %dma_start3A_528 = arith.constant 0 : i32
    %dma_start3A_529 = tpu.memref_slice %arg9[%dma_start3A_525, %dma_start3A_527, %dma_start3A_528] : memref<4x80x128xf32, #tpu.memory_space<vmem>> -> memref<1x80x128xf32, #tpu.memory_space<vmem>>
    %dma_start3A_530 = tpu.memref_squeeze %dma_start3A_529 : memref<1x80x128xf32, #tpu.memory_space<vmem>> -> memref<80x128xf32, #tpu.memory_space<vmem>>
    %dma_start3A_531 = arith.constant 0 : i32
    %dma_start3A_532 = tpu.memref_slice %arg6[%arg0, %add3A_524, %dma_start3A_531] : memref<2x10240x128xf32, #tpu.memory_space<hbm>> -> memref<1x80x128xf32, #tpu.memory_space<hbm>>
    %dma_start3A_533 = tpu.memref_squeeze %dma_start3A_532 : memref<1x80x128xf32, #tpu.memory_space<hbm>> -> memref<80x128xf32, #tpu.memory_space<hbm>>
    %dma_start3A_534 = tpu.memref_slice %arg13[%dma_start3A_526] : memref<4x!tpu.dma_semaphore, #tpu.memory_space<semaphore_mem>> -> memref<1x!tpu.dma_semaphore, #tpu.memory_space<semaphore_mem>>
    %dma_start3A_535 = tpu.memref_squeeze %dma_start3A_534 : memref<1x!tpu.dma_semaphore, #tpu.memory_space<semaphore_mem>> -> memref<!tpu.dma_semaphore, #tpu.memory_space<semaphore_mem>>
    %dma_start3A_536 = arith.constant 0 : i32
    %dma_start3A_537 = tpu.memref_slice %arg6[%arg0, %add3A_524, %dma_start3A_536] : memref<2x10240x128xf32, #tpu.memory_space<hbm>> -> memref<1x80x128xf32, #tpu.memory_space<hbm>>
    %dma_start3A_538 = tpu.memref_squeeze %dma_start3A_537 : memref<1x80x128xf32, #tpu.memory_space<hbm>> -> memref<80x128xf32, #tpu.memory_space<hbm>>
    %dma_start3A_539 = arith.constant 0 : i32
    %dma_start3A_540 = arith.constant 0 : i32
    %dma_start3A_541 = tpu.memref_slice %arg9[%dma_start3A_525, %dma_start3A_539, %dma_start3A_540] : memref<4x80x128xf32, #tpu.memory_space<vmem>> -> memref<1x80x128xf32, #tpu.memory_space<vmem>>
    %dma_start3A_542 = tpu.memref_squeeze %dma_start3A_541 : memref<1x80x128xf32, #tpu.memory_space<vmem>> -> memref<80x128xf32, #tpu.memory_space<vmem>>
    tpu.enqueue_dma source(%dma_start3A_542 : memref<80x128xf32, #tpu.memory_space<vmem>>) target(%dma_start3A_538 : memref<80x128xf32, #tpu.memory_space<hbm>>) target_semaphore(%dma_start3A_535 : memref<!tpu.dma_semaphore, #tpu.memory_space<semaphore_mem>>)
    %mul3A_543 = arith.constant 640 : i32
    %mul3A_544 = arith.muli %arg1, %mul3A_543 : i32
    %dma_wait3A_545 = arith.constant 1 : i32
    %dma_wait3A_546 = arith.constant 1 : i32
    %dma_wait3A_547 = arith.constant 0 : i32
    %dma_wait3A_548 = arith.constant 0 : i32
    %dma_wait3A_549 = tpu.memref_slice %arg9[%dma_wait3A_545, %dma_wait3A_547, %dma_wait3A_548] : memref<4x80x128xf32, #tpu.memory_space<vmem>> -> memref<1x80x128xf32, #tpu.memory_space<vmem>>
    %dma_wait3A_550 = tpu.memref_squeeze %dma_wait3A_549 : memref<1x80x128xf32, #tpu.memory_space<vmem>> -> memref<80x128xf32, #tpu.memory_space<vmem>>
    %dma_wait3A_551 = arith.constant 0 : i32
    %dma_wait3A_552 = tpu.memref_slice %arg6[%arg0, %mul3A_544, %dma_wait3A_551] : memref<2x10240x128xf32, #tpu.memory_space<hbm>> -> memref<1x80x128xf32, #tpu.memory_space<hbm>>
    %dma_wait3A_553 = tpu.memref_squeeze %dma_wait3A_552 : memref<1x80x128xf32, #tpu.memory_space<hbm>> -> memref<80x128xf32, #tpu.memory_space<hbm>>
    %dma_wait3A_554 = tpu.memref_slice %arg13[%dma_wait3A_546] : memref<4x!tpu.dma_semaphore, #tpu.memory_space<semaphore_mem>> -> memref<1x!tpu.dma_semaphore, #tpu.memory_space<semaphore_mem>>
    %dma_wait3A_555 = tpu.memref_squeeze %dma_wait3A_554 : memref<1x!tpu.dma_semaphore, #tpu.memory_space<semaphore_mem>> -> memref<!tpu.dma_semaphore, #tpu.memory_space<semaphore_mem>>
    %dma_wait3A_556 = arith.constant 0 : i32
    %dma_wait3A_557 = tpu.memref_slice %arg6[%arg0, %mul3A_544, %dma_wait3A_556] : memref<2x10240x128xf32, #tpu.memory_space<hbm>> -> memref<1x80x128xf32, #tpu.memory_space<hbm>>
    %dma_wait3A_558 = tpu.memref_squeeze %dma_wait3A_557 : memref<1x80x128xf32, #tpu.memory_space<hbm>> -> memref<80x128xf32, #tpu.memory_space<hbm>>
    %dma_wait3A_559 = arith.constant 0 : i32
    %dma_wait3A_560 = arith.constant 0 : i32
    %dma_wait3A_561 = tpu.memref_slice %arg9[%dma_wait3A_545, %dma_wait3A_559, %dma_wait3A_560] : memref<4x80x128xf32, #tpu.memory_space<vmem>> -> memref<1x80x128xf32, #tpu.memory_space<vmem>>
    %dma_wait3A_562 = tpu.memref_squeeze %dma_wait3A_561 : memref<1x80x128xf32, #tpu.memory_space<vmem>> -> memref<80x128xf32, #tpu.memory_space<vmem>>
    tpu.wait_dma2 semaphore(%dma_wait3A_555 : memref<!tpu.dma_semaphore, #tpu.memory_space<semaphore_mem>>) src(%dma_wait3A_562 : memref<80x128xf32, #tpu.memory_space<vmem>>) dst(%dma_wait3A_558 : memref<80x128xf32, #tpu.memory_space<hbm>>)
    %mul3A_563 = arith.constant 640 : i32
    %mul3A_564 = arith.muli %arg1, %mul3A_563 : i32
    %add3A_565 = arith.constant 240 : i32
    %add3A_566 = arith.addi %mul3A_564, %add3A_565 : i32
    %run_scoped3A_567 = arith.constant 1 : i32
    "tpu.region"() ({
      %run_scoped3A_818 = tpu.sem_alloc : memref<!tpu.dma_semaphore, #tpu.memory_space<semaphore_mem>>
      %dma_start3A_819 = arith.constant 0 : i32
      %dma_start3A_820 = arith.constant 0 : i32
      %dma_start3A_821 = tpu.memref_slice %arg9[%run_scoped3A_567, %dma_start3A_819, %dma_start3A_820] : memref<4x80x128xf32, #tpu.memory_space<vmem>> -> memref<1x80x128xf32, #tpu.memory_space<vmem>>
      %dma_start3A_822 = tpu.memref_squeeze %dma_start3A_821 : memref<1x80x128xf32, #tpu.memory_space<vmem>> -> memref<80x128xf32, #tpu.memory_space<vmem>>
      %dma_start3A_823 = arith.constant 0 : i32
      %dma_start3A_824 = tpu.memref_slice %arg10[%add3A_566, %dma_start3A_823] : memref<10240x128xf32, #tpu.memory_space<vmem_shared>> -> memref<80x128xf32, #tpu.memory_space<vmem_shared>>
      %dma_start3A_825 = arith.constant 0 : i32
      %dma_start3A_826 = arith.constant 0 : i32
      %dma_start3A_827 = tpu.memref_slice %arg9[%run_scoped3A_567, %dma_start3A_825, %dma_start3A_826] : memref<4x80x128xf32, #tpu.memory_space<vmem>> -> memref<1x80x128xf32, #tpu.memory_space<vmem>>
      %dma_start3A_828 = tpu.memref_squeeze %dma_start3A_827 : memref<1x80x128xf32, #tpu.memory_space<vmem>> -> memref<80x128xf32, #tpu.memory_space<vmem>>
      %dma_start3A_829 = arith.constant 0 : i32
      %dma_start3A_830 = tpu.memref_slice %arg10[%add3A_566, %dma_start3A_829] : memref<10240x128xf32, #tpu.memory_space<vmem_shared>> -> memref<80x128xf32, #tpu.memory_space<vmem_shared>>
      tpu.enqueue_dma source(%dma_start3A_830 : memref<80x128xf32, #tpu.memory_space<vmem_shared>>) target(%dma_start3A_828 : memref<80x128xf32, #tpu.memory_space<vmem>>) target_semaphore(%run_scoped3A_818 : memref<!tpu.dma_semaphore, #tpu.memory_space<semaphore_mem>>)
      %dma_wait3A_831 = arith.constant 0 : i32
      %dma_wait3A_832 = arith.constant 0 : i32
      %dma_wait3A_833 = tpu.memref_slice %arg9[%run_scoped3A_567, %dma_wait3A_831, %dma_wait3A_832] : memref<4x80x128xf32, #tpu.memory_space<vmem>> -> memref<1x80x128xf32, #tpu.memory_space<vmem>>
      %dma_wait3A_834 = tpu.memref_squeeze %dma_wait3A_833 : memref<1x80x128xf32, #tpu.memory_space<vmem>> -> memref<80x128xf32, #tpu.memory_space<vmem>>
      %dma_wait3A_835 = arith.constant 0 : i32
      %dma_wait3A_836 = tpu.memref_slice %arg10[%add3A_566, %dma_wait3A_835] : memref<10240x128xf32, #tpu.memory_space<vmem_shared>> -> memref<80x128xf32, #tpu.memory_space<vmem_shared>>
      %dma_wait3A_837 = arith.constant 0 : i32
      %dma_wait3A_838 = arith.constant 0 : i32
      %dma_wait3A_839 = tpu.memref_slice %arg9[%run_scoped3A_567, %dma_wait3A_837, %dma_wait3A_838] : memref<4x80x128xf32, #tpu.memory_space<vmem>> -> memref<1x80x128xf32, #tpu.memory_space<vmem>>
      %dma_wait3A_840 = tpu.memref_squeeze %dma_wait3A_839 : memref<1x80x128xf32, #tpu.memory_space<vmem>> -> memref<80x128xf32, #tpu.memory_space<vmem>>
      %dma_wait3A_841 = arith.constant 0 : i32
      %dma_wait3A_842 = tpu.memref_slice %arg10[%add3A_566, %dma_wait3A_841] : memref<10240x128xf32, #tpu.memory_space<vmem_shared>> -> memref<80x128xf32, #tpu.memory_space<vmem_shared>>
      tpu.wait_dma2 semaphore(%run_scoped3A_818 : memref<!tpu.dma_semaphore, #tpu.memory_space<semaphore_mem>>) src(%dma_wait3A_842 : memref<80x128xf32, #tpu.memory_space<vmem_shared>>) dst(%dma_wait3A_840 : memref<80x128xf32, #tpu.memory_space<vmem>>)
      tpu.yield
    }) : () -> ()
    %mul3A_568 = arith.constant 640 : i32
    %mul3A_569 = arith.muli %arg1, %mul3A_568 : i32
    %add3A_570 = arith.constant 240 : i32
    %add3A_571 = arith.addi %mul3A_569, %add3A_570 : i32
    %dma_start3A_572 = arith.constant 1 : i32
    %dma_start3A_573 = arith.constant 1 : i32
    %dma_start3A_574 = arith.constant 0 : i32
    %dma_start3A_575 = arith.constant 0 : i32
    %dma_start3A_576 = tpu.memref_slice %arg9[%dma_start3A_572, %dma_start3A_574, %dma_start3A_575] : memref<4x80x128xf32, #tpu.memory_space<vmem>> -> memref<1x80x128xf32, #tpu.memory_space<vmem>>
    %dma_start3A_577 = tpu.memref_squeeze %dma_start3A_576 : memref<1x80x128xf32, #tpu.memory_space<vmem>> -> memref<80x128xf32, #tpu.memory_space<vmem>>
    %dma_start3A_578 = arith.constant 0 : i32
    %dma_start3A_579 = tpu.memref_slice %arg6[%arg0, %add3A_571, %dma_start3A_578] : memref<2x10240x128xf32, #tpu.memory_space<hbm>> -> memref<1x80x128xf32, #tpu.memory_space<hbm>>
    %dma_start3A_580 = tpu.memref_squeeze %dma_start3A_579 : memref<1x80x128xf32, #tpu.memory_space<hbm>> -> memref<80x128xf32, #tpu.memory_space<hbm>>
    %dma_start3A_581 = tpu.memref_slice %arg13[%dma_start3A_573] : memref<4x!tpu.dma_semaphore, #tpu.memory_space<semaphore_mem>> -> memref<1x!tpu.dma_semaphore, #tpu.memory_space<semaphore_mem>>
    %dma_start3A_582 = tpu.memref_squeeze %dma_start3A_581 : memref<1x!tpu.dma_semaphore, #tpu.memory_space<semaphore_mem>> -> memref<!tpu.dma_semaphore, #tpu.memory_space<semaphore_mem>>
    %dma_start3A_583 = arith.constant 0 : i32
    %dma_start3A_584 = tpu.memref_slice %arg6[%arg0, %add3A_571, %dma_start3A_583] : memref<2x10240x128xf32, #tpu.memory_space<hbm>> -> memref<1x80x128xf32, #tpu.memory_space<hbm>>
    %dma_start3A_585 = tpu.memref_squeeze %dma_start3A_584 : memref<1x80x128xf32, #tpu.memory_space<hbm>> -> memref<80x128xf32, #tpu.memory_space<hbm>>
    %dma_start3A_586 = arith.constant 0 : i32
    %dma_start3A_587 = arith.constant 0 : i32
    %dma_start3A_588 = tpu.memref_slice %arg9[%dma_start3A_572, %dma_start3A_586, %dma_start3A_587] : memref<4x80x128xf32, #tpu.memory_space<vmem>> -> memref<1x80x128xf32, #tpu.memory_space<vmem>>
    %dma_start3A_589 = tpu.memref_squeeze %dma_start3A_588 : memref<1x80x128xf32, #tpu.memory_space<vmem>> -> memref<80x128xf32, #tpu.memory_space<vmem>>
    tpu.enqueue_dma source(%dma_start3A_589 : memref<80x128xf32, #tpu.memory_space<vmem>>) target(%dma_start3A_585 : memref<80x128xf32, #tpu.memory_space<hbm>>) target_semaphore(%dma_start3A_582 : memref<!tpu.dma_semaphore, #tpu.memory_space<semaphore_mem>>)
    %mul3A_590 = arith.constant 640 : i32
    %mul3A_591 = arith.muli %arg1, %mul3A_590 : i32
    %dma_wait3A_592 = arith.constant 0 : i32
    %dma_wait3A_593 = arith.constant 0 : i32
    %dma_wait3A_594 = arith.constant 0 : i32
    %dma_wait3A_595 = arith.constant 0 : i32
    %dma_wait3A_596 = tpu.memref_slice %arg9[%dma_wait3A_592, %dma_wait3A_594, %dma_wait3A_595] : memref<4x80x128xf32, #tpu.memory_space<vmem>> -> memref<1x80x128xf32, #tpu.memory_space<vmem>>
    %dma_wait3A_597 = tpu.memref_squeeze %dma_wait3A_596 : memref<1x80x128xf32, #tpu.memory_space<vmem>> -> memref<80x128xf32, #tpu.memory_space<vmem>>
    %dma_wait3A_598 = arith.constant 0 : i32
    %dma_wait3A_599 = tpu.memref_slice %arg6[%arg0, %mul3A_591, %dma_wait3A_598] : memref<2x10240x128xf32, #tpu.memory_space<hbm>> -> memref<1x80x128xf32, #tpu.memory_space<hbm>>
    %dma_wait3A_600 = tpu.memref_squeeze %dma_wait3A_599 : memref<1x80x128xf32, #tpu.memory_space<hbm>> -> memref<80x128xf32, #tpu.memory_space<hbm>>
    %dma_wait3A_601 = tpu.memref_slice %arg13[%dma_wait3A_593] : memref<4x!tpu.dma_semaphore, #tpu.memory_space<semaphore_mem>> -> memref<1x!tpu.dma_semaphore, #tpu.memory_space<semaphore_mem>>
    %dma_wait3A_602 = tpu.memref_squeeze %dma_wait3A_601 : memref<1x!tpu.dma_semaphore, #tpu.memory_space<semaphore_mem>> -> memref<!tpu.dma_semaphore, #tpu.memory_space<semaphore_mem>>
    %dma_wait3A_603 = arith.constant 0 : i32
    %dma_wait3A_604 = tpu.memref_slice %arg6[%arg0, %mul3A_591, %dma_wait3A_603] : memref<2x10240x128xf32, #tpu.memory_space<hbm>> -> memref<1x80x128xf32, #tpu.memory_space<hbm>>
    %dma_wait3A_605 = tpu.memref_squeeze %dma_wait3A_604 : memref<1x80x128xf32, #tpu.memory_space<hbm>> -> memref<80x128xf32, #tpu.memory_space<hbm>>
    %dma_wait3A_606 = arith.constant 0 : i32
    %dma_wait3A_607 = arith.constant 0 : i32
    %dma_wait3A_608 = tpu.memref_slice %arg9[%dma_wait3A_592, %dma_wait3A_606, %dma_wait3A_607] : memref<4x80x128xf32, #tpu.memory_space<vmem>> -> memref<1x80x128xf32, #tpu.memory_space<vmem>>
    %dma_wait3A_609 = tpu.memref_squeeze %dma_wait3A_608 : memref<1x80x128xf32, #tpu.memory_space<vmem>> -> memref<80x128xf32, #tpu.memory_space<vmem>>
    tpu.wait_dma2 semaphore(%dma_wait3A_602 : memref<!tpu.dma_semaphore, #tpu.memory_space<semaphore_mem>>) src(%dma_wait3A_609 : memref<80x128xf32, #tpu.memory_space<vmem>>) dst(%dma_wait3A_605 : memref<80x128xf32, #tpu.memory_space<hbm>>)
    %mul3A_610 = arith.constant 640 : i32
    %mul3A_611 = arith.muli %arg1, %mul3A_610 : i32
    %add3A_612 = arith.constant 320 : i32
    %add3A_613 = arith.addi %mul3A_611, %add3A_612 : i32
    %run_scoped3A_614 = arith.constant 0 : i32
    "tpu.region"() ({
      %run_scoped3A_818 = tpu.sem_alloc : memref<!tpu.dma_semaphore, #tpu.memory_space<semaphore_mem>>
      %dma_start3A_819 = arith.constant 0 : i32
      %dma_start3A_820 = arith.constant 0 : i32
      %dma_start3A_821 = tpu.memref_slice %arg9[%run_scoped3A_614, %dma_start3A_819, %dma_start3A_820] : memref<4x80x128xf32, #tpu.memory_space<vmem>> -> memref<1x80x128xf32, #tpu.memory_space<vmem>>
      %dma_start3A_822 = tpu.memref_squeeze %dma_start3A_821 : memref<1x80x128xf32, #tpu.memory_space<vmem>> -> memref<80x128xf32, #tpu.memory_space<vmem>>
      %dma_start3A_823 = arith.constant 0 : i32
      %dma_start3A_824 = tpu.memref_slice %arg10[%add3A_613, %dma_start3A_823] : memref<10240x128xf32, #tpu.memory_space<vmem_shared>> -> memref<80x128xf32, #tpu.memory_space<vmem_shared>>
      %dma_start3A_825 = arith.constant 0 : i32
      %dma_start3A_826 = arith.constant 0 : i32
      %dma_start3A_827 = tpu.memref_slice %arg9[%run_scoped3A_614, %dma_start3A_825, %dma_start3A_826] : memref<4x80x128xf32, #tpu.memory_space<vmem>> -> memref<1x80x128xf32, #tpu.memory_space<vmem>>
      %dma_start3A_828 = tpu.memref_squeeze %dma_start3A_827 : memref<1x80x128xf32, #tpu.memory_space<vmem>> -> memref<80x128xf32, #tpu.memory_space<vmem>>
      %dma_start3A_829 = arith.constant 0 : i32
      %dma_start3A_830 = tpu.memref_slice %arg10[%add3A_613, %dma_start3A_829] : memref<10240x128xf32, #tpu.memory_space<vmem_shared>> -> memref<80x128xf32, #tpu.memory_space<vmem_shared>>
      tpu.enqueue_dma source(%dma_start3A_830 : memref<80x128xf32, #tpu.memory_space<vmem_shared>>) target(%dma_start3A_828 : memref<80x128xf32, #tpu.memory_space<vmem>>) target_semaphore(%run_scoped3A_818 : memref<!tpu.dma_semaphore, #tpu.memory_space<semaphore_mem>>)
      %dma_wait3A_831 = arith.constant 0 : i32
      %dma_wait3A_832 = arith.constant 0 : i32
      %dma_wait3A_833 = tpu.memref_slice %arg9[%run_scoped3A_614, %dma_wait3A_831, %dma_wait3A_832] : memref<4x80x128xf32, #tpu.memory_space<vmem>> -> memref<1x80x128xf32, #tpu.memory_space<vmem>>
      %dma_wait3A_834 = tpu.memref_squeeze %dma_wait3A_833 : memref<1x80x128xf32, #tpu.memory_space<vmem>> -> memref<80x128xf32, #tpu.memory_space<vmem>>
      %dma_wait3A_835 = arith.constant 0 : i32
      %dma_wait3A_836 = tpu.memref_slice %arg10[%add3A_613, %dma_wait3A_835] : memref<10240x128xf32, #tpu.memory_space<vmem_shared>> -> memref<80x128xf32, #tpu.memory_space<vmem_shared>>
      %dma_wait3A_837 = arith.constant 0 : i32
      %dma_wait3A_838 = arith.constant 0 : i32
      %dma_wait3A_839 = tpu.memref_slice %arg9[%run_scoped3A_614, %dma_wait3A_837, %dma_wait3A_838] : memref<4x80x128xf32, #tpu.memory_space<vmem>> -> memref<1x80x128xf32, #tpu.memory_space<vmem>>
      %dma_wait3A_840 = tpu.memref_squeeze %dma_wait3A_839 : memref<1x80x128xf32, #tpu.memory_space<vmem>> -> memref<80x128xf32, #tpu.memory_space<vmem>>
      %dma_wait3A_841 = arith.constant 0 : i32
      %dma_wait3A_842 = tpu.memref_slice %arg10[%add3A_613, %dma_wait3A_841] : memref<10240x128xf32, #tpu.memory_space<vmem_shared>> -> memref<80x128xf32, #tpu.memory_space<vmem_shared>>
      tpu.wait_dma2 semaphore(%run_scoped3A_818 : memref<!tpu.dma_semaphore, #tpu.memory_space<semaphore_mem>>) src(%dma_wait3A_842 : memref<80x128xf32, #tpu.memory_space<vmem_shared>>) dst(%dma_wait3A_840 : memref<80x128xf32, #tpu.memory_space<vmem>>)
      tpu.yield
    }) : () -> ()
    %mul3A_615 = arith.constant 640 : i32
    %mul3A_616 = arith.muli %arg1, %mul3A_615 : i32
    %add3A_617 = arith.constant 320 : i32
    %add3A_618 = arith.addi %mul3A_616, %add3A_617 : i32
    %dma_start3A_619 = arith.constant 0 : i32
    %dma_start3A_620 = arith.constant 0 : i32
    %dma_start3A_621 = arith.constant 0 : i32
    %dma_start3A_622 = arith.constant 0 : i32
    %dma_start3A_623 = tpu.memref_slice %arg9[%dma_start3A_619, %dma_start3A_621, %dma_start3A_622] : memref<4x80x128xf32, #tpu.memory_space<vmem>> -> memref<1x80x128xf32, #tpu.memory_space<vmem>>
    %dma_start3A_624 = tpu.memref_squeeze %dma_start3A_623 : memref<1x80x128xf32, #tpu.memory_space<vmem>> -> memref<80x128xf32, #tpu.memory_space<vmem>>
    %dma_start3A_625 = arith.constant 0 : i32
    %dma_start3A_626 = tpu.memref_slice %arg6[%arg0, %add3A_618, %dma_start3A_625] : memref<2x10240x128xf32, #tpu.memory_space<hbm>> -> memref<1x80x128xf32, #tpu.memory_space<hbm>>
    %dma_start3A_627 = tpu.memref_squeeze %dma_start3A_626 : memref<1x80x128xf32, #tpu.memory_space<hbm>> -> memref<80x128xf32, #tpu.memory_space<hbm>>
    %dma_start3A_628 = tpu.memref_slice %arg13[%dma_start3A_620] : memref<4x!tpu.dma_semaphore, #tpu.memory_space<semaphore_mem>> -> memref<1x!tpu.dma_semaphore, #tpu.memory_space<semaphore_mem>>
    %dma_start3A_629 = tpu.memref_squeeze %dma_start3A_628 : memref<1x!tpu.dma_semaphore, #tpu.memory_space<semaphore_mem>> -> memref<!tpu.dma_semaphore, #tpu.memory_space<semaphore_mem>>
    %dma_start3A_630 = arith.constant 0 : i32
    %dma_start3A_631 = tpu.memref_slice %arg6[%arg0, %add3A_618, %dma_start3A_630] : memref<2x10240x128xf32, #tpu.memory_space<hbm>> -> memref<1x80x128xf32, #tpu.memory_space<hbm>>
    %dma_start3A_632 = tpu.memref_squeeze %dma_start3A_631 : memref<1x80x128xf32, #tpu.memory_space<hbm>> -> memref<80x128xf32, #tpu.memory_space<hbm>>
    %dma_start3A_633 = arith.constant 0 : i32
    %dma_start3A_634 = arith.constant 0 : i32
    %dma_start3A_635 = tpu.memref_slice %arg9[%dma_start3A_619, %dma_start3A_633, %dma_start3A_634] : memref<4x80x128xf32, #tpu.memory_space<vmem>> -> memref<1x80x128xf32, #tpu.memory_space<vmem>>
    %dma_start3A_636 = tpu.memref_squeeze %dma_start3A_635 : memref<1x80x128xf32, #tpu.memory_space<vmem>> -> memref<80x128xf32, #tpu.memory_space<vmem>>
    tpu.enqueue_dma source(%dma_start3A_636 : memref<80x128xf32, #tpu.memory_space<vmem>>) target(%dma_start3A_632 : memref<80x128xf32, #tpu.memory_space<hbm>>) target_semaphore(%dma_start3A_629 : memref<!tpu.dma_semaphore, #tpu.memory_space<semaphore_mem>>)
    %mul3A_637 = arith.constant 640 : i32
    %mul3A_638 = arith.muli %arg1, %mul3A_637 : i32
    %dma_wait3A_639 = arith.constant 1 : i32
    %dma_wait3A_640 = arith.constant 1 : i32
    %dma_wait3A_641 = arith.constant 0 : i32
    %dma_wait3A_642 = arith.constant 0 : i32
    %dma_wait3A_643 = tpu.memref_slice %arg9[%dma_wait3A_639, %dma_wait3A_641, %dma_wait3A_642] : memref<4x80x128xf32, #tpu.memory_space<vmem>> -> memref<1x80x128xf32, #tpu.memory_space<vmem>>
    %dma_wait3A_644 = tpu.memref_squeeze %dma_wait3A_643 : memref<1x80x128xf32, #tpu.memory_space<vmem>> -> memref<80x128xf32, #tpu.memory_space<vmem>>
    %dma_wait3A_645 = arith.constant 0 : i32
    %dma_wait3A_646 = tpu.memref_slice %arg6[%arg0, %mul3A_638, %dma_wait3A_645] : memref<2x10240x128xf32, #tpu.memory_space<hbm>> -> memref<1x80x128xf32, #tpu.memory_space<hbm>>
    %dma_wait3A_647 = tpu.memref_squeeze %dma_wait3A_646 : memref<1x80x128xf32, #tpu.memory_space<hbm>> -> memref<80x128xf32, #tpu.memory_space<hbm>>
    %dma_wait3A_648 = tpu.memref_slice %arg13[%dma_wait3A_640] : memref<4x!tpu.dma_semaphore, #tpu.memory_space<semaphore_mem>> -> memref<1x!tpu.dma_semaphore, #tpu.memory_space<semaphore_mem>>
    %dma_wait3A_649 = tpu.memref_squeeze %dma_wait3A_648 : memref<1x!tpu.dma_semaphore, #tpu.memory_space<semaphore_mem>> -> memref<!tpu.dma_semaphore, #tpu.memory_space<semaphore_mem>>
    %dma_wait3A_650 = arith.constant 0 : i32
    %dma_wait3A_651 = tpu.memref_slice %arg6[%arg0, %mul3A_638, %dma_wait3A_650] : memref<2x10240x128xf32, #tpu.memory_space<hbm>> -> memref<1x80x128xf32, #tpu.memory_space<hbm>>
    %dma_wait3A_652 = tpu.memref_squeeze %dma_wait3A_651 : memref<1x80x128xf32, #tpu.memory_space<hbm>> -> memref<80x128xf32, #tpu.memory_space<hbm>>
    %dma_wait3A_653 = arith.constant 0 : i32
    %dma_wait3A_654 = arith.constant 0 : i32
    %dma_wait3A_655 = tpu.memref_slice %arg9[%dma_wait3A_639, %dma_wait3A_653, %dma_wait3A_654] : memref<4x80x128xf32, #tpu.memory_space<vmem>> -> memref<1x80x128xf32, #tpu.memory_space<vmem>>
    %dma_wait3A_656 = tpu.memref_squeeze %dma_wait3A_655 : memref<1x80x128xf32, #tpu.memory_space<vmem>> -> memref<80x128xf32, #tpu.memory_space<vmem>>
    tpu.wait_dma2 semaphore(%dma_wait3A_649 : memref<!tpu.dma_semaphore, #tpu.memory_space<semaphore_mem>>) src(%dma_wait3A_656 : memref<80x128xf32, #tpu.memory_space<vmem>>) dst(%dma_wait3A_652 : memref<80x128xf32, #tpu.memory_space<hbm>>)
    %mul3A_657 = arith.constant 640 : i32
    %mul3A_658 = arith.muli %arg1, %mul3A_657 : i32
    %add3A_659 = arith.constant 400 : i32
    %add3A_660 = arith.addi %mul3A_658, %add3A_659 : i32
    %run_scoped3A_661 = arith.constant 1 : i32
    "tpu.region"() ({
      %run_scoped3A_818 = tpu.sem_alloc : memref<!tpu.dma_semaphore, #tpu.memory_space<semaphore_mem>>
      %dma_start3A_819 = arith.constant 0 : i32
      %dma_start3A_820 = arith.constant 0 : i32
      %dma_start3A_821 = tpu.memref_slice %arg9[%run_scoped3A_661, %dma_start3A_819, %dma_start3A_820] : memref<4x80x128xf32, #tpu.memory_space<vmem>> -> memref<1x80x128xf32, #tpu.memory_space<vmem>>
      %dma_start3A_822 = tpu.memref_squeeze %dma_start3A_821 : memref<1x80x128xf32, #tpu.memory_space<vmem>> -> memref<80x128xf32, #tpu.memory_space<vmem>>
      %dma_start3A_823 = arith.constant 0 : i32
      %dma_start3A_824 = tpu.memref_slice %arg10[%add3A_660, %dma_start3A_823] : memref<10240x128xf32, #tpu.memory_space<vmem_shared>> -> memref<80x128xf32, #tpu.memory_space<vmem_shared>>
      %dma_start3A_825 = arith.constant 0 : i32
      %dma_start3A_826 = arith.constant 0 : i32
      %dma_start3A_827 = tpu.memref_slice %arg9[%run_scoped3A_661, %dma_start3A_825, %dma_start3A_826] : memref<4x80x128xf32, #tpu.memory_space<vmem>> -> memref<1x80x128xf32, #tpu.memory_space<vmem>>
      %dma_start3A_828 = tpu.memref_squeeze %dma_start3A_827 : memref<1x80x128xf32, #tpu.memory_space<vmem>> -> memref<80x128xf32, #tpu.memory_space<vmem>>
      %dma_start3A_829 = arith.constant 0 : i32
      %dma_start3A_830 = tpu.memref_slice %arg10[%add3A_660, %dma_start3A_829] : memref<10240x128xf32, #tpu.memory_space<vmem_shared>> -> memref<80x128xf32, #tpu.memory_space<vmem_shared>>
      tpu.enqueue_dma source(%dma_start3A_830 : memref<80x128xf32, #tpu.memory_space<vmem_shared>>) target(%dma_start3A_828 : memref<80x128xf32, #tpu.memory_space<vmem>>) target_semaphore(%run_scoped3A_818 : memref<!tpu.dma_semaphore, #tpu.memory_space<semaphore_mem>>)
      %dma_wait3A_831 = arith.constant 0 : i32
      %dma_wait3A_832 = arith.constant 0 : i32
      %dma_wait3A_833 = tpu.memref_slice %arg9[%run_scoped3A_661, %dma_wait3A_831, %dma_wait3A_832] : memref<4x80x128xf32, #tpu.memory_space<vmem>> -> memref<1x80x128xf32, #tpu.memory_space<vmem>>
      %dma_wait3A_834 = tpu.memref_squeeze %dma_wait3A_833 : memref<1x80x128xf32, #tpu.memory_space<vmem>> -> memref<80x128xf32, #tpu.memory_space<vmem>>
      %dma_wait3A_835 = arith.constant 0 : i32
      %dma_wait3A_836 = tpu.memref_slice %arg10[%add3A_660, %dma_wait3A_835] : memref<10240x128xf32, #tpu.memory_space<vmem_shared>> -> memref<80x128xf32, #tpu.memory_space<vmem_shared>>
      %dma_wait3A_837 = arith.constant 0 : i32
      %dma_wait3A_838 = arith.constant 0 : i32
      %dma_wait3A_839 = tpu.memref_slice %arg9[%run_scoped3A_661, %dma_wait3A_837, %dma_wait3A_838] : memref<4x80x128xf32, #tpu.memory_space<vmem>> -> memref<1x80x128xf32, #tpu.memory_space<vmem>>
      %dma_wait3A_840 = tpu.memref_squeeze %dma_wait3A_839 : memref<1x80x128xf32, #tpu.memory_space<vmem>> -> memref<80x128xf32, #tpu.memory_space<vmem>>
      %dma_wait3A_841 = arith.constant 0 : i32
      %dma_wait3A_842 = tpu.memref_slice %arg10[%add3A_660, %dma_wait3A_841] : memref<10240x128xf32, #tpu.memory_space<vmem_shared>> -> memref<80x128xf32, #tpu.memory_space<vmem_shared>>
      tpu.wait_dma2 semaphore(%run_scoped3A_818 : memref<!tpu.dma_semaphore, #tpu.memory_space<semaphore_mem>>) src(%dma_wait3A_842 : memref<80x128xf32, #tpu.memory_space<vmem_shared>>) dst(%dma_wait3A_840 : memref<80x128xf32, #tpu.memory_space<vmem>>)
      tpu.yield
    }) : () -> ()
    %mul3A_662 = arith.constant 640 : i32
    %mul3A_663 = arith.muli %arg1, %mul3A_662 : i32
    %add3A_664 = arith.constant 400 : i32
    %add3A_665 = arith.addi %mul3A_663, %add3A_664 : i32
    %dma_start3A_666 = arith.constant 1 : i32
    %dma_start3A_667 = arith.constant 1 : i32
    %dma_start3A_668 = arith.constant 0 : i32
    %dma_start3A_669 = arith.constant 0 : i32
    %dma_start3A_670 = tpu.memref_slice %arg9[%dma_start3A_666, %dma_start3A_668, %dma_start3A_669] : memref<4x80x128xf32, #tpu.memory_space<vmem>> -> memref<1x80x128xf32, #tpu.memory_space<vmem>>
    %dma_start3A_671 = tpu.memref_squeeze %dma_start3A_670 : memref<1x80x128xf32, #tpu.memory_space<vmem>> -> memref<80x128xf32, #tpu.memory_space<vmem>>
    %dma_start3A_672 = arith.constant 0 : i32
    %dma_start3A_673 = tpu.memref_slice %arg6[%arg0, %add3A_665, %dma_start3A_672] : memref<2x10240x128xf32, #tpu.memory_space<hbm>> -> memref<1x80x128xf32, #tpu.memory_space<hbm>>
    %dma_start3A_674 = tpu.memref_squeeze %dma_start3A_673 : memref<1x80x128xf32, #tpu.memory_space<hbm>> -> memref<80x128xf32, #tpu.memory_space<hbm>>
    %dma_start3A_675 = tpu.memref_slice %arg13[%dma_start3A_667] : memref<4x!tpu.dma_semaphore, #tpu.memory_space<semaphore_mem>> -> memref<1x!tpu.dma_semaphore, #tpu.memory_space<semaphore_mem>>
    %dma_start3A_676 = tpu.memref_squeeze %dma_start3A_675 : memref<1x!tpu.dma_semaphore, #tpu.memory_space<semaphore_mem>> -> memref<!tpu.dma_semaphore, #tpu.memory_space<semaphore_mem>>
    %dma_start3A_677 = arith.constant 0 : i32
    %dma_start3A_678 = tpu.memref_slice %arg6[%arg0, %add3A_665, %dma_start3A_677] : memref<2x10240x128xf32, #tpu.memory_space<hbm>> -> memref<1x80x128xf32, #tpu.memory_space<hbm>>
    %dma_start3A_679 = tpu.memref_squeeze %dma_start3A_678 : memref<1x80x128xf32, #tpu.memory_space<hbm>> -> memref<80x128xf32, #tpu.memory_space<hbm>>
    %dma_start3A_680 = arith.constant 0 : i32
    %dma_start3A_681 = arith.constant 0 : i32
    %dma_start3A_682 = tpu.memref_slice %arg9[%dma_start3A_666, %dma_start3A_680, %dma_start3A_681] : memref<4x80x128xf32, #tpu.memory_space<vmem>> -> memref<1x80x128xf32, #tpu.memory_space<vmem>>
    %dma_start3A_683 = tpu.memref_squeeze %dma_start3A_682 : memref<1x80x128xf32, #tpu.memory_space<vmem>> -> memref<80x128xf32, #tpu.memory_space<vmem>>
    tpu.enqueue_dma source(%dma_start3A_683 : memref<80x128xf32, #tpu.memory_space<vmem>>) target(%dma_start3A_679 : memref<80x128xf32, #tpu.memory_space<hbm>>) target_semaphore(%dma_start3A_676 : memref<!tpu.dma_semaphore, #tpu.memory_space<semaphore_mem>>)
    %mul3A_684 = arith.constant 640 : i32
    %mul3A_685 = arith.muli %arg1, %mul3A_684 : i32
    %dma_wait3A_686 = arith.constant 0 : i32
    %dma_wait3A_687 = arith.constant 0 : i32
    %dma_wait3A_688 = arith.constant 0 : i32
    %dma_wait3A_689 = arith.constant 0 : i32
    %dma_wait3A_690 = tpu.memref_slice %arg9[%dma_wait3A_686, %dma_wait3A_688, %dma_wait3A_689] : memref<4x80x128xf32, #tpu.memory_space<vmem>> -> memref<1x80x128xf32, #tpu.memory_space<vmem>>
    %dma_wait3A_691 = tpu.memref_squeeze %dma_wait3A_690 : memref<1x80x128xf32, #tpu.memory_space<vmem>> -> memref<80x128xf32, #tpu.memory_space<vmem>>
    %dma_wait3A_692 = arith.constant 0 : i32
    %dma_wait3A_693 = tpu.memref_slice %arg6[%arg0, %mul3A_685, %dma_wait3A_692] : memref<2x10240x128xf32, #tpu.memory_space<hbm>> -> memref<1x80x128xf32, #tpu.memory_space<hbm>>
    %dma_wait3A_694 = tpu.memref_squeeze %dma_wait3A_693 : memref<1x80x128xf32, #tpu.memory_space<hbm>> -> memref<80x128xf32, #tpu.memory_space<hbm>>
    %dma_wait3A_695 = tpu.memref_slice %arg13[%dma_wait3A_687] : memref<4x!tpu.dma_semaphore, #tpu.memory_space<semaphore_mem>> -> memref<1x!tpu.dma_semaphore, #tpu.memory_space<semaphore_mem>>
    %dma_wait3A_696 = tpu.memref_squeeze %dma_wait3A_695 : memref<1x!tpu.dma_semaphore, #tpu.memory_space<semaphore_mem>> -> memref<!tpu.dma_semaphore, #tpu.memory_space<semaphore_mem>>
    %dma_wait3A_697 = arith.constant 0 : i32
    %dma_wait3A_698 = tpu.memref_slice %arg6[%arg0, %mul3A_685, %dma_wait3A_697] : memref<2x10240x128xf32, #tpu.memory_space<hbm>> -> memref<1x80x128xf32, #tpu.memory_space<hbm>>
    %dma_wait3A_699 = tpu.memref_squeeze %dma_wait3A_698 : memref<1x80x128xf32, #tpu.memory_space<hbm>> -> memref<80x128xf32, #tpu.memory_space<hbm>>
    %dma_wait3A_700 = arith.constant 0 : i32
    %dma_wait3A_701 = arith.constant 0 : i32
    %dma_wait3A_702 = tpu.memref_slice %arg9[%dma_wait3A_686, %dma_wait3A_700, %dma_wait3A_701] : memref<4x80x128xf32, #tpu.memory_space<vmem>> -> memref<1x80x128xf32, #tpu.memory_space<vmem>>
    %dma_wait3A_703 = tpu.memref_squeeze %dma_wait3A_702 : memref<1x80x128xf32, #tpu.memory_space<vmem>> -> memref<80x128xf32, #tpu.memory_space<vmem>>
    tpu.wait_dma2 semaphore(%dma_wait3A_696 : memref<!tpu.dma_semaphore, #tpu.memory_space<semaphore_mem>>) src(%dma_wait3A_703 : memref<80x128xf32, #tpu.memory_space<vmem>>) dst(%dma_wait3A_699 : memref<80x128xf32, #tpu.memory_space<hbm>>)
    %mul3A_704 = arith.constant 640 : i32
    %mul3A_705 = arith.muli %arg1, %mul3A_704 : i32
    %add3A_706 = arith.constant 480 : i32
    %add3A_707 = arith.addi %mul3A_705, %add3A_706 : i32
    %run_scoped3A_708 = arith.constant 0 : i32
    "tpu.region"() ({
      %run_scoped3A_818 = tpu.sem_alloc : memref<!tpu.dma_semaphore, #tpu.memory_space<semaphore_mem>>
      %dma_start3A_819 = arith.constant 0 : i32
      %dma_start3A_820 = arith.constant 0 : i32
      %dma_start3A_821 = tpu.memref_slice %arg9[%run_scoped3A_708, %dma_start3A_819, %dma_start3A_820] : memref<4x80x128xf32, #tpu.memory_space<vmem>> -> memref<1x80x128xf32, #tpu.memory_space<vmem>>
      %dma_start3A_822 = tpu.memref_squeeze %dma_start3A_821 : memref<1x80x128xf32, #tpu.memory_space<vmem>> -> memref<80x128xf32, #tpu.memory_space<vmem>>
      %dma_start3A_823 = arith.constant 0 : i32
      %dma_start3A_824 = tpu.memref_slice %arg10[%add3A_707, %dma_start3A_823] : memref<10240x128xf32, #tpu.memory_space<vmem_shared>> -> memref<80x128xf32, #tpu.memory_space<vmem_shared>>
      %dma_start3A_825 = arith.constant 0 : i32
      %dma_start3A_826 = arith.constant 0 : i32
      %dma_start3A_827 = tpu.memref_slice %arg9[%run_scoped3A_708, %dma_start3A_825, %dma_start3A_826] : memref<4x80x128xf32, #tpu.memory_space<vmem>> -> memref<1x80x128xf32, #tpu.memory_space<vmem>>
      %dma_start3A_828 = tpu.memref_squeeze %dma_start3A_827 : memref<1x80x128xf32, #tpu.memory_space<vmem>> -> memref<80x128xf32, #tpu.memory_space<vmem>>
      %dma_start3A_829 = arith.constant 0 : i32
      %dma_start3A_830 = tpu.memref_slice %arg10[%add3A_707, %dma_start3A_829] : memref<10240x128xf32, #tpu.memory_space<vmem_shared>> -> memref<80x128xf32, #tpu.memory_space<vmem_shared>>
      tpu.enqueue_dma source(%dma_start3A_830 : memref<80x128xf32, #tpu.memory_space<vmem_shared>>) target(%dma_start3A_828 : memref<80x128xf32, #tpu.memory_space<vmem>>) target_semaphore(%run_scoped3A_818 : memref<!tpu.dma_semaphore, #tpu.memory_space<semaphore_mem>>)
      %dma_wait3A_831 = arith.constant 0 : i32
      %dma_wait3A_832 = arith.constant 0 : i32
      %dma_wait3A_833 = tpu.memref_slice %arg9[%run_scoped3A_708, %dma_wait3A_831, %dma_wait3A_832] : memref<4x80x128xf32, #tpu.memory_space<vmem>> -> memref<1x80x128xf32, #tpu.memory_space<vmem>>
      %dma_wait3A_834 = tpu.memref_squeeze %dma_wait3A_833 : memref<1x80x128xf32, #tpu.memory_space<vmem>> -> memref<80x128xf32, #tpu.memory_space<vmem>>
      %dma_wait3A_835 = arith.constant 0 : i32
      %dma_wait3A_836 = tpu.memref_slice %arg10[%add3A_707, %dma_wait3A_835] : memref<10240x128xf32, #tpu.memory_space<vmem_shared>> -> memref<80x128xf32, #tpu.memory_space<vmem_shared>>
      %dma_wait3A_837 = arith.constant 0 : i32
      %dma_wait3A_838 = arith.constant 0 : i32
      %dma_wait3A_839 = tpu.memref_slice %arg9[%run_scoped3A_708, %dma_wait3A_837, %dma_wait3A_838] : memref<4x80x128xf32, #tpu.memory_space<vmem>> -> memref<1x80x128xf32, #tpu.memory_space<vmem>>
      %dma_wait3A_840 = tpu.memref_squeeze %dma_wait3A_839 : memref<1x80x128xf32, #tpu.memory_space<vmem>> -> memref<80x128xf32, #tpu.memory_space<vmem>>
      %dma_wait3A_841 = arith.constant 0 : i32
      %dma_wait3A_842 = tpu.memref_slice %arg10[%add3A_707, %dma_wait3A_841] : memref<10240x128xf32, #tpu.memory_space<vmem_shared>> -> memref<80x128xf32, #tpu.memory_space<vmem_shared>>
      tpu.wait_dma2 semaphore(%run_scoped3A_818 : memref<!tpu.dma_semaphore, #tpu.memory_space<semaphore_mem>>) src(%dma_wait3A_842 : memref<80x128xf32, #tpu.memory_space<vmem_shared>>) dst(%dma_wait3A_840 : memref<80x128xf32, #tpu.memory_space<vmem>>)
      tpu.yield
    }) : () -> ()
    %mul3A_709 = arith.constant 640 : i32
    %mul3A_710 = arith.muli %arg1, %mul3A_709 : i32
    %add3A_711 = arith.constant 480 : i32
    %add3A_712 = arith.addi %mul3A_710, %add3A_711 : i32
    %dma_start3A_713 = arith.constant 0 : i32
    %dma_start3A_714 = arith.constant 0 : i32
    %dma_start3A_715 = arith.constant 0 : i32
    %dma_start3A_716 = arith.constant 0 : i32
    %dma_start3A_717 = tpu.memref_slice %arg9[%dma_start3A_713, %dma_start3A_715, %dma_start3A_716] : memref<4x80x128xf32, #tpu.memory_space<vmem>> -> memref<1x80x128xf32, #tpu.memory_space<vmem>>
    %dma_start3A_718 = tpu.memref_squeeze %dma_start3A_717 : memref<1x80x128xf32, #tpu.memory_space<vmem>> -> memref<80x128xf32, #tpu.memory_space<vmem>>
    %dma_start3A_719 = arith.constant 0 : i32
    %dma_start3A_720 = tpu.memref_slice %arg6[%arg0, %add3A_712, %dma_start3A_719] : memref<2x10240x128xf32, #tpu.memory_space<hbm>> -> memref<1x80x128xf32, #tpu.memory_space<hbm>>
    %dma_start3A_721 = tpu.memref_squeeze %dma_start3A_720 : memref<1x80x128xf32, #tpu.memory_space<hbm>> -> memref<80x128xf32, #tpu.memory_space<hbm>>
    %dma_start3A_722 = tpu.memref_slice %arg13[%dma_start3A_714] : memref<4x!tpu.dma_semaphore, #tpu.memory_space<semaphore_mem>> -> memref<1x!tpu.dma_semaphore, #tpu.memory_space<semaphore_mem>>
    %dma_start3A_723 = tpu.memref_squeeze %dma_start3A_722 : memref<1x!tpu.dma_semaphore, #tpu.memory_space<semaphore_mem>> -> memref<!tpu.dma_semaphore, #tpu.memory_space<semaphore_mem>>
    %dma_start3A_724 = arith.constant 0 : i32
    %dma_start3A_725 = tpu.memref_slice %arg6[%arg0, %add3A_712, %dma_start3A_724] : memref<2x10240x128xf32, #tpu.memory_space<hbm>> -> memref<1x80x128xf32, #tpu.memory_space<hbm>>
    %dma_start3A_726 = tpu.memref_squeeze %dma_start3A_725 : memref<1x80x128xf32, #tpu.memory_space<hbm>> -> memref<80x128xf32, #tpu.memory_space<hbm>>
    %dma_start3A_727 = arith.constant 0 : i32
    %dma_start3A_728 = arith.constant 0 : i32
    %dma_start3A_729 = tpu.memref_slice %arg9[%dma_start3A_713, %dma_start3A_727, %dma_start3A_728] : memref<4x80x128xf32, #tpu.memory_space<vmem>> -> memref<1x80x128xf32, #tpu.memory_space<vmem>>
    %dma_start3A_730 = tpu.memref_squeeze %dma_start3A_729 : memref<1x80x128xf32, #tpu.memory_space<vmem>> -> memref<80x128xf32, #tpu.memory_space<vmem>>
    tpu.enqueue_dma source(%dma_start3A_730 : memref<80x128xf32, #tpu.memory_space<vmem>>) target(%dma_start3A_726 : memref<80x128xf32, #tpu.memory_space<hbm>>) target_semaphore(%dma_start3A_723 : memref<!tpu.dma_semaphore, #tpu.memory_space<semaphore_mem>>)
    %mul3A_731 = arith.constant 640 : i32
    %mul3A_732 = arith.muli %arg1, %mul3A_731 : i32
    %dma_wait3A_733 = arith.constant 1 : i32
    %dma_wait3A_734 = arith.constant 1 : i32
    %dma_wait3A_735 = arith.constant 0 : i32
    %dma_wait3A_736 = arith.constant 0 : i32
    %dma_wait3A_737 = tpu.memref_slice %arg9[%dma_wait3A_733, %dma_wait3A_735, %dma_wait3A_736] : memref<4x80x128xf32, #tpu.memory_space<vmem>> -> memref<1x80x128xf32, #tpu.memory_space<vmem>>
    %dma_wait3A_738 = tpu.memref_squeeze %dma_wait3A_737 : memref<1x80x128xf32, #tpu.memory_space<vmem>> -> memref<80x128xf32, #tpu.memory_space<vmem>>
    %dma_wait3A_739 = arith.constant 0 : i32
    %dma_wait3A_740 = tpu.memref_slice %arg6[%arg0, %mul3A_732, %dma_wait3A_739] : memref<2x10240x128xf32, #tpu.memory_space<hbm>> -> memref<1x80x128xf32, #tpu.memory_space<hbm>>
    %dma_wait3A_741 = tpu.memref_squeeze %dma_wait3A_740 : memref<1x80x128xf32, #tpu.memory_space<hbm>> -> memref<80x128xf32, #tpu.memory_space<hbm>>
    %dma_wait3A_742 = tpu.memref_slice %arg13[%dma_wait3A_734] : memref<4x!tpu.dma_semaphore, #tpu.memory_space<semaphore_mem>> -> memref<1x!tpu.dma_semaphore, #tpu.memory_space<semaphore_mem>>
    %dma_wait3A_743 = tpu.memref_squeeze %dma_wait3A_742 : memref<1x!tpu.dma_semaphore, #tpu.memory_space<semaphore_mem>> -> memref<!tpu.dma_semaphore, #tpu.memory_space<semaphore_mem>>
    %dma_wait3A_744 = arith.constant 0 : i32
    %dma_wait3A_745 = tpu.memref_slice %arg6[%arg0, %mul3A_732, %dma_wait3A_744] : memref<2x10240x128xf32, #tpu.memory_space<hbm>> -> memref<1x80x128xf32, #tpu.memory_space<hbm>>
    %dma_wait3A_746 = tpu.memref_squeeze %dma_wait3A_745 : memref<1x80x128xf32, #tpu.memory_space<hbm>> -> memref<80x128xf32, #tpu.memory_space<hbm>>
    %dma_wait3A_747 = arith.constant 0 : i32
    %dma_wait3A_748 = arith.constant 0 : i32
    %dma_wait3A_749 = tpu.memref_slice %arg9[%dma_wait3A_733, %dma_wait3A_747, %dma_wait3A_748] : memref<4x80x128xf32, #tpu.memory_space<vmem>> -> memref<1x80x128xf32, #tpu.memory_space<vmem>>
    %dma_wait3A_750 = tpu.memref_squeeze %dma_wait3A_749 : memref<1x80x128xf32, #tpu.memory_space<vmem>> -> memref<80x128xf32, #tpu.memory_space<vmem>>
    tpu.wait_dma2 semaphore(%dma_wait3A_743 : memref<!tpu.dma_semaphore, #tpu.memory_space<semaphore_mem>>) src(%dma_wait3A_750 : memref<80x128xf32, #tpu.memory_space<vmem>>) dst(%dma_wait3A_746 : memref<80x128xf32, #tpu.memory_space<hbm>>)
    %mul3A_751 = arith.constant 640 : i32
    %mul3A_752 = arith.muli %arg1, %mul3A_751 : i32
    %add3A_753 = arith.constant 560 : i32
    %add3A_754 = arith.addi %mul3A_752, %add3A_753 : i32
    %run_scoped3A_755 = arith.constant 1 : i32
    "tpu.region"() ({
      %run_scoped3A_818 = tpu.sem_alloc : memref<!tpu.dma_semaphore, #tpu.memory_space<semaphore_mem>>
      %dma_start3A_819 = arith.constant 0 : i32
      %dma_start3A_820 = arith.constant 0 : i32
      %dma_start3A_821 = tpu.memref_slice %arg9[%run_scoped3A_755, %dma_start3A_819, %dma_start3A_820] : memref<4x80x128xf32, #tpu.memory_space<vmem>> -> memref<1x80x128xf32, #tpu.memory_space<vmem>>
      %dma_start3A_822 = tpu.memref_squeeze %dma_start3A_821 : memref<1x80x128xf32, #tpu.memory_space<vmem>> -> memref<80x128xf32, #tpu.memory_space<vmem>>
      %dma_start3A_823 = arith.constant 0 : i32
      %dma_start3A_824 = tpu.memref_slice %arg10[%add3A_754, %dma_start3A_823] : memref<10240x128xf32, #tpu.memory_space<vmem_shared>> -> memref<80x128xf32, #tpu.memory_space<vmem_shared>>
      %dma_start3A_825 = arith.constant 0 : i32
      %dma_start3A_826 = arith.constant 0 : i32
      %dma_start3A_827 = tpu.memref_slice %arg9[%run_scoped3A_755, %dma_start3A_825, %dma_start3A_826] : memref<4x80x128xf32, #tpu.memory_space<vmem>> -> memref<1x80x128xf32, #tpu.memory_space<vmem>>
      %dma_start3A_828 = tpu.memref_squeeze %dma_start3A_827 : memref<1x80x128xf32, #tpu.memory_space<vmem>> -> memref<80x128xf32, #tpu.memory_space<vmem>>
      %dma_start3A_829 = arith.constant 0 : i32
      %dma_start3A_830 = tpu.memref_slice %arg10[%add3A_754, %dma_start3A_829] : memref<10240x128xf32, #tpu.memory_space<vmem_shared>> -> memref<80x128xf32, #tpu.memory_space<vmem_shared>>
      tpu.enqueue_dma source(%dma_start3A_830 : memref<80x128xf32, #tpu.memory_space<vmem_shared>>) target(%dma_start3A_828 : memref<80x128xf32, #tpu.memory_space<vmem>>) target_semaphore(%run_scoped3A_818 : memref<!tpu.dma_semaphore, #tpu.memory_space<semaphore_mem>>)
      %dma_wait3A_831 = arith.constant 0 : i32
      %dma_wait3A_832 = arith.constant 0 : i32
      %dma_wait3A_833 = tpu.memref_slice %arg9[%run_scoped3A_755, %dma_wait3A_831, %dma_wait3A_832] : memref<4x80x128xf32, #tpu.memory_space<vmem>> -> memref<1x80x128xf32, #tpu.memory_space<vmem>>
      %dma_wait3A_834 = tpu.memref_squeeze %dma_wait3A_833 : memref<1x80x128xf32, #tpu.memory_space<vmem>> -> memref<80x128xf32, #tpu.memory_space<vmem>>
      %dma_wait3A_835 = arith.constant 0 : i32
      %dma_wait3A_836 = tpu.memref_slice %arg10[%add3A_754, %dma_wait3A_835] : memref<10240x128xf32, #tpu.memory_space<vmem_shared>> -> memref<80x128xf32, #tpu.memory_space<vmem_shared>>
      %dma_wait3A_837 = arith.constant 0 : i32
      %dma_wait3A_838 = arith.constant 0 : i32
      %dma_wait3A_839 = tpu.memref_slice %arg9[%run_scoped3A_755, %dma_wait3A_837, %dma_wait3A_838] : memref<4x80x128xf32, #tpu.memory_space<vmem>> -> memref<1x80x128xf32, #tpu.memory_space<vmem>>
      %dma_wait3A_840 = tpu.memref_squeeze %dma_wait3A_839 : memref<1x80x128xf32, #tpu.memory_space<vmem>> -> memref<80x128xf32, #tpu.memory_space<vmem>>
      %dma_wait3A_841 = arith.constant 0 : i32
      %dma_wait3A_842 = tpu.memref_slice %arg10[%add3A_754, %dma_wait3A_841] : memref<10240x128xf32, #tpu.memory_space<vmem_shared>> -> memref<80x128xf32, #tpu.memory_space<vmem_shared>>
      tpu.wait_dma2 semaphore(%run_scoped3A_818 : memref<!tpu.dma_semaphore, #tpu.memory_space<semaphore_mem>>) src(%dma_wait3A_842 : memref<80x128xf32, #tpu.memory_space<vmem_shared>>) dst(%dma_wait3A_840 : memref<80x128xf32, #tpu.memory_space<vmem>>)
      tpu.yield
    }) : () -> ()
    %mul3A_756 = arith.constant 640 : i32
    %mul3A_757 = arith.muli %arg1, %mul3A_756 : i32
    %add3A_758 = arith.constant 560 : i32
    %add3A_759 = arith.addi %mul3A_757, %add3A_758 : i32
    %dma_start3A_760 = arith.constant 1 : i32
    %dma_start3A_761 = arith.constant 1 : i32
    %dma_start3A_762 = arith.constant 0 : i32
    %dma_start3A_763 = arith.constant 0 : i32
    %dma_start3A_764 = tpu.memref_slice %arg9[%dma_start3A_760, %dma_start3A_762, %dma_start3A_763] : memref<4x80x128xf32, #tpu.memory_space<vmem>> -> memref<1x80x128xf32, #tpu.memory_space<vmem>>
    %dma_start3A_765 = tpu.memref_squeeze %dma_start3A_764 : memref<1x80x128xf32, #tpu.memory_space<vmem>> -> memref<80x128xf32, #tpu.memory_space<vmem>>
    %dma_start3A_766 = arith.constant 0 : i32
    %dma_start3A_767 = tpu.memref_slice %arg6[%arg0, %add3A_759, %dma_start3A_766] : memref<2x10240x128xf32, #tpu.memory_space<hbm>> -> memref<1x80x128xf32, #tpu.memory_space<hbm>>
    %dma_start3A_768 = tpu.memref_squeeze %dma_start3A_767 : memref<1x80x128xf32, #tpu.memory_space<hbm>> -> memref<80x128xf32, #tpu.memory_space<hbm>>
    %dma_start3A_769 = tpu.memref_slice %arg13[%dma_start3A_761] : memref<4x!tpu.dma_semaphore, #tpu.memory_space<semaphore_mem>> -> memref<1x!tpu.dma_semaphore, #tpu.memory_space<semaphore_mem>>
    %dma_start3A_770 = tpu.memref_squeeze %dma_start3A_769 : memref<1x!tpu.dma_semaphore, #tpu.memory_space<semaphore_mem>> -> memref<!tpu.dma_semaphore, #tpu.memory_space<semaphore_mem>>
    %dma_start3A_771 = arith.constant 0 : i32
    %dma_start3A_772 = tpu.memref_slice %arg6[%arg0, %add3A_759, %dma_start3A_771] : memref<2x10240x128xf32, #tpu.memory_space<hbm>> -> memref<1x80x128xf32, #tpu.memory_space<hbm>>
    %dma_start3A_773 = tpu.memref_squeeze %dma_start3A_772 : memref<1x80x128xf32, #tpu.memory_space<hbm>> -> memref<80x128xf32, #tpu.memory_space<hbm>>
    %dma_start3A_774 = arith.constant 0 : i32
    %dma_start3A_775 = arith.constant 0 : i32
    %dma_start3A_776 = tpu.memref_slice %arg9[%dma_start3A_760, %dma_start3A_774, %dma_start3A_775] : memref<4x80x128xf32, #tpu.memory_space<vmem>> -> memref<1x80x128xf32, #tpu.memory_space<vmem>>
    %dma_start3A_777 = tpu.memref_squeeze %dma_start3A_776 : memref<1x80x128xf32, #tpu.memory_space<vmem>> -> memref<80x128xf32, #tpu.memory_space<vmem>>
    tpu.enqueue_dma source(%dma_start3A_777 : memref<80x128xf32, #tpu.memory_space<vmem>>) target(%dma_start3A_773 : memref<80x128xf32, #tpu.memory_space<hbm>>) target_semaphore(%dma_start3A_770 : memref<!tpu.dma_semaphore, #tpu.memory_space<semaphore_mem>>)
    %mul3A_778 = arith.constant 640 : i32
    %mul3A_779 = arith.muli %arg1, %mul3A_778 : i32
    %dma_wait3A_780 = arith.constant 0 : i32
    %dma_wait3A_781 = arith.constant 0 : i32
    %dma_wait3A_782 = arith.constant 0 : i32
    %dma_wait3A_783 = arith.constant 0 : i32
    %dma_wait3A_784 = tpu.memref_slice %arg9[%dma_wait3A_780, %dma_wait3A_782, %dma_wait3A_783] : memref<4x80x128xf32, #tpu.memory_space<vmem>> -> memref<1x80x128xf32, #tpu.memory_space<vmem>>
    %dma_wait3A_785 = tpu.memref_squeeze %dma_wait3A_784 : memref<1x80x128xf32, #tpu.memory_space<vmem>> -> memref<80x128xf32, #tpu.memory_space<vmem>>
    %dma_wait3A_786 = arith.constant 0 : i32
    %dma_wait3A_787 = tpu.memref_slice %arg6[%arg0, %mul3A_779, %dma_wait3A_786] : memref<2x10240x128xf32, #tpu.memory_space<hbm>> -> memref<1x80x128xf32, #tpu.memory_space<hbm>>
    %dma_wait3A_788 = tpu.memref_squeeze %dma_wait3A_787 : memref<1x80x128xf32, #tpu.memory_space<hbm>> -> memref<80x128xf32, #tpu.memory_space<hbm>>
    %dma_wait3A_789 = tpu.memref_slice %arg13[%dma_wait3A_781] : memref<4x!tpu.dma_semaphore, #tpu.memory_space<semaphore_mem>> -> memref<1x!tpu.dma_semaphore, #tpu.memory_space<semaphore_mem>>
    %dma_wait3A_790 = tpu.memref_squeeze %dma_wait3A_789 : memref<1x!tpu.dma_semaphore, #tpu.memory_space<semaphore_mem>> -> memref<!tpu.dma_semaphore, #tpu.memory_space<semaphore_mem>>
    %dma_wait3A_791 = arith.constant 0 : i32
    %dma_wait3A_792 = tpu.memref_slice %arg6[%arg0, %mul3A_779, %dma_wait3A_791] : memref<2x10240x128xf32, #tpu.memory_space<hbm>> -> memref<1x80x128xf32, #tpu.memory_space<hbm>>
    %dma_wait3A_793 = tpu.memref_squeeze %dma_wait3A_792 : memref<1x80x128xf32, #tpu.memory_space<hbm>> -> memref<80x128xf32, #tpu.memory_space<hbm>>
    %dma_wait3A_794 = arith.constant 0 : i32
    %dma_wait3A_795 = arith.constant 0 : i32
    %dma_wait3A_796 = tpu.memref_slice %arg9[%dma_wait3A_780, %dma_wait3A_794, %dma_wait3A_795] : memref<4x80x128xf32, #tpu.memory_space<vmem>> -> memref<1x80x128xf32, #tpu.memory_space<vmem>>
    %dma_wait3A_797 = tpu.memref_squeeze %dma_wait3A_796 : memref<1x80x128xf32, #tpu.memory_space<vmem>> -> memref<80x128xf32, #tpu.memory_space<vmem>>
    tpu.wait_dma2 semaphore(%dma_wait3A_790 : memref<!tpu.dma_semaphore, #tpu.memory_space<semaphore_mem>>) src(%dma_wait3A_797 : memref<80x128xf32, #tpu.memory_space<vmem>>) dst(%dma_wait3A_793 : memref<80x128xf32, #tpu.memory_space<hbm>>)
    %mul3A_798 = arith.constant 640 : i32
    %mul3A_799 = arith.muli %arg1, %mul3A_798 : i32
    %dma_wait3A_800 = arith.constant 1 : i32
    %dma_wait3A_801 = arith.constant 1 : i32
    %dma_wait3A_802 = arith.constant 0 : i32
    %dma_wait3A_803 = arith.constant 0 : i32
    %dma_wait3A_804 = tpu.memref_slice %arg9[%dma_wait3A_800, %dma_wait3A_802, %dma_wait3A_803] : memref<4x80x128xf32, #tpu.memory_space<vmem>> -> memref<1x80x128xf32, #tpu.memory_space<vmem>>
    %dma_wait3A_805 = tpu.memref_squeeze %dma_wait3A_804 : memref<1x80x128xf32, #tpu.memory_space<vmem>> -> memref<80x128xf32, #tpu.memory_space<vmem>>
    %dma_wait3A_806 = arith.constant 0 : i32
    %dma_wait3A_807 = tpu.memref_slice %arg6[%arg0, %mul3A_799, %dma_wait3A_806] : memref<2x10240x128xf32, #tpu.memory_space<hbm>> -> memref<1x80x128xf32, #tpu.memory_space<hbm>>
    %dma_wait3A_808 = tpu.memref_squeeze %dma_wait3A_807 : memref<1x80x128xf32, #tpu.memory_space<hbm>> -> memref<80x128xf32, #tpu.memory_space<hbm>>
    %dma_wait3A_809 = tpu.memref_slice %arg13[%dma_wait3A_801] : memref<4x!tpu.dma_semaphore, #tpu.memory_space<semaphore_mem>> -> memref<1x!tpu.dma_semaphore, #tpu.memory_space<semaphore_mem>>
    %dma_wait3A_810 = tpu.memref_squeeze %dma_wait3A_809 : memref<1x!tpu.dma_semaphore, #tpu.memory_space<semaphore_mem>> -> memref<!tpu.dma_semaphore, #tpu.memory_space<semaphore_mem>>
    %dma_wait3A_811 = arith.constant 0 : i32
    %dma_wait3A_812 = tpu.memref_slice %arg6[%arg0, %mul3A_799, %dma_wait3A_811] : memref<2x10240x128xf32, #tpu.memory_space<hbm>> -> memref<1x80x128xf32, #tpu.memory_space<hbm>>
    %dma_wait3A_813 = tpu.memref_squeeze %dma_wait3A_812 : memref<1x80x128xf32, #tpu.memory_space<hbm>> -> memref<80x128xf32, #tpu.memory_space<hbm>>
    %dma_wait3A_814 = arith.constant 0 : i32
    %dma_wait3A_815 = arith.constant 0 : i32
    %dma_wait3A_816 = tpu.memref_slice %arg9[%dma_wait3A_800, %dma_wait3A_814, %dma_wait3A_815] : memref<4x80x128xf32, #tpu.memory_space<vmem>> -> memref<1x80x128xf32, #tpu.memory_space<vmem>>
    %dma_wait3A_817 = tpu.memref_squeeze %dma_wait3A_816 : memref<1x80x128xf32, #tpu.memory_space<vmem>> -> memref<80x128xf32, #tpu.memory_space<vmem>>
    tpu.wait_dma2 semaphore(%dma_wait3A_810 : memref<!tpu.dma_semaphore, #tpu.memory_space<semaphore_mem>>) src(%dma_wait3A_817 : memref<80x128xf32, #tpu.memory_space<vmem>>) dst(%dma_wait3A_813 : memref<80x128xf32, #tpu.memory_space<hbm>>)
    return
  }
}

module attributes {stable_mosaic.version = 14 : i64} {
  func.func @_mm_body(%arg0: i32, %arg1: memref<1000x128xf32, #tpu.memory_space<vmem>>, %arg2: memref<128x128xf32, #tpu.memory_space<vmem>>, %arg3: memref<1000x128xf32, #tpu.memory_space<vmem>>) attributes {dimension_semantics = [#tpu.dimension_semantics<arbitrary>], iteration_bounds = array<i64: 10>, scalar_prefetch = 0 : i64, scratch_operands = 0 : i64, tpu.core_type = #tpu.core_type<tc>, window_params = [{transform_indices = @transform_0, window_bounds = array<i64: 1000, 128>}, {pipeline_mode = #tpu.pipeline_mode<synchronous>, transform_indices = @transform_1, window_bounds = array<i64: 128, 128>}, {transform_indices = @transform_2, window_bounds = array<i64: 1000, 128>}]} {
    %get3A = arith.constant 0 : index
    %get3A_0 = arith.constant 0 : index
    %get3A_1 = vector.load %arg1[%get3A, %get3A_0] : memref<1000x128xf32, #tpu.memory_space<vmem>>, vector<1000x128xf32>
    %get3A_2 = arith.constant 0 : index
    %get3A_3 = arith.constant 0 : index
    %get3A_4 = vector.load %arg2[%get3A_2, %get3A_3] : memref<128x128xf32, #tpu.memory_space<vmem>>, vector<128x128xf32>
    %dot_general3A = arith.constant dense<0.000000e+00> : vector<1000x128xf32>
    %dot_general3A_5 = tpu.matmul %get3A_1, %get3A_4, %dot_general3A {dimension_numbers = #tpu.dot_dimension_numbers<[1], [0], [0], [1], [0, 0, 1, 1], [], []>, transpose_lhs_hint = false} : vector<1000x128xf32>, vector<128x128xf32>, vector<1000x128xf32> -> vector<1000x128xf32>
    %swap3A = arith.constant 0 : index
    %swap3A_6 = arith.constant 0 : index
    %swap3A_7 = vector.load %arg3[%swap3A, %swap3A_6] : memref<1000x128xf32, #tpu.memory_space<vmem>>, vector<1000x128xf32>
    tpu.vector_store %arg3[%swap3A, %swap3A_6], %dot_general3A_5 {strides = array<i32>} : memref<1000x128xf32, #tpu.memory_space<vmem>>, vector<1000x128xf32>,
    return
  }
  func.func @transform_0(%arg0: i32) -> (i32, i32) {
    %c0_i32 = arith.constant 0 : i32
    %c0_i32_0 = arith.constant 0 : i32
    return %arg0, %c0_i32 : i32, i32
  }
  func.func @transform_1(%arg0: i32) -> (i32, i32) {
    %c0_i32 = arith.constant 0 : i32
    %c0_i32_0 = arith.constant 0 : i32
    %c0_i32_1 = arith.constant 0 : i32
    return %c0_i32, %c0_i32_0 : i32, i32
  }
  func.func @transform_2(%arg0: i32) -> (i32, i32) {
    %c0_i32 = arith.constant 0 : i32
    %c0_i32_0 = arith.constant 0 : i32
    return %arg0, %c0_i32 : i32, i32
  }
}

module attributes {stable_mosaic.version = 14 : i64} {
  func.func @_scale_body(%arg0: i32, %arg1: memref<1000x128xf32, #tpu.memory_space<vmem>>, %arg2: memref<1000x2xf32, #tpu.memory_space<vmem>>, %arg3: memref<1000x128xf32, #tpu.memory_space<vmem>>) attributes {dimension_semantics = [#tpu.dimension_semantics<arbitrary>], iteration_bounds = array<i64: 10>, scalar_prefetch = 0 : i64, scratch_operands = 0 : i64, tpu.core_type = #tpu.core_type<tc>, window_params = [{transform_indices = @transform_0, window_bounds = array<i64: 1000, 128>}, {transform_indices = @transform_1, window_bounds = array<i64: 1000, 2>}, {transform_indices = @transform_2, window_bounds = array<i64: 1000, 128>}]} {
    %get3A = arith.constant 0 : index
    %get3A_0 = arith.constant 0 : index
    %get3A_1 = vector.load %arg2[%get3A, %get3A_0] : memref<1000x2xf32, #tpu.memory_space<vmem>>, vector<1000x2xf32>
    %reduce_sum3A = arith.constant dense<0.000000e+00> : vector<1000xf32>
    %reduce_sum3A_2 = vector.multi_reduction <add>, %get3A_1, %reduce_sum3A [1] : vector<1000x2xf32> to vector<1000xf32>
    %broadcast_in_dim3A = vector.shape_cast %reduce_sum3A_2 : vector<1000xf32> to vector<1000x1xf32>
    %add3A = arith.constant 1.000000e+00 : f32
    %add3A_3 = vector.broadcast %add3A : f32 to vector<1000x1xf32>
    %add3A_4 = arith.addf %broadcast_in_dim3A, %add3A_3 : vector<1000x1xf32>
    %get3A_5 = arith.constant 0 : index
    %get3A_6 = arith.constant 0 : index
    %get3A_7 = vector.load %arg1[%get3A_5, %get3A_6] : memref<1000x128xf32, #tpu.memory_space<vmem>>, vector<1000x128xf32>
    %rsqrt3A = math.rsqrt %add3A_4 : vector<1000x1xf32>
    %mul3A = vector.broadcast %rsqrt3A : vector<1000x1xf32> to vector<1000x128xf32>
    %mul3A_8 = arith.mulf %get3A_7, %mul3A : vector<1000x128xf32>
    %swap3A = arith.constant 0 : index
    %swap3A_9 = arith.constant 0 : index
    %swap3A_10 = vector.load %arg3[%swap3A, %swap3A_9] : memref<1000x128xf32, #tpu.memory_space<vmem>>, vector<1000x128xf32>
    tpu.vector_store %arg3[%swap3A, %swap3A_9], %mul3A_8 {strides = array<i32>} : memref<1000x128xf32, #tpu.memory_space<vmem>>, vector<1000x128xf32>,
    return
  }
  func.func @transform_0(%arg0: i32) -> (i32, i32) {
    %c0_i32 = arith.constant 0 : i32
    %c0_i32_0 = arith.constant 0 : i32
    return %arg0, %c0_i32 : i32, i32
  }
  func.func @transform_1(%arg0: i32) -> (i32, i32) {
    %c0_i32 = arith.constant 0 : i32
    %c0_i32_0 = arith.constant 0 : i32
    return %arg0, %c0_i32 : i32, i32
  }
  func.func @transform_2(%arg0: i32) -> (i32, i32) {
    %c0_i32 = arith.constant 0 : i32
    %c0_i32_0 = arith.constant 0 : i32
    return %arg0, %c0_i32 : i32, i32
  }
}

module attributes {stable_mosaic.version = 14 : i64} {
  func.func @_comb_body(%arg0: i32, %arg1: memref<2x1000x128xf32, #tpu.memory_space<vmem>>, %arg2: memref<1000x128xf32, #tpu.memory_space<vmem>>, %arg3: memref<1000x2xf32, #tpu.memory_space<vmem>>, %arg4: memref<1x128xf32, #tpu.memory_space<vmem>>, %arg5: memref<1000x128xf32, #tpu.memory_space<vmem>>) attributes {dimension_semantics = [#tpu.dimension_semantics<arbitrary>], iteration_bounds = array<i64: 10>, scalar_prefetch = 0 : i64, scratch_operands = 0 : i64, tpu.core_type = #tpu.core_type<tc>, window_params = [{transform_indices = @transform_0, window_bounds = array<i64: 2, 1000, 128>}, {transform_indices = @transform_1, window_bounds = array<i64: 1000, 128>}, {transform_indices = @transform_2, window_bounds = array<i64: 1000, 2>}, {pipeline_mode = #tpu.pipeline_mode<synchronous>, transform_indices = @transform_3, window_bounds = array<i64: 1, 128>}, {transform_indices = @transform_4, window_bounds = array<i64: 1000, 128>}]} {
    %get3A = arith.constant 0 : index
    %get3A_0 = arith.constant 0 : index
    %get3A_1 = vector.load %arg3[%get3A, %get3A_0] : memref<1000x2xf32, #tpu.memory_space<vmem>>, vector<1000x2xf32>
    %reduce_sum3A = arith.constant dense<0.000000e+00> : vector<1000xf32>
    %reduce_sum3A_2 = vector.multi_reduction <add>, %get3A_1, %reduce_sum3A [1] : vector<1000x2xf32> to vector<1000xf32>
    %broadcast_in_dim3A = vector.shape_cast %reduce_sum3A_2 : vector<1000xf32> to vector<1000x1xf32>
    %add3A = arith.constant 1.000000e+00 : f32
    %add3A_3 = vector.broadcast %add3A : f32 to vector<1000x1xf32>
    %add3A_4 = arith.addf %broadcast_in_dim3A, %add3A_3 : vector<1000x1xf32>
    %rsqrt3A = math.rsqrt %add3A_4 : vector<1000x1xf32>
    %get3A_5 = arith.constant 0 : index
    %get3A_6 = arith.constant 0 : index
    %get3A_7 = arith.constant 0 : index
    %get3A_8 = vector.load %arg1[%get3A_5, %get3A_6, %get3A_7] : memref<2x1000x128xf32, #tpu.memory_space<vmem>>, vector<1x1000x128xf32>
    %get3A_9 = vector.shape_cast %get3A_8 : vector<1x1000x128xf32> to vector<1000x128xf32>
    %get3A_10 = arith.constant 1 : index
    %get3A_11 = arith.constant 0 : index
    %get3A_12 = arith.constant 0 : index
    %get3A_13 = vector.load %arg1[%get3A_10, %get3A_11, %get3A_12] : memref<2x1000x128xf32, #tpu.memory_space<vmem>>, vector<1x1000x128xf32>
    %get3A_14 = vector.shape_cast %get3A_13 : vector<1x1000x128xf32> to vector<1000x128xf32>
    %add3A_15 = arith.addf %get3A_9, %get3A_14 : vector<1000x128xf32>
    %mul3A = vector.broadcast %rsqrt3A : vector<1000x1xf32> to vector<1000x128xf32>
    %mul3A_16 = arith.mulf %add3A_15, %mul3A : vector<1000x128xf32>
    %get3A_17 = arith.constant 0 : index
    %get3A_18 = arith.constant 0 : index
    %get3A_19 = vector.load %arg2[%get3A_17, %get3A_18] : memref<1000x128xf32, #tpu.memory_space<vmem>>, vector<1000x128xf32>
    %div3A = arith.constant 1.000000e+00 : f32
    %div3A_20 = vector.broadcast %div3A : f32 to vector<1000x1xf32>
    %div3A_21 = arith.divf %div3A_20, %add3A_4 : vector<1000x1xf32>
    %mul3A_22 = vector.broadcast %div3A_21 : vector<1000x1xf32> to vector<1000x128xf32>
    %mul3A_23 = arith.mulf %get3A_19, %mul3A_22 : vector<1000x128xf32>
    %add3A_24 = arith.addf %mul3A_16, %mul3A_23 : vector<1000x128xf32>
    %get3A_25 = arith.constant 0 : index
    %get3A_26 = arith.constant 0 : index
    %get3A_27 = vector.load %arg4[%get3A_25, %get3A_26] : memref<1x128xf32, #tpu.memory_space<vmem>>, vector<1x128xf32>
    %add3A_28 = vector.broadcast %get3A_27 : vector<1x128xf32> to vector<1000x128xf32>
    %add3A_29 = arith.addf %add3A_24, %add3A_28 : vector<1000x128xf32>
    %swap3A = arith.constant 0 : index
    %swap3A_30 = arith.constant 0 : index
    %swap3A_31 = vector.load %arg5[%swap3A, %swap3A_30] : memref<1000x128xf32, #tpu.memory_space<vmem>>, vector<1000x128xf32>
    tpu.vector_store %arg5[%swap3A, %swap3A_30], %add3A_29 {strides = array<i32>} : memref<1000x128xf32, #tpu.memory_space<vmem>>, vector<1000x128xf32>,
    return
  }
  func.func @transform_0(%arg0: i32) -> (i32, i32, i32) {
    %c0_i32 = arith.constant 0 : i32
    %c0_i32_0 = arith.constant 0 : i32
    %c0_i32_1 = arith.constant 0 : i32
    return %c0_i32, %arg0, %c0_i32_0 : i32, i32, i32
  }
  func.func @transform_1(%arg0: i32) -> (i32, i32) {
    %c0_i32 = arith.constant 0 : i32
    %c0_i32_0 = arith.constant 0 : i32
    return %arg0, %c0_i32 : i32, i32
  }
  func.func @transform_2(%arg0: i32) -> (i32, i32) {
    %c0_i32 = arith.constant 0 : i32
    %c0_i32_0 = arith.constant 0 : i32
    return %arg0, %c0_i32 : i32, i32
  }
  func.func @transform_3(%arg0: i32) -> (i32, i32) {
    %c0_i32 = arith.constant 0 : i32
    %c0_i32_0 = arith.constant 0 : i32
    %c0_i32_1 = arith.constant 0 : i32
    return %c0_i32, %c0_i32_0 : i32, i32
  }
  func.func @transform_4(%arg0: i32) -> (i32, i32) {
    %c0_i32 = arith.constant 0 : i32
    %c0_i32_0 = arith.constant 0 : i32
    return %arg0, %c0_i32 : i32, i32
  }
}

</mosaic_0001>

<sc_bundles>
// kernel: kernel.10.cloned.1.call-start
scs
__scs_entry_jumppad:
0x0: {  	(pc) =	sbr.rel $0x88, $3  }
0x1: {  	(tag) =	ssettag $0x0;
	lr =	simm.s32 $0x1  }
0x2: {  	[smem:$0x3F9D] =	sst lr;
	_ =	strace $0xD0000000  }
0x3: {  	_ = 	snop  }
0x4: {  	_ = 	snop  }
0x5: {  	_ = 	snop  }
0x6: {  	_ = 	snop  }
0x7: {  	_ = 	snop  }
__scs_overlays_trampoline_lowered:
0x8: {  	[smem:$0x3FAC] =	sst s0  }
0x9: {  	[smem:$0x3FAD] =	sst s1  }
0xa: {  	[smem:$0x3FAE] =	sst s2  }
0xb: {  	[smem:$0x3FAF] =	sst s3  }
0xc: {  	[smem:$0x3FB0] =	sst s4  }
0xd: {  	[smem:$0x3FB1] =	sst s5  }
0xe: {  	[smem:$0x3FB2] =	sst s6  }
0xf: {  	[smem:$0x3FB3] =	sst s7  }
0x10: {  	[smem:$0x3FB4] =	sst s8  }
0x11: {  	[smem:$0x3FB5] =	sst s9;
	s0 =	simm.s32 @!p0 $0x0  }
0x12: {  	s1 =	sld [smem:$0x3F9B];
	s0 =	simm.s32 @p0 $0x1  }
0x13: {  	[smem:$0x3FB6] =	sst s0;
	s0 =	simm.s32 @!p1 $0x0  }
0x14: {  	s2 =	sld [smem:$0x3F9A];
	s0 =	simm.s32 @p1 $0x1  }
0x15: {  	[smem:$0x3FB7] =	sst s0;
	s0 =	simm.s32 @!p2 $0x0  }
0x16: {  	s3 =	sld [smem:$0x3FDB];
	s0 =	simm.s32 @p2 $0x1  }
0x17: {  	s4 =	simm.s32 $0x1BF5;
	[smem:$0x3FB9] =	sst s0  }
0x18: {  	s0 =	sld [smem:$0x3F9C];
	_ =	swait.ge [sflag:s4], $0x0  }
0x19: {  	s7 =	sld [smem:$0x3F9D]  }
0x1a: {  	s8 =	sadd.s32 $0xFFFFE003, lr  }
0x1b: {  	s9 =	sadd.s32 $0xFFFFFEF7, lr;
	s5 =	simm.s32 $0xFFFFFFFF;
	p2 =	slt.u32 s8, $0xFFFFF086  }
0x1c: {  	p1 =	slt.u32 s9, $0xF7A;
	s5 =	simm.s32 @!p2 $0x0  }
0x1d: {  	s5 =	simm.s32 @p1 $0x1;
	p0 =	seq.s32 s7, s2  }
0x1e: {  	s7 =	smul.u32 @!p0 $0xF7A, s2;
	p2 =	seq.s32 @!p0 s5, $0x0  }
0x1f: {  	s9 =	smul.u32 $0xF7A, s1;
	s8 =	simm.s32 @!p0 $0x1BF5;
	p2 =	por !p2, p0  }
0x20: {  	[sflag:s8] =	ssyncset.s32 @!p0 $0xFFFFF086;
	s6 =	sadd.s32 @!p0 s3, s7;
	s7 =	simm.s32 @!p0 $0x108  }
0x21: {  	s3 =	sadd.s32 s3, s9;
	s6 =	sadd.s32 @!p0 $0x88, s6;
	s7 =	simm.s32 @p2 $0x1082  }
0x22: {  	[simem:s7], [sflag:s8] =	dma.local @!p0 [hbm:s6], $0xF7A  }
0x23: {  	s9 =	sor.u32 $0xD0000000, s2;
	s6 =	simm.s32 $0x108;
	_ =	swait.ge @!p0 [sflag:s8], $0x0  }
0x24: {  	s3 =	sadd.s32 $0x88, s3;
	s6 =	simm.s32 @!p1 $0x1082;
	[sflag:s4] =	ssyncset.s32 $0xFFFFF086  }
0x25: {  	[simem:s6], [sflag:s4] =	dma.local [hbm:s3], $0xF7A  }
0x26: {  	[smem:$0x3F9D] =	sst s1;
	(tag) =	ssettag s2;
	_ =	strace s9  }
0x27: {  	s1 =	sld [smem:$0x3FAD]  }
0x28: {  	s2 =	sld [smem:$0x3FAE]  }
0x29: {  	s4 =	sld [smem:$0x3FB0]  }
0x2a: {  	p0 =	seq.s32 s5, $0x0;
	s5 =	sld [smem:$0x3FB1]  }
0x2b: {  	s6 =	sld [smem:$0x3FB2]  }
0x2c: {  	s7 =	sld [smem:$0x3FB3]  }
0x2d: {  	s3 =	simm.s32 $0x108;
	s8 =	sld [smem:$0x3FB4]  }
0x2e: {  	s3 =	simm.s32 @!p0 $0x1082;
	s9 =	sld [smem:$0x3FB5]  }
0x2f: {  	lr =	sadd.s32 s0, s3;
	s0 =	sld [smem:$0x3FAC]  }
0x30: {  	s3 =	sld [smem:$0x3FAF]  }
0x31: {  	[smem:$0x3FB8] =	sst s10  }
0x32: {  	s10 =	sld [smem:$0x3FB6];
	_ =	sdelay $0x3  }
0x33: {  	p0 =	seq.s32 s10, $0x1;
	s10 =	sld [smem:$0x3FB8];
	_ =	sdelay $0x3  }
0x34: {  	[smem:$0x3FB8] =	sst s10  }
0x35: {  	s10 =	sld [smem:$0x3FB7];
	_ =	sdelay $0x3  }
0x36: {  	p1 =	seq.s32 s10, $0x1;
	s10 =	sld [smem:$0x3FB8];
	_ =	sdelay $0x3  }
0x37: {  	[smem:$0x3FB8] =	sst s10  }
0x38: {  	s10 =	sld [smem:$0x3FB9]  }
0x39: {  	_ = 	snop;
	(pc) =	sbr.ind lr, $3  }
0x3a: {  	_ = 	snop  }
0x3b: {  	_ = 	snop  }
0x3c: {  	p2 =	seq.s32 s10, $0x1;
	s10 =	sld [smem:$0x3FB8]  }
0x3d: {  	_ =	shalt  }
0x3e: {  	_ =	shalt  }
0x3f: {  	_ =	shalt  }
0x40: {  	_ =	shalt  }
0x41: {  	_ =	shalt  }
0x42: {  	_ =	shalt  }
0x43: {  	_ =	shalt  }
0x44: {  	_ =	shalt  }
0x45: {  	_ =	shalt  }
0x46: {  	_ =	shalt  }
0x47: {  	_ =	shalt  }
0x48: {  	_ =	shalt  }
0x49: {  	_ =	shalt  }
0x4a: {  	_ =	shalt  }
0x4b: {  	_ =	shalt  }
0x4c: {  	_ =	shalt  }
0x4d: {  	_ =	shalt  }
0x4e: {  	_ =	shalt  }
0x4f: {  	_ =	shalt  }
0x50: {  	_ =	shalt  }
0x51: {  	_ =	shalt  }
0x52: {  	_ =	shalt  }
0x53: {  	_ =	shalt  }
0x54: {  	_ =	shalt  }
0x55: {  	_ =	shalt  }
0x56: {  	_ =	shalt  }
0x57: {  	_ =	shalt  }
0x58: {  	_ =	shalt  }
0x59: {  	_ =	shalt  }
0x5a: {  	_ =	shalt  }
0x5b: {  	_ =	shalt  }
0x5c: {  	_ =	shalt  }
0x5d: {  	_ =	shalt  }
0x5e: {  	_ =	shalt  }
0x5f: {  	_ =	shalt  }
0x60: {  	_ =	shalt  }
0x61: {  	_ =	shalt  }
0x62: {  	_ =	shalt  }
0x63: {  	_ =	shalt  }
0x64: {  	_ =	shalt  }
0x65: {  	_ =	shalt  }
0x66: {  	_ =	shalt  }
0x67: {  	_ =	shalt  }
0x68: {  	_ =	shalt  }
0x69: {  	_ =	shalt  }
0x6a: {  	_ =	shalt  }
0x6b: {  	_ =	shalt  }
0x6c: {  	_ =	shalt  }
0x6d: {  	_ =	shalt  }
0x6e: {  	_ =	shalt  }
0x6f: {  	_ =	shalt  }
0x70: {  	_ =	shalt  }
0x71: {  	_ =	shalt  }
0x72: {  	_ =	shalt  }
0x73: {  	_ =	shalt  }
0x74: {  	_ =	shalt  }
0x75: {  	_ =	shalt  }
0x76: {  	_ =	shalt  }
0x77: {  	_ =	shalt  }
0x78: {  	_ =	shalt  }
0x79: {  	_ =	shalt  }
0x7a: {  	_ =	shalt  }
0x7b: {  	_ =	shalt  }
0x7c: {  	_ =	shalt  }
0x7d: {  	_ =	shalt  }
0x7e: {  	_ =	shalt  }
0x7f: {  	_ =	shalt  }
0x80: {  	_ =	shalt  }
0x81: {  	_ =	shalt  }
0x82: {  	_ =	shalt  }
0x83: {  	_ =	shalt  }
0x84: {  	_ =	shalt  }
0x85: {  	_ =	shalt  }
0x86: {  	_ =	shalt  }
0x87: {  	_ =	shalt  }
.Lfunc_end0:
.L_simem_size_0:
called_computation.1_lowered:
.L_overlay_start_0:
0x88: {  	s2 =	sld [smem:$0x3FD9]  }
0x89: {  	s3 =	sld [smem:$0x3FFE];
	_ =	sdelay $0x1  }
0x8a: {  	s1 =	srdreg.scid  }
0x8b: {  	s0 =	sand.u32 $0x1, s1  }
0x8c: {  	s17 =	sshll.u32 s0, $0xA;
	s2 =	sadd.s32 s3, s2  }
0x8d: {  	s2 =	sadd.s32 s2, s17  }
0x8e: {  	[smem:$0x3FC4] =	sst s2  }
0x8f: {  	_ = 	snop  }
0x90: {  	s2 =	sld [smem:$0x3FD0];
	(tm) =	ssettm $0x1  }
0x91: {  	s18 =	sld [smem:$0x3FFB];
	_ =	sdelay $0x3  }
0x92: {  	_ =	strace s18  }
0x93: {  	s3 =	sld [smem:$0x3FFC];
	_ =	sdelay $0x3  }
0x94: {  	_ =	strace s3  }
0x95: {  	s3 =	sld [smem:$0x3FFD];
	_ =	sdelay $0x3  }
0x96: {  	_ =	strace s3  }
0x97: {  	_ =	strace $0x8FFFFFFF  }
0x98: {  	s19 =	sld [smem:$0x3FDB];
	_ =	sdelay $0x1  }
0x99: {  	s4 =	simm.s32 $_scs_section_size  }
0x9a: {  	s5 =	simm.s32 $_size__tile_overlayer_lowered;
	s6 =	simm.s32 $_tile_overlayer_lowered  }
0x9b: {  	s22 =	simm.s32 $0x1BFF;
	s21 =	sshll.u32 s6, $0x1;
	s3 =	sadd.s32 s4, s19  }
0x9c: {  	s7 =	simm.s32 $0x0;
	s20 =	sshll.u32 s5, $0x1;
	s5 =	sadd.s32 s21, s3  }
0x9d: {  	[timem:s7], [sflag:s22] =	dma.local [hbm:s5], s20  }
0x9e: {  	_ =	swait.ge [sflag:s22], s20  }
0x9f: {  	s4 =	ssub.s32 $0x0, s20;
	[sflag:s22] =	ssyncset.done $0x0  }
0xa0: {  	[sflag:s22] =	ssyncadd.s32 s4;
	_ =	sdelay $0x1  }
0xa1: {  	s23 =	simm.s32 $0x1B8B  }
0xa2: {  	_ =	swait.ge [sflag:s23], $0x1  }
0xa3: {  	[sflag:s23] =	ssyncset.done $0x0  }
0xa4: {  	s25 =	simm.s32 $0x1B8E;
	s24 =	sld [smem:$0x3FFE];
	[sflag:s23] =	ssyncadd.s32 $0xFFFFFFFF  }
0xa5: {  	s26 =	simm.s32 $execute0_lowered;
	[smem:$0x3FD2] =	sst s25  }
0xa6: {  	s5 =	sshll.u32 s26, $0x1;
	_ =	strace $0x80000049;
	[dreg:$0x1] =	wrdreg $0xFFFFFFFF  }
0xa7: {  	s28 =	simm.s32 $_size_execute0_lowered;
	s3 =	sadd.s32 s3, s5;
	[dreg:$0x0] =	wrdreg $0x0  }
0xa8: {  	s5 =	sshll.u32 s28, $0x1;
	[dreg:$0x2] =	wrdreg s3  }
0xa9: {  	[dreg:$0x3] =	wrdreg s5  }
0xaa: {  	[dreg:$0x4] =	wrdreg $0xC0  }
0xab: {  	_ =	task [dreg:s7], $0x5FFFF  }
0xac: {  	[dreg:$0x1] =	wrdreg $0xFFFFFFFF  }
0xad: {  	[dreg:$0x0] =	wrdreg $0x60  }
0xae: {  	[dreg:$0x2] =	wrdreg s2  }
0xaf: {  	[dreg:$0x3] =	wrdreg s24  }
0xb0: {  	[dreg:$0x4] =	wrdreg $0xA6000  }
0xb1: {  	[dreg:$0x5] =	wrdreg $0x9  }
0xb2: {  	_ =	task.clear_ibuf [dreg:s7], $0x6FFFF;
	_ =	strace $0x90000049  }
0xb3: {  	s29 =	simm.s32 $0x9;
	_ =	strace $0x8000004B  }
0xb4: {  	_ =	swait.ge [sflag:s29], $0x1  }
0xb5: {  	[sflag:s29] =	ssyncadd.s32 $0xFFFFFFFF  }
0xb6: {  	_ =	strace $0x9000004B  }
0xb7: {  	_ =	sfence  }
0xb8: {  	s30 =	sld [smem:$0x0];
	_ =	sdelay $0x2  }
0xb9: {  	s31 =	sshll.u32 s1, $0xD;
	s1 =	sshrl.u32 s1, $0x2  }
0xba: {  	s3 =	sand.u32 $0x4000, s31;
	s1 =	sadd.s32 s1, s30  }
0xbb: {  	s0 =	sor.u32 s3, s0;
	s1 =	sshll.u32 s1, $0x11  }
0xbc: {  	s0 =	sor.u32 s1, s0  }
0xbd: {  	s0 =	sadd.s32 $0x8F2B, s0  }
0xbe: {  	[sflag:s0] =	ssyncadd.remote.s32 $0x1  }
0xbf: {  	_ =	sfence.sel $0xFFFF  }
0xc0: {  	[dreg:$0x0] =	wrdreg $0xFFFFFFFF;
	(pc) =	sbr.abs _section_cstart, $3  }
0xc1: {  	[dreg:$0x1] =	wrdreg $0xFFFFFFFF  }
0xc2: {  	_ =	task.clear_ibuf [dreg:s7], $0x2FFFF;
	_ =	strace $0x9FFFFFFF  }
0xc3: {  	(tm) =	ssettm $0x7FFFFFFF  }
tec
execute0_lowered:
.L_overlay_start_1:
0x0: {  	(tag) =	ssettag $0x1  }
0x1: {  	s0 =	rddreg [dreg:$0x1];
	s1 =	simm.s32 $0x0;
	s2 =	srdreg.scid  }
0x2: {  	s20 =	stileid.u32;
	[smem:$0x7FF] =	sst s1;
	s3 =	sadd.s32 $0x1000, s0  }
0x3: {  	s4 =	sand.u32 $0x1, s2;
	s5 =	sadd.s32 $0xAE00, s0;
	s6 =	smul.u32 $0x14000, s20  }
0x4: {  	s7 =	sadd.s32 $0x15200, s0;
	s9 =	sshll.u32 s20, $0x1;
	s0 =	sadd.s32 $0x14C00, s0  }
0x5: {  	s2 =	ssub.s32 $0x2, s4;
	s17 =	sor.u32 s4, s9;
	s14 =	smul.u32 $0x140000, s4  }
0x6: {  	s4 =	smul.u32 $0x2710, s4;
	s8 =	sshrl.u32 s2, $0x1;
	s9 =	sor.u32 $0x2800, s6  }
0x7: {  	s10 =	sadd.s32 $0x5000, s6;
	s11 =	sadd.s32 $0x7800, s6;
	s12 =	sadd.s32 $0xA000, s6  }
0x8: {  	s13 =	sadd.s32 $0xC800, s6;
	s15 =	sadd.s32 $0xF000, s6;
	s16 =	sadd.s32 $0x11800, s6  }
0x9: {  	s2 =	ssub.s32 s2, s8;
	s8 =	smul.u32 $0x2710, s17;
	s6 =	sadd.s32 s6, s14  }
0xa: {  	s18 =	sadd.s32 s14, s9;
	s19 =	sadd.s32 s14, s10;
	s22 =	sadd.s32 s14, s11  }
0xb: {  	s23 =	sadd.s32 s14, s12;
	s24 =	sadd.s32 s14, s13;
	s6 =	sshrl.u32 s6, $0x3  }
0xc: {  	s18 =	sshrl.u32 s18, $0x3;
	s21 =	sshrl.u32 s19, $0x3;
	s26 =	sshrl.u32 s24, $0x3  }
0xd: {  	s19 =	sadd.s32 s14, s15;
	s14 =	sadd.s32 s14, s16;
	s6 =	sadd.s32 s7, s6  }
0xe: {  	s8 =	sshrl.u32 s8, $0x3;
	s18 =	sadd.s32 s7, s18;
	[dreg:$0x4] =	wrdreg s6  }
0xf: {  	s14 =	sshrl.u32 s14, $0x3;
	[dreg:$0x5] =	wrdreg s18;
	s6 =	sadd.s32 s7, s21  }
0x10: {  	s18 =	sshrl.u32 s23, $0x3;
	s23 =	sadd.s32 s7, s14;
	[dreg:$0x6] =	wrdreg s6  }
0x11: {  	s17 =	sadd.s32 $0xA, s8;
	s25 =	sadd.s32 s7, s18;
	[dreg:$0xb] =	wrdreg s23  }
0x12: {  	s6 =	sshrl.u32 s22, $0x3;
	s24 =	sadd.s32 s3, s17;
	[dreg:$0x8] =	wrdreg s25  }
0x13: {  	s18 =	sshrl.u32 s19, $0x3;
	s6 =	sadd.s32 s7, s6;
	[dreg:$0xc] =	wrdreg s24  }
0x14: {  	s21 =	smul.u32 $0x4E20, s20;
	s22 =	sadd.s32 s7, s18;
	[dreg:$0x7] =	wrdreg s6  }
0x15: {  	s19 =	sadd.s32 $0x1E, s8;
	s18 =	sadd.s32 s5, s8;
	[dreg:$0xa] =	wrdreg s22  }
0x16: {  	s23 =	smax.u32 s2, $0x1;
	s2 =	simm.s32 $0x600;
	[dreg:$0x11] =	wrdreg s18  }
0x17: {  	s4 =	sadd.s32 s4, s21;
	s6 =	sadd.s32 s7, s26;
	s18 =	rddreg [dreg:$0x2]  }
0x18: {  	s25 =	sadd.s32 $0x14, s8;
	s26 =	sadd.s32 s5, s17;
	[dreg:$0x9] =	wrdreg s6  }
0x19: {  	s21 =	smul.u32 $0x50000, s20;
	s14 =	sadd.s32 s3, s25;
	[dreg:$0xd] =	wrdreg s26  }
0x1a: {  	s4 =	sadd.s32 $0x140, s4;
	s17 =	sadd.s32 s3, s8;
	[dreg:$0xe] =	wrdreg s14  }
0x1b: {  	s8 =	sadd.s32 s3, s19;
	s7 =	simm.s32 $0x50;
	[dreg:$0x10] =	wrdreg s17  }
0x1c: {  	s6 =	sadd.s32 s5, s25;
	s4 =	sshrl.u32 s4, $0x3;
	s17 =	rddreg [dreg:$0x0]  }
0x1d: {  	[dreg:$0x12] =	wrdreg s8;
	s22 =	sshrl.u32 s21, $0x2;
	s25 =	sadd.s32 s9, s18  }
0x1e: {  	s26 =	sadd.s32 s10, s18;
	s28 =	sadd.s32 s11, s18;
	s29 =	sadd.s32 s12, s18  }
0x1f: {  	s30 =	sadd.s32 s13, s18;
	s31 =	sadd.s32 s15, s18;
	s16 =	sadd.s32 s16, s18  }
0x20: {  	s8 =	simm.s32 $0x2E00;
	s9 =	simm.s32 $0xA;
	s10 =	simm.s32 $0xB  }
0x21: {  	s11 =	simm.s32 $0xC;
	[dreg:$0xf] =	wrdreg s6;
	s6 =	sadd.s32 s5, s19  }
.Ltmp0:
0x22: {  	s5 =	sadd.s32 s4, s5;
	[dreg:$0x13] =	wrdreg s6;
	(pc) =	sbr.rel .LBB2_1-.Ltmp0, $4  }
0x23: {  	s12 =	simm.s32 $0x0;
	s3 =	sadd.s32 s4, s3;
	[dreg:$0x14] =	wrdreg s5  }
0x24: {  	s24 =	sadd.s32 s22, s18;
	s4 =	simm.s32 $0x9;
	[dreg:$0x15] =	wrdreg s3  }
0x25: {  	s3 =	simm.s32 $0xD;
	_ =	strace $0x8000004A;
	[dreg:$0x16] =	wrdreg s0  }
0x26: {  	s5 =	simm.s32 $0x80;
	s6 =	simm.s32 $0x100;
	[dreg:$0x17] =	wrdreg s23  }
.LBB2_8:
0x27: {  	_ =	swait.ge [sflag:s4], $0x2800  }
0x28: {  	[sflag:s4] =	ssyncset.done $0x0  }
0x29: {  	[sflag:s4] =	ssyncadd.s32 $0xFFFFD800  }
0x2a: {  	_ =	swait.ge [sflag:s9], $0x2800  }
0x2b: {  	[sflag:s9] =	ssyncset.done $0x0  }
0x2c: {  	[sflag:s9] =	ssyncadd.s32 $0xFFFFD800  }
0x2d: {  	_ =	swait.ge [sflag:s10], $0x2800  }
0x2e: {  	[sflag:s10] =	ssyncset.done $0x0  }
0x2f: {  	[sflag:s10] =	ssyncadd.s32 $0xFFFFD800  }
0x30: {  	_ =	swait.ge [sflag:s11], $0x2800  }
0x31: {  	[sflag:s11] =	ssyncset.done $0x0  }
0x32: {  	[sflag:s11] =	ssyncadd.s32 $0xFFFFD800  }
0x33: {  	[bflag:$0x0] =	sbarrier.arrive $0xFFFF  }
0x34: {  	[tilespmem:s2], [sflag:$0xD] =	stream.linear.gather [spmem:s24], $0x2800, $0x38;
	[tilespmem:$0x1E600] =	vst v63  }
0x35: {  	_ =	swait.ge [sflag:s3], $0x2800  }
0x36: {  	[sflag:s3] =	ssyncset.done $0x0  }
0x37: {  	s0 =	rddreg [dreg:$0x4];
	[sflag:s3] =	ssyncadd.s32 $0xFFFFD800  }
0x38: {  	[hbm4b:s0+s1] =	stream.linear.scatter [tilespmem:s2], [sflag:$0x9], $0x2800, $0x38;
	[tilespmem:$0x1E600] =	vst v63  }
0x39: {  	_ = 	snop  }
0x3a: {  	[tilespmem:s8], [sflag:$0xD] =	stream.linear.gather [spmem:s25], $0x2800, $0x38;
	[tilespmem:$0x1E600] =	vst v63  }
0x3b: {  	_ =	swait.ge [sflag:s3], $0x2800  }
0x3c: {  	[sflag:s3] =	ssyncset.done $0x0  }
0x3d: {  	s13 =	rddreg [dreg:$0x5];
	[sflag:s3] =	ssyncadd.s32 $0xFFFFD800  }
0x3e: {  	[hbm4b:s13+s1] =	stream.linear.scatter [tilespmem:s8], [sflag:$0xA], $0x2800, $0x38;
	[tilespmem:$0x1E600] =	vst v63  }
0x3f: {  	_ =	swait.ge [sflag:s4], $0x2800  }
0x40: {  	[sflag:s4] =	ssyncset.done $0x0  }
0x41: {  	[sflag:s4] =	ssyncadd.s32 $0xFFFFD800  }
0x42: {  	[tilespmem:s2], [sflag:$0xD] =	stream.linear.gather [spmem:s26], $0x2800, $0x38;
	[tilespmem:$0x1E600] =	vst v63  }
0x43: {  	_ =	swait.ge [sflag:s3], $0x2800  }
0x44: {  	[sflag:s3] =	ssyncset.done $0x0  }
0x45: {  	s14 =	rddreg [dreg:$0x6];
	[sflag:s3] =	ssyncadd.s32 $0xFFFFD800  }
0x46: {  	[hbm4b:s14+s1] =	stream.linear.scatter [tilespmem:s2], [sflag:$0x9], $0x2800, $0x38;
	[tilespmem:$0x1E600] =	vst v63  }
0x47: {  	_ =	swait.ge [sflag:s9], $0x2800  }
0x48: {  	[sflag:s9] =	ssyncset.done $0x0  }
0x49: {  	[sflag:s9] =	ssyncadd.s32 $0xFFFFD800  }
0x4a: {  	[tilespmem:s8], [sflag:$0xD] =	stream.linear.gather [spmem:s28], $0x2800, $0x38;
	[tilespmem:$0x1E600] =	vst v63  }
0x4b: {  	_ =	swait.ge [sflag:s3], $0x2800  }
0x4c: {  	[sflag:s3] =	ssyncset.done $0x0  }
0x4d: {  	s15 =	rddreg [dreg:$0x7];
	[sflag:s3] =	ssyncadd.s32 $0xFFFFD800  }
0x4e: {  	[hbm4b:s15+s1] =	stream.linear.scatter [tilespmem:s8], [sflag:$0xA], $0x2800, $0x38;
	[tilespmem:$0x1E600] =	vst v63  }
0x4f: {  	_ =	swait.ge [sflag:s4], $0x2800  }
0x50: {  	[sflag:s4] =	ssyncset.done $0x0  }
0x51: {  	[sflag:s4] =	ssyncadd.s32 $0xFFFFD800  }
0x52: {  	[tilespmem:s2], [sflag:$0xD] =	stream.linear.gather [spmem:s29], $0x2800, $0x38;
	[tilespmem:$0x1E600] =	vst v63  }
0x53: {  	_ =	swait.ge [sflag:s3], $0x2800  }
0x54: {  	[sflag:s3] =	ssyncset.done $0x0  }
0x55: {  	s19 =	rddreg [dreg:$0x8];
	[sflag:s3] =	ssyncadd.s32 $0xFFFFD800  }
0x56: {  	[hbm4b:s19+s1] =	stream.linear.scatter [tilespmem:s2], [sflag:$0x9], $0x2800, $0x38;
	[tilespmem:$0x1E600] =	vst v63  }
0x57: {  	_ =	swait.ge [sflag:s9], $0x2800  }
0x58: {  	[sflag:s9] =	ssyncset.done $0x0  }
0x59: {  	[sflag:s9] =	ssyncadd.s32 $0xFFFFD800  }
0x5a: {  	[tilespmem:s8], [sflag:$0xD] =	stream.linear.gather [spmem:s30], $0x2800, $0x38;
	[tilespmem:$0x1E600] =	vst v63  }
0x5b: {  	_ =	swait.ge [sflag:s3], $0x2800  }
0x5c: {  	[sflag:s3] =	ssyncset.done $0x0  }
0x5d: {  	s20 =	rddreg [dreg:$0x9];
	[sflag:s3] =	ssyncadd.s32 $0xFFFFD800  }
0x5e: {  	[hbm4b:s20+s1] =	stream.linear.scatter [tilespmem:s8], [sflag:$0xA], $0x2800, $0x38;
	[tilespmem:$0x1E600] =	vst v63  }
0x5f: {  	_ =	swait.ge [sflag:s4], $0x2800  }
0x60: {  	[sflag:s4] =	ssyncset.done $0x0  }
0x61: {  	[sflag:s4] =	ssyncadd.s32 $0xFFFFD800  }
0x62: {  	[tilespmem:s2], [sflag:$0xD] =	stream.linear.gather [spmem:s31], $0x2800, $0x38;
	[tilespmem:$0x1E600] =	vst v63  }
0x63: {  	_ =	swait.ge [sflag:s3], $0x2800  }
0x64: {  	[sflag:s3] =	ssyncset.done $0x0  }
0x65: {  	s21 =	rddreg [dreg:$0xa];
	[sflag:s3] =	ssyncadd.s32 $0xFFFFD800  }
0x66: {  	[hbm4b:s21+s1] =	stream.linear.scatter [tilespmem:s2], [sflag:$0x9], $0x2800, $0x38;
	[tilespmem:$0x1E600] =	vst v63  }
0x67: {  	_ =	swait.ge [sflag:s9], $0x2800  }
0x68: {  	[sflag:s9] =	ssyncset.done $0x0  }
0x69: {  	[sflag:s9] =	ssyncadd.s32 $0xFFFFD800  }
0x6a: {  	[tilespmem:s8], [sflag:$0xD] =	stream.linear.gather [spmem:s16], $0x2800, $0x38;
	[tilespmem:$0x1E600] =	vst v63  }
0x6b: {  	_ =	swait.ge [sflag:s3], $0x2800  }
0x6c: {  	[sflag:s3] =	ssyncset.done $0x0  }
0x6d: {  	s22 =	rddreg [dreg:$0xb];
	[sflag:s3] =	ssyncadd.s32 $0xFFFFD800  }
0x6e: {  	[hbm4b:s22+s1] =	stream.linear.scatter [tilespmem:s8], [sflag:$0xA], $0x2800, $0x38;
	[tilespmem:$0x1E600] =	vst v63  }
0x6f: {  	_ =	swait.ge [sflag:s4], $0x2800  }
0x70: {  	[sflag:s4] =	ssyncset.done $0x0  }
0x71: {  	[sflag:s4] =	ssyncadd.s32 $0xFFFFD800  }
0x72: {  	_ =	swait.ge [sflag:s9], $0x2800  }
0x73: {  	s12 =	sadd.s32 $0x1, s12;
	s23 =	rddreg [dreg:$0x17]  }
0x74: {  	p0 =	sne.s32 s12, s23  }
.Ltmp1:
0x75: {  	_ = 	snop;
	(pc) =	sbr.rel @!p0 .LBB2_9-.Ltmp1, $3  }
0x76: {  	_ =	sdelay $0x1  }
0x77: {  	[sflag:s9] =	ssyncset.done $0x0  }
0x78: {  	[sflag:s9] =	ssyncadd.s32 $0xFFFFD800  }
.LBB2_1:
0x79: {  	s0 =	rddreg [dreg:$0x16]  }
0x7a: {  	[tilespmem:s2], [sflag:$0xD] =	stream.linear.gather [hbm4b:s0+s1], $0x2800, $0x38;
	[tilespmem:$0x1E600] =	vst v63  }
0x7b: {  	_ =	swait.ge [sflag:s3], $0x2800  }
0x7c: {  	[sflag:s3] =	ssyncset.done $0x0  }
0x7d: {  	[sflag:s3] =	ssyncadd.s32 $0xFFFFD800  }
0x7e: {  	[spmem:s24] =	stream.linear.scatter [tilespmem:s2], [sflag:$0x9], $0x2800, $0x38;
	[tilespmem:$0x1E600] =	vst v63  }
0x7f: {  	_ = 	snop  }
0x80: {  	[spmem:s25] =	stream.linear.scatter [tilespmem:s2], [sflag:$0x9], $0x2800, $0x38;
	[tilespmem:$0x1E600] =	vst v63  }
0x81: {  	_ = 	snop  }
0x82: {  	[spmem:s26] =	stream.linear.scatter [tilespmem:s2], [sflag:$0x9], $0x2800, $0x38;
	[tilespmem:$0x1E600] =	vst v63  }
0x83: {  	_ = 	snop  }
0x84: {  	[spmem:s28] =	stream.linear.scatter [tilespmem:s2], [sflag:$0x9], $0x2800, $0x38;
	[tilespmem:$0x1E600] =	vst v63  }
0x85: {  	_ = 	snop  }
0x86: {  	[spmem:s29] =	stream.linear.scatter [tilespmem:s2], [sflag:$0x9], $0x2800, $0x38;
	[tilespmem:$0x1E600] =	vst v63  }
0x87: {  	_ = 	snop  }
0x88: {  	[spmem:s30] =	stream.linear.scatter [tilespmem:s2], [sflag:$0x9], $0x2800, $0x38;
	[tilespmem:$0x1E600] =	vst v63  }
0x89: {  	_ = 	snop  }
0x8a: {  	[spmem:s31] =	stream.linear.scatter [tilespmem:s2], [sflag:$0x9], $0x2800, $0x38;
	[tilespmem:$0x1E600] =	vst v63  }
0x8b: {  	_ = 	snop  }
0x8c: {  	[spmem:s16] =	stream.linear.scatter [tilespmem:s2], [sflag:$0x9], $0x2800, $0x38;
	[tilespmem:$0x1E600] =	vst v63  }
0x8d: {  	_ =	swait.ge [sflag:s4], $0x2800  }
0x8e: {  	[sflag:s4] =	ssyncset.done $0x0  }
0x8f: {  	[sflag:s4] =	ssyncadd.s32 $0xFFFFD800  }
0x90: {  	_ =	swait.ge [sflag:s4], $0x2800  }
0x91: {  	[sflag:s4] =	ssyncset.done $0x0  }
0x92: {  	[sflag:s4] =	ssyncadd.s32 $0xFFFFD800  }
0x93: {  	_ =	swait.ge [sflag:s4], $0x2800  }
0x94: {  	[sflag:s4] =	ssyncset.done $0x0  }
0x95: {  	[sflag:s4] =	ssyncadd.s32 $0xFFFFD800  }
0x96: {  	_ =	swait.ge [sflag:s4], $0x2800  }
0x97: {  	[sflag:s4] =	ssyncset.done $0x0  }
0x98: {  	[sflag:s4] =	ssyncadd.s32 $0xFFFFD800  }
0x99: {  	_ =	swait.ge [sflag:s4], $0x2800  }
0x9a: {  	[sflag:s4] =	ssyncset.done $0x0  }
0x9b: {  	[sflag:s4] =	ssyncadd.s32 $0xFFFFD800  }
0x9c: {  	_ =	swait.ge [sflag:s4], $0x2800  }
0x9d: {  	[sflag:s4] =	ssyncset.done $0x0  }
0x9e: {  	[sflag:s4] =	ssyncadd.s32 $0xFFFFD800  }
0x9f: {  	_ =	swait.ge [sflag:s4], $0x2800  }
0xa0: {  	[sflag:s4] =	ssyncset.done $0x0  }
0xa1: {  	[sflag:s4] =	ssyncadd.s32 $0xFFFFD800  }
0xa2: {  	_ =	swait.ge [sflag:s4], $0x2800  }
0xa3: {  	[sflag:s4] =	ssyncset.done $0x0  }
0xa4: {  	[sflag:s4] =	ssyncadd.s32 $0xFFFFD800  }
0xa5: {  	[bflag:$0x0] =	sbarrier.arrive $0xFFFF  }
0xa6: {  	s19 =	rddreg [dreg:$0x10]  }
0xa7: {  	[tilespmem:s1], [sflag:$0xD] =	stream.linear.gather [hbm4b:s19+s1], $0x50, $0x38;
	[tilespmem:$0x1E600] =	vst v63  }
0xa8: {  	_ =	swait.ge [sflag:s3], $0x50  }
0xa9: {  	[sflag:s3] =	ssyncset.done $0x0  }
0xaa: {  	s13 =	simm.s32 $0x200;
	s20 =	rddreg [dreg:$0x11];
	[sflag:s3] =	ssyncadd.s32 $0xFFFFFFB0  }
0xab: {  	[tilespmem:s13], [sflag:$0xD] =	stream.linear.gather [hbm4b:s20+s1], $0x50, $0x38;
	[tilespmem:$0x1E600] =	vst v63  }
0xac: {  	_ =	swait.ge [sflag:s3], $0x50  }
0xad: {  	[sflag:s3] =	ssyncset.done $0x0  }
0xae: {  	s21 =	rddreg [dreg:$0xc];
	[sflag:s3] =	ssyncadd.s32 $0xFFFFFFB0  }
0xaf: {  	[tilespmem:s5], [sflag:$0xD] =	stream.linear.gather [hbm4b:s21+s1], $0x50, $0x38;
	[tilespmem:$0x1E600] =	vst v63  }
0xb0: {  	_ =	swait.ge [sflag:s3], $0x50  }
0xb1: {  	[sflag:s3] =	ssyncset.done $0x0  }
0xb2: {  	s23 =	simm.s32 $0x280;
	s22 =	rddreg [dreg:$0xd];
	[sflag:s3] =	ssyncadd.s32 $0xFFFFFFB0  }
0xb3: {  	[tilespmem:s23], [sflag:$0xD] =	stream.linear.gather [hbm4b:s22+s1], $0x50, $0x38;
	[tilespmem:$0x1E600] =	vst v63  }
0xb4: {  	_ =	swait.ge [sflag:s3], $0x50  }
0xb5: {  	[sflag:s3] =	ssyncset.done $0x0  }
0xb6: {  	s13 =	rddreg [dreg:$0xe];
	[sflag:s3] =	ssyncadd.s32 $0xFFFFFFB0  }
0xb7: {  	[tilespmem:s6], [sflag:$0xD] =	stream.linear.gather [hbm4b:s13+s1], $0x50, $0x38;
	[tilespmem:$0x1E600] =	vst v63  }
0xb8: {  	_ =	swait.ge [sflag:s3], $0x50  }
0xb9: {  	[sflag:s3] =	ssyncset.done $0x0  }
0xba: {  	s15 =	simm.s32 $0x300;
	s14 =	rddreg [dreg:$0xf];
	[sflag:s3] =	ssyncadd.s32 $0xFFFFFFB0  }
0xbb: {  	[tilespmem:s15], [sflag:$0xD] =	stream.linear.gather [hbm4b:s14+s1], $0x50, $0x38;
	[tilespmem:$0x1E600] =	vst v63  }
0xbc: {  	_ =	swait.ge [sflag:s3], $0x50  }
0xbd: {  	[sflag:s3] =	ssyncset.done $0x0  }
0xbe: {  	s20 =	simm.s32 $0x180;
	s19 =	rddreg [dreg:$0x12];
	[sflag:s3] =	ssyncadd.s32 $0xFFFFFFB0  }
0xbf: {  	[tilespmem:s20], [sflag:$0xD] =	stream.linear.gather [hbm4b:s19+s1], $0x50, $0x38;
	[tilespmem:$0x1E600] =	vst v63  }
0xc0: {  	_ =	swait.ge [sflag:s3], $0x50  }
0xc1: {  	[sflag:s3] =	ssyncset.done $0x0  }
0xc2: {  	s22 =	simm.s32 $0x380;
	s21 =	rddreg [dreg:$0x13];
	[sflag:s3] =	ssyncadd.s32 $0xFFFFFFB0  }
0xc3: {  	[tilespmem:s22], [sflag:$0xD] =	stream.linear.gather [hbm4b:s21+s1], $0x50, $0x38;
	[tilespmem:$0x1E600] =	vst v63  }
0xc4: {  	_ =	swait.ge [sflag:s3], $0x50  }
0xc5: {  	[sflag:s3] =	ssyncset.done $0x0  }
0xc6: {  	[sflag:s3] =	ssyncadd.s32 $0xFFFFFFB0  }
0xc7: {  	[tilespmem:s2], [sflag:$0x1] =	stream.indirect.gather [hbm4b:s17+s7], $0x80, s1, s7, $0xb8;
	[tilespmem:$0x1E600] =	vst v63  }
.Ltmp2:
0xc8: {  	_ = 	snop;
	(pc) =	sbr.rel .LBB2_2-.Ltmp2, $4  }
0xc9: {  	s22 =	rddreg [dreg:$0x15]  }
0xca: {  	[tilespmem:s8], [sflag:$0x2] =	stream.indirect.gather [hbm4b:s17+s7], $0x80, s5, s7, $0xb8;
	[tilespmem:$0x1E600] =	vst v63  }
0xcb: {  	s23 =	simm.s32 $0x5600;
	s19 =	simm.s32 $0xFFFFFFFF;
	s21 =	rddreg [dreg:$0x14]  }
0xcc: {  	[tilespmem:s23], [sflag:$0x3] =	stream.indirect.gather [hbm4b:s17+s7], $0x80, s6, s7, $0xb8;
	[tilespmem:$0x1E600] =	vst v63  }
.LBB2_6:
0xcd: {  	s0 =	sadd.s32 $0x401, s14  }
0xce: {  	s0 =	sshrl.u32 s0, $0xA  }
0xcf: {  	s0 =	sand.u32 $0x3F, s0  }
0xd0: {  	s13 =	sadd.s32 $0x5, s20;
	s23 =	sshll.u32 s20, $0x7;
	s0 =	smul.u32 $0x5, s0  }
0xd1: {  	[tilespmem:s23], [sflag:s13] =	stream.linear.gather [hbm4b:s22+s1], $0x50, $0x38;
	[tilespmem:$0x1E600] =	vst v63  }
0xd2: {  	s0 =	ssub.s32 s15, s0  }
0xd3: {  	s0 =	sadd.s32 $0x5, s0  }
0xd4: {  	s0 =	sand.u32 $0xFF, s0  }
0xd5: {  	s0 =	sshll.u32 s0, $0x7  }
0xd6: {  	s0 =	sadd.s32 $0x200, s0  }
0xd7: {  	[tilespmem:s0], [sflag:s13] =	stream.linear.gather [hbm4b:s21+s1], $0x50, $0x38;
	[tilespmem:$0x1E600] =	vst v63  }
.LBB2_7:
0xd8: {  	p0 =	sne.s32 s19, $0x7C  }
.Ltmp3:
0xd9: {  	_ = 	snop;
	(pc) =	sbr.rel @!p0 .LBB2_8-.Ltmp3, $2  }
0xda: {  	_ =	sdelay $0x2  }
0xdb: {  	s21 =	sadd.s32 $0xA, s21;
	s22 =	sadd.s32 $0xA, s22  }
.LBB2_2:
0xdc: {  	s14 =	smul.u32 $0xCD, s19;
	_ =	sdelay $0x1  }
0xdd: {  	s13 =	sadd.s32 $0xCD, s14  }
0xde: {  	s13 =	sshrl.u32 s13, $0xA  }
0xdf: {  	s15 =	smov.u32 s19;
	s19 =	sadd.s32 $0x1, s19;
	s13 =	sand.u32 $0x3F, s13  }
0xe0: {  	s20 =	sand.u32 $0x3, s19;
	s13 =	smul.u32 $0x5, s13  }
0xe1: {  	s23 =	sadd.s32 $0x1, s20;
	s0 =	smul.u32 $0xA000, s20  }
0xe2: {  	p0 =	slt.u32 s15, $0x79;
	_ =	swait.ge [sflag:s23], $0x2800;
	s13 =	ssub.s32 s19, s13  }
0xe3: {  	[sflag:s23] =	ssyncset.done $0x0;
	s0 =	sshrl.u32 s0, $0x2;
	s13 =	sand.u32 $0xFF, s13  }
.Ltmp4:
0xe4: {  	[sflag:s23] =	ssyncadd.s32 $0xFFFFD800;
	s13 =	sshll.u32 s13, $0x7;
	(pc) =	sbr.rel @!p0 .LBB2_3-.Ltmp4, $4  }
0xe5: {  	s0 =	sor.u32 $0x600, s0;
	s23 =	sadd.s32 $0x9, s20;
	s13 =	sadd.s32 $0x200, s13  }
0xe6: {  	[spmem:s18] =	stream.indirect.scatter.add.f32 [tilespmem:s0], [sflag:s23], $0x80, s13, s7, $0xb8;
	[tilespmem:$0x1E600] =	vst v63  }
0xe7: {  	s23 =	sadd.s32 $0x4, s15  }
0xe8: {  	s13 =	sand.u32 $0x3, s23  }
0xe9: {  	s0 =	sadd.s32 $0x5, s13  }
0xea: {  	_ =	swait.ge [sflag:s0], $0x50  }
0xeb: {  	[sflag:s0] =	ssyncset.done $0x0  }
0xec: {  	[sflag:s0] =	ssyncadd.s32 $0xFFFFFFB0  }
0xed: {  	_ =	swait.ge [sflag:s0], $0x50  }
0xee: {  	s23 =	smul.u32 $0xA000, s13;
	[sflag:s0] =	ssyncset.done $0x0  }
0xef: {  	p0 =	sgt.u32 s19, $0x78;
	[sflag:s0] =	ssyncadd.s32 $0xFFFFFFB0;
	s0 =	sadd.s32 $0x9, s13  }
.Ltmp5:
0xf0: {  	_ =	swait.ge [sflag:s0], $0x2800;
	(pc) =	sbr.rel @p0 .LBB2_7-.Ltmp5, $4  }
.Ltmp6:
0xf1: {  	[sflag:s0] =	ssyncset.done $0x0;
	(pc) =	sbr.rel @!p0 .LBB2_6-.Ltmp6, $4  }
0xf2: {  	s23 =	sshrl.u32 s23, $0x2;
	[sflag:s0] =	ssyncadd.s32 $0xFFFFD800  }
0xf3: {  	s0 =	sor.u32 $0x600, s23;
	s23 =	sshll.u32 s13, $0x7;
	s13 =	sadd.s32 $0x1, s13  }
0xf4: {  	[tilespmem:s0], [sflag:s13] =	stream.indirect.gather [hbm4b:s17+s7], $0x80, s23, s7, $0xb8;
	[tilespmem:$0x1E600] =	vst v63  }
0xf5: {  	_ = 	snop  }
.LBB2_3:
0xf6: {  	p0 =	sgt.u32 s19, $0x79  }
.Ltmp7:
0xf7: {  	_ = 	snop;
	(pc) =	sbr.rel @p0 .LBB2_7-.Ltmp7, $1  }
0xf8: {  	_ =	sdelay $0x3  }
0xf9: {  	s0 =	smul.u32 $0xA000, s13  }
.Ltmp8:
0xfa: {  	_ = 	snop;
	(pc) =	sbr.rel .LBB2_6-.Ltmp8, $4  }
0xfb: {  	_ = 	snop  }
0xfc: {  	s0 =	sshrl.u32 s0, $0x2  }
0xfd: {  	s23 =	sshll.u32 s13, $0x7;
	s13 =	sadd.s32 $0x1, s13;
	s0 =	sor.u32 $0x600, s0  }
0xfe: {  	[tilespmem:s0], [sflag:s13] =	stream.indirect.gather [hbm4b:s17+s7], $0x80, s23, s7, $0xb8;
	[tilespmem:$0x1E600] =	vst v63  }
.LBB2_9:
0xff: {  	_ =	sfence.sel $0x180000  }
0x100: {  	[bflag:$0x0] =	sbarrier.arrive $0xFFFF  }
0x101: {  	_ =	strace $0x9000004A  }
0x102: {  	s0 =	stileid.u32;
	[bflag:$0x2] =	sbarrier.arrive $0xFFFF  }
0x103: {  	p0 =	sne.s32 s0, $0x0;
	s0 =	rddreg [dreg:$0x3]  }
0x104: {  	s0 =	sadd.s32 @!p0 $0x100000, s0  }
0x105: {  	[sflag:s0] =	ssyncadd.tile.s32 @!p0 $0x1;
	_ =	shalt  }
.Lfunc_end2:
_tile_overlayer_lowered:
.L_overlay_start_2:
0x106: {  	(tag) =	ssettag $0x2  }
0x107: {  	s0 =	rddreg [dreg:$0x0];
	s2 =	stileid.u32  }
0x108: {  	s1 =	rddreg [dreg:$0x1];
	p0 =	sne.s32 s2, $0x0  }
0x109: {  	s3 =	rddreg [dreg:$0x2];
	[bflag:$0x3] =	sbarrier.arrive $0xFFFF;
	s2 =	simm.s32 @!p0 $0x1C0D  }
0x10a: {  	[timem:s3], [sflag:s2] =	dma.local @!p0 [hbm:s0], s1  }
0x10b: {  	s0 =	simm.s32 @!p0 $0xD  }
0x10c: {  	_ =	swait.ge @!p0 [sflag:s0], s1  }
0x10d: {  	s1 =	ssub.s32 @!p0 $0x0, s1;
	[sflag:s0] =	ssyncset.done @!p0 $0x0  }
0x10e: {  	[sflag:s0] =	ssyncadd.s32 @!p0 s1  }
0x10f: {  	[bflag:$0x3] =	sbarrier.arrive $0xFFFF  }
0x110: {  	_ =	shalt  }

// kernel: kernel.7.cloned.1.call-start
scs
__scs_entry_jumppad:
0x0: {  	(pc) =	sbr.rel $0x88, $3  }
0x1: {  	(tag) =	ssettag $0x0;
	lr =	simm.s32 $0x1  }
0x2: {  	[smem:$0x3F9D] =	sst lr;
	_ =	strace $0xD0000000  }
0x3: {  	_ = 	snop  }
0x4: {  	_ = 	snop  }
0x5: {  	_ = 	snop  }
0x6: {  	_ = 	snop  }
0x7: {  	_ = 	snop  }
__scs_overlays_trampoline_lowered:
0x8: {  	[smem:$0x3FAC] =	sst s0  }
0x9: {  	[smem:$0x3FAD] =	sst s1  }
0xa: {  	[smem:$0x3FAE] =	sst s2  }
0xb: {  	[smem:$0x3FAF] =	sst s3  }
0xc: {  	[smem:$0x3FB0] =	sst s4  }
0xd: {  	[smem:$0x3FB1] =	sst s5  }
0xe: {  	[smem:$0x3FB2] =	sst s6  }
0xf: {  	[smem:$0x3FB3] =	sst s7  }
0x10: {  	[smem:$0x3FB4] =	sst s8  }
0x11: {  	[smem:$0x3FB5] =	sst s9;
	s0 =	simm.s32 @!p0 $0x0  }
0x12: {  	s1 =	sld [smem:$0x3F9B];
	s0 =	simm.s32 @p0 $0x1  }
0x13: {  	[smem:$0x3FB6] =	sst s0;
	s0 =	simm.s32 @!p1 $0x0  }
0x14: {  	s2 =	sld [smem:$0x3F9A];
	s0 =	simm.s32 @p1 $0x1  }
0x15: {  	[smem:$0x3FB7] =	sst s0;
	s0 =	simm.s32 @!p2 $0x0  }
0x16: {  	s3 =	sld [smem:$0x3FDB];
	s0 =	simm.s32 @p2 $0x1  }
0x17: {  	s4 =	simm.s32 $0x1BF5;
	[smem:$0x3FB9] =	sst s0  }
0x18: {  	s0 =	sld [smem:$0x3F9C];
	_ =	swait.ge [sflag:s4], $0x0  }
0x19: {  	s7 =	sld [smem:$0x3F9D]  }
0x1a: {  	s8 =	sadd.s32 $0xFFFFE003, lr  }
0x1b: {  	s9 =	sadd.s32 $0xFFFFFEF7, lr;
	s5 =	simm.s32 $0xFFFFFFFF;
	p2 =	slt.u32 s8, $0xFFFFF086  }
0x1c: {  	p1 =	slt.u32 s9, $0xF7A;
	s5 =	simm.s32 @!p2 $0x0  }
0x1d: {  	s5 =	simm.s32 @p1 $0x1;
	p0 =	seq.s32 s7, s2  }
0x1e: {  	s7 =	smul.u32 @!p0 $0xF7A, s2;
	p2 =	seq.s32 @!p0 s5, $0x0  }
0x1f: {  	s9 =	smul.u32 $0xF7A, s1;
	s8 =	simm.s32 @!p0 $0x1BF5;
	p2 =	por !p2, p0  }
0x20: {  	[sflag:s8] =	ssyncset.s32 @!p0 $0xFFFFF086;
	s6 =	sadd.s32 @!p0 s3, s7;
	s7 =	simm.s32 @!p0 $0x108  }
0x21: {  	s3 =	sadd.s32 s3, s9;
	s6 =	sadd.s32 @!p0 $0x88, s6;
	s7 =	simm.s32 @p2 $0x1082  }
0x22: {  	[simem:s7], [sflag:s8] =	dma.local @!p0 [hbm:s6], $0xF7A  }
0x23: {  	s9 =	sor.u32 $0xD0000000, s2;
	s6 =	simm.s32 $0x108;
	_ =	swait.ge @!p0 [sflag:s8], $0x0  }
0x24: {  	s3 =	sadd.s32 $0x88, s3;
	s6 =	simm.s32 @!p1 $0x1082;
	[sflag:s4] =	ssyncset.s32 $0xFFFFF086  }
0x25: {  	[simem:s6], [sflag:s4] =	dma.local [hbm:s3], $0xF7A  }
0x26: {  	[smem:$0x3F9D] =	sst s1;
	(tag) =	ssettag s2;
	_ =	strace s9  }
0x27: {  	s1 =	sld [smem:$0x3FAD]  }
0x28: {  	s2 =	sld [smem:$0x3FAE]  }
0x29: {  	s4 =	sld [smem:$0x3FB0]  }
0x2a: {  	p0 =	seq.s32 s5, $0x0;
	s5 =	sld [smem:$0x3FB1]  }
0x2b: {  	s6 =	sld [smem:$0x3FB2]  }
0x2c: {  	s7 =	sld [smem:$0x3FB3]  }
0x2d: {  	s3 =	simm.s32 $0x108;
	s8 =	sld [smem:$0x3FB4]  }
0x2e: {  	s3 =	simm.s32 @!p0 $0x1082;
	s9 =	sld [smem:$0x3FB5]  }
0x2f: {  	lr =	sadd.s32 s0, s3;
	s0 =	sld [smem:$0x3FAC]  }
0x30: {  	s3 =	sld [smem:$0x3FAF]  }
0x31: {  	[smem:$0x3FB8] =	sst s10  }
0x32: {  	s10 =	sld [smem:$0x3FB6];
	_ =	sdelay $0x3  }
0x33: {  	p0 =	seq.s32 s10, $0x1;
	s10 =	sld [smem:$0x3FB8];
	_ =	sdelay $0x3  }
0x34: {  	[smem:$0x3FB8] =	sst s10  }
0x35: {  	s10 =	sld [smem:$0x3FB7];
	_ =	sdelay $0x3  }
0x36: {  	p1 =	seq.s32 s10, $0x1;
	s10 =	sld [smem:$0x3FB8];
	_ =	sdelay $0x3  }
0x37: {  	[smem:$0x3FB8] =	sst s10  }
0x38: {  	s10 =	sld [smem:$0x3FB9]  }
0x39: {  	_ = 	snop;
	(pc) =	sbr.ind lr, $3  }
0x3a: {  	_ = 	snop  }
0x3b: {  	_ = 	snop  }
0x3c: {  	p2 =	seq.s32 s10, $0x1;
	s10 =	sld [smem:$0x3FB8]  }
0x3d: {  	_ =	shalt  }
0x3e: {  	_ =	shalt  }
0x3f: {  	_ =	shalt  }
0x40: {  	_ =	shalt  }
0x41: {  	_ =	shalt  }
0x42: {  	_ =	shalt  }
0x43: {  	_ =	shalt  }
0x44: {  	_ =	shalt  }
0x45: {  	_ =	shalt  }
0x46: {  	_ =	shalt  }
0x47: {  	_ =	shalt  }
0x48: {  	_ =	shalt  }
0x49: {  	_ =	shalt  }
0x4a: {  	_ =	shalt  }
0x4b: {  	_ =	shalt  }
0x4c: {  	_ =	shalt  }
0x4d: {  	_ =	shalt  }
0x4e: {  	_ =	shalt  }
0x4f: {  	_ =	shalt  }
0x50: {  	_ =	shalt  }
0x51: {  	_ =	shalt  }
0x52: {  	_ =	shalt  }
0x53: {  	_ =	shalt  }
0x54: {  	_ =	shalt  }
0x55: {  	_ =	shalt  }
0x56: {  	_ =	shalt  }
0x57: {  	_ =	shalt  }
0x58: {  	_ =	shalt  }
0x59: {  	_ =	shalt  }
0x5a: {  	_ =	shalt  }
0x5b: {  	_ =	shalt  }
0x5c: {  	_ =	shalt  }
0x5d: {  	_ =	shalt  }
0x5e: {  	_ =	shalt  }
0x5f: {  	_ =	shalt  }
0x60: {  	_ =	shalt  }
0x61: {  	_ =	shalt  }
0x62: {  	_ =	shalt  }
0x63: {  	_ =	shalt  }
0x64: {  	_ =	shalt  }
0x65: {  	_ =	shalt  }
0x66: {  	_ =	shalt  }
0x67: {  	_ =	shalt  }
0x68: {  	_ =	shalt  }
0x69: {  	_ =	shalt  }
0x6a: {  	_ =	shalt  }
0x6b: {  	_ =	shalt  }
0x6c: {  	_ =	shalt  }
0x6d: {  	_ =	shalt  }
0x6e: {  	_ =	shalt  }
0x6f: {  	_ =	shalt  }
0x70: {  	_ =	shalt  }
0x71: {  	_ =	shalt  }
0x72: {  	_ =	shalt  }
0x73: {  	_ =	shalt  }
0x74: {  	_ =	shalt  }
0x75: {  	_ =	shalt  }
0x76: {  	_ =	shalt  }
0x77: {  	_ =	shalt  }
0x78: {  	_ =	shalt  }
0x79: {  	_ =	shalt  }
0x7a: {  	_ =	shalt  }
0x7b: {  	_ =	shalt  }
0x7c: {  	_ =	shalt  }
0x7d: {  	_ =	shalt  }
0x7e: {  	_ =	shalt  }
0x7f: {  	_ =	shalt  }
0x80: {  	_ =	shalt  }
0x81: {  	_ =	shalt  }
0x82: {  	_ =	shalt  }
0x83: {  	_ =	shalt  }
0x84: {  	_ =	shalt  }
0x85: {  	_ =	shalt  }
0x86: {  	_ =	shalt  }
0x87: {  	_ =	shalt  }
.Lfunc_end0:
.L_simem_size_0:
called_computation_lowered:
.L_overlay_start_0:
0x88: {  	s2 =	sld [smem:$0x3FD9]  }
0x89: {  	s3 =	sld [smem:$0x3FFE];
	_ =	sdelay $0x1  }
0x8a: {  	s1 =	srdreg.scid  }
0x8b: {  	s0 =	sand.u32 $0x1, s1  }
0x8c: {  	s17 =	sshll.u32 s0, $0xA;
	s2 =	sadd.s32 s3, s2  }
0x8d: {  	s2 =	sadd.s32 s2, s17  }
0x8e: {  	[smem:$0x3FC4] =	sst s2  }
0x8f: {  	_ = 	snop  }
0x90: {  	s2 =	sld [smem:$0x3FD0];
	(tm) =	ssettm $0x1  }
0x91: {  	s18 =	sld [smem:$0x3FFB];
	_ =	sdelay $0x3  }
0x92: {  	_ =	strace s18  }
0x93: {  	s3 =	sld [smem:$0x3FFC];
	_ =	sdelay $0x3  }
0x94: {  	_ =	strace s3  }
0x95: {  	s3 =	sld [smem:$0x3FFD];
	_ =	sdelay $0x3  }
0x96: {  	_ =	strace s3  }
0x97: {  	_ =	strace $0x8FFFFFFF  }
0x98: {  	s19 =	sld [smem:$0x3FDB];
	_ =	sdelay $0x1  }
0x99: {  	s4 =	simm.s32 $_scs_section_size  }
0x9a: {  	s5 =	simm.s32 $_size__tile_overlayer_lowered;
	s6 =	simm.s32 $_tile_overlayer_lowered  }
0x9b: {  	s22 =	simm.s32 $0x1BFF;
	s21 =	sshll.u32 s6, $0x1;
	s3 =	sadd.s32 s4, s19  }
0x9c: {  	s7 =	simm.s32 $0x0;
	s20 =	sshll.u32 s5, $0x1;
	s5 =	sadd.s32 s21, s3  }
0x9d: {  	[timem:s7], [sflag:s22] =	dma.local [hbm:s5], s20  }
0x9e: {  	_ =	swait.ge [sflag:s22], s20  }
0x9f: {  	s4 =	ssub.s32 $0x0, s20;
	[sflag:s22] =	ssyncset.done $0x0  }
0xa0: {  	[sflag:s22] =	ssyncadd.s32 s4;
	_ =	sdelay $0x1  }
0xa1: {  	s23 =	simm.s32 $0x1B8B  }
0xa2: {  	_ =	swait.ge [sflag:s23], $0x1  }
0xa3: {  	[sflag:s23] =	ssyncset.done $0x0  }
0xa4: {  	s25 =	simm.s32 $0x1B8E;
	s24 =	sld [smem:$0x3FFE];
	[sflag:s23] =	ssyncadd.s32 $0xFFFFFFFF  }
0xa5: {  	s26 =	simm.s32 $execute0_lowered;
	[smem:$0x3FD2] =	sst s25  }
0xa6: {  	s5 =	sshll.u32 s26, $0x1;
	_ =	strace $0x80000046;
	[dreg:$0x1] =	wrdreg $0xFFFFFFFF  }
0xa7: {  	s28 =	simm.s32 $_size_execute0_lowered;
	s3 =	sadd.s32 s3, s5;
	[dreg:$0x0] =	wrdreg $0x0  }
0xa8: {  	s5 =	sshll.u32 s28, $0x1;
	[dreg:$0x2] =	wrdreg s3  }
0xa9: {  	[dreg:$0x3] =	wrdreg s5  }
0xaa: {  	[dreg:$0x4] =	wrdreg $0xC0  }
0xab: {  	_ =	task [dreg:s7], $0x5FFFF  }
0xac: {  	[dreg:$0x1] =	wrdreg $0xFFFFFFFF  }
0xad: {  	[dreg:$0x0] =	wrdreg $0x60  }
0xae: {  	[dreg:$0x2] =	wrdreg s24  }
0xaf: {  	[dreg:$0x3] =	wrdreg s2  }
0xb0: {  	[dreg:$0x4] =	wrdreg $0x43000  }
0xb1: {  	[dreg:$0x5] =	wrdreg $0x9  }
0xb2: {  	_ =	task.clear_ibuf [dreg:s7], $0x6FFFF;
	_ =	strace $0x90000046  }
0xb3: {  	s29 =	simm.s32 $0x9;
	_ =	strace $0x80000048  }
0xb4: {  	_ =	swait.ge [sflag:s29], $0x1  }
0xb5: {  	[sflag:s29] =	ssyncadd.s32 $0xFFFFFFFF  }
0xb6: {  	_ =	strace $0x90000048  }
0xb7: {  	_ =	sfence  }
0xb8: {  	s30 =	sld [smem:$0x0];
	_ =	sdelay $0x2  }
0xb9: {  	s31 =	sshll.u32 s1, $0xD;
	s1 =	sshrl.u32 s1, $0x2  }
0xba: {  	s3 =	sand.u32 $0x4000, s31;
	s1 =	sadd.s32 s1, s30  }
0xbb: {  	s0 =	sor.u32 s3, s0;
	s1 =	sshll.u32 s1, $0x11  }
0xbc: {  	s0 =	sor.u32 s1, s0  }
0xbd: {  	s0 =	sadd.s32 $0x8F2B, s0  }
0xbe: {  	[sflag:s0] =	ssyncadd.remote.s32 $0x1  }
0xbf: {  	_ =	sfence.sel $0xFFFF  }
0xc0: {  	[dreg:$0x0] =	wrdreg $0xFFFFFFFF;
	(pc) =	sbr.abs _section_cstart, $3  }
0xc1: {  	[dreg:$0x1] =	wrdreg $0xFFFFFFFF  }
0xc2: {  	_ =	task.clear_ibuf [dreg:s7], $0x2FFFF;
	_ =	strace $0x9FFFFFFF  }
0xc3: {  	(tm) =	ssettm $0x7FFFFFFF  }
tec
execute0_lowered:
.L_overlay_start_1:
0x0: {  	(tag) =	ssettag $0x1  }
0x1: {  	s4 =	rddreg [dreg:$0x0];
	s1 =	srdreg.scid  }
0x2: {  	s0 =	stileid.u32;
	s6 =	rddreg [dreg:$0x1]  }
0x3: {  	s2 =	rddreg [dreg:$0x2];
	s7 =	smul.u32 $0x4E20, s0  }
0x4: {  	s3 =	simm.s32 $0x0;
	s5 =	sand.u32 $0x1, s1;
	s29 =	smul.u32 $0x280, s0  }
0x5: {  	s11 =	simm.s32 $0x1;
	s12 =	simm.s32 $0x50;
	s8 =	smul.u32 $0x2710, s5  }
0x6: {  	s13 =	simm.s32 $0x4000;
	[smem:$0x7FF] =	sst s3;
	s9 =	smul.u32 $0x2800, s5  }
0x7: {  	s14 =	simm.s32 $0x0;
	s1 =	rddreg [dreg:$0x3];
	_ =	strace $0x80000047  }
0x8: {  	s5 =	ssub.s32 $0x2, s5;
	s7 =	sadd.s32 s8, s7;
	s9 =	sadd.s32 s29, s9  }
0x9: {  	s30 =	sshrl.u32 s5, $0x1;
	s7 =	sshrl.u32 s7, $0x3;
	s31 =	sshrl.u32 s9, $0x3  }
0xa: {  	s9 =	simm.s32 $0x4080;
	s10 =	sadd.s32 s7, s4;
	s4 =	sadd.s32 $0x14C00, s4  }
0xb: {  	s7 =	ssub.s32 s5, s30;
	s5 =	sadd.s32 s29, s2;
	s6 =	sadd.s32 s6, s31  }
0xc: {  	v0 =	vimm.f32 $1.000000000e+00;
	s7 =	smax.u32 s7, $0x1;
	s8 =	sadd.s32 $0xAE00, s10;
	s10 =	simm.s32 $0x2  }
.LBB2_1:
0xd: {  	[tilespmem:$0x4000] =	vst v0  }
0xe: {  	[tilespmem:$0x4010] =	vst v0  }
0xf: {  	[tilespmem:$0x4020] =	vst v0  }
0x10: {  	[tilespmem:$0x4030] =	vst v0  }
0x11: {  	[tilespmem:$0x4040] =	vst v0  }
0x12: {  	[tilespmem:s9], [sflag:$0x2] =	stream.linear.gather [hbm4b:s4+s3], $0x280, $0x38;
	[tilespmem:$0x4580] =	vst v63  }
0x13: {  	_ =	swait.ge [sflag:s10], $0x280  }
0x14: {  	[sflag:s10] =	ssyncset.done $0x0  }
0x15: {  	[sflag:s10] =	ssyncadd.s32 $0xFFFFFD80  }
0x16: {  	[spmem:s5] =	stream.linear.scatter [tilespmem:s9], [sflag:$0x2], $0x280, $0x38;
	[tilespmem:$0x4580] =	vst v63  }
0x17: {  	_ =	swait.ge [sflag:s10], $0x280  }
0x18: {  	[sflag:s10] =	ssyncset.done $0x0  }
0x19: {  	s15 =	simm.s32 $0x0;
	s16 =	simm.s32 $0x0;
	[sflag:s10] =	ssyncadd.s32 $0xFFFFFD80  }
.LBB2_2:
0x1a: {  	p0 =	sne.s32 s16, $0x4D8  }
.Ltmp0:
0x1b: {  	_ = 	snop;
	(pc) =	sbr.rel @p0 .LBB2_2-.Ltmp0, $4  }
0x1c: {  	_ = 	snop  }
0x1d: {  	s17 =	sadd.s32 s16, s8  }
0x1e: {  	[tilespmem:s15], [sflag:$0x1] =	stream.linear.gather [hbm4b:s17+s3], $0x50, $0x38;
	[tilespmem:$0x4580] =	vst v63  }
0x1f: {  	s16 =	sadd.s32 $0xA, s16;
	s15 =	sadd.s32 $0x80, s15  }
0x20: {  	_ =	swait.ge [sflag:s11], $0x50  }
0x21: {  	s15 =	simm.s32 $0x7C;
	[sflag:s11] =	ssyncset.done $0x0  }
.LBB2_4:
0x22: {  	p0 =	sne.s32 s15, $0x1;
	s15 =	sadd.s32 $0xFFFFFFFF, s15;
	[sflag:s11] =	ssyncadd.s32 $0xFFFFFFB0  }
.Ltmp1:
0x23: {  	(pc) =	sbr.rel @p0 .LBB2_4-.Ltmp1, $3  }
0x24: {  	_ =	sdelay $0x1  }
0x25: {  	_ =	swait.ge [sflag:s11], $0x50  }
0x26: {  	[sflag:s11] =	ssyncset.done $0x0  }
0x27: {  	[sflag:s11] =	ssyncadd.s32 $0xFFFFFFB0  }
0x28: {  	s15 =	simm.s32 $0x0;
	[bflag:$0x0] =	sbarrier.arrive $0xFFFF  }
.LBB2_6:
0x29: {  	p0 =	sne.s32 s15, $0xF800  }
.Ltmp2:
0x2a: {  	_ = 	snop;
	(pc) =	sbr.rel @p0 .LBB2_6-.Ltmp2, $3  }
0x2b: {  	_ =	sdelay $0x1  }
0x2c: {  	s16 =	sshra.s32 s15, $0x2;
	s15 =	sadd.s32 $0x200, s15  }
0x2d: {  	[spmem:s2] =	stream.indirect.scatter.add.f32 [tilespmem:s13], [sflag:$0x1], $0x1, s16, s12, $0xb8;
	[tilespmem:$0x4580] =	vst v63  }
0x2e: {  	_ =	swait.ge [sflag:s11], $0x50  }
0x2f: {  	s15 =	simm.s32 $0x7C;
	[sflag:s11] =	ssyncset.done $0x0  }
.LBB2_8:
0x30: {  	p0 =	sne.s32 s15, $0x1;
	s15 =	sadd.s32 $0xFFFFFFFF, s15;
	[sflag:s11] =	ssyncadd.s32 $0xFFFFFFB0  }
.Ltmp3:
0x31: {  	(pc) =	sbr.rel @p0 .LBB2_8-.Ltmp3, $3  }
0x32: {  	_ =	sdelay $0x1  }
0x33: {  	_ =	swait.ge [sflag:s11], $0x50  }
0x34: {  	[sflag:s11] =	ssyncset.done $0x0  }
0x35: {  	[sflag:s11] =	ssyncadd.s32 $0xFFFFFFB0  }
0x36: {  	[bflag:$0x0] =	sbarrier.arrive $0xFFFF  }
0x37: {  	[tilespmem:s9], [sflag:$0x2] =	stream.linear.gather [spmem:s5], $0x280, $0x38;
	[tilespmem:$0x4580] =	vst v63  }
0x38: {  	s14 =	sadd.s32 $0x1, s14;
	_ =	swait.ge [sflag:s10], $0x280  }
0x39: {  	p0 =	sne.s32 s14, s7;
	[sflag:s10] =	ssyncset.done $0x0  }
.Ltmp4:
0x3a: {  	[sflag:s10] =	ssyncadd.s32 $0xFFFFFD80;
	(pc) =	sbr.rel @p0 .LBB2_1-.Ltmp4, $4  }
0x3b: {  	[hbm4b:s6+s3] =	stream.linear.scatter [tilespmem:s9], [sflag:$0x2], $0x280, $0x38;
	[tilespmem:$0x4580] =	vst v63  }
0x3c: {  	_ =	swait.ge [sflag:s10], $0x280  }
0x3d: {  	[sflag:s10] =	ssyncset.done $0x0  }
0x3e: {  	[sflag:s10] =	ssyncadd.s32 $0xFFFFFD80  }
0x3f: {  	_ =	sfence.sel $0x180000  }
0x40: {  	[bflag:$0x0] =	sbarrier.arrive $0xFFFF  }
0x41: {  	p0 =	sne.s32 s0, $0x0;
	_ =	strace $0x90000047  }
0x42: {  	s0 =	sadd.s32 @!p0 $0x100000, s1;
	[bflag:$0x2] =	sbarrier.arrive $0xFFFF  }
0x43: {  	[sflag:s0] =	ssyncadd.tile.s32 @!p0 $0x1;
	_ =	shalt  }
.Lfunc_end2:
_tile_overlayer_lowered:
.L_overlay_start_2:
0x44: {  	(tag) =	ssettag $0x2  }
0x45: {  	s0 =	rddreg [dreg:$0x0];
	s2 =	stileid.u32  }
0x46: {  	s1 =	rddreg [dreg:$0x1];
	p0 =	sne.s32 s2, $0x0  }
0x47: {  	s3 =	rddreg [dreg:$0x2];
	[bflag:$0x3] =	sbarrier.arrive $0xFFFF;
	s2 =	simm.s32 @!p0 $0x1C02  }
0x48: {  	[timem:s3], [sflag:s2] =	dma.local @!p0 [hbm:s0], s1  }
0x49: {  	s0 =	simm.s32 @!p0 $0x2  }
0x4a: {  	_ =	swait.ge @!p0 [sflag:s0], s1  }
0x4b: {  	s1 =	ssub.s32 @!p0 $0x0, s1;
	[sflag:s0] =	ssyncset.done @!p0 $0x0  }
0x4c: {  	[sflag:s0] =	ssyncadd.s32 @!p0 s1  }
0x4d: {  	[bflag:$0x3] =	sbarrier.arrive $0xFFFF  }
0x4e: {  	_ =	shalt  }

</sc_bundles>
